<compile_context>
chip_gen: v7x
topology: tpu7x:2x2x1
jax: 0.10.2.dev20260603
libtpu: 0.0.44.dev20260713+nightly
codegen_flags: <defaults>
</compile_context>

<pallas_src>
import dataclasses
import functools
import math

import jax
import jax.numpy as jnp
from jax import lax
from jax.experimental import pallas as pl
from jax.experimental.pallas import tpu as pltpu
from jax.experimental.pallas import tpu_sc as plsc

XPAD = 4


def _pack_bf16_pair(lo_f32, hi_f32):
    lo = lax.convert_element_type(
        lax.bitcast_convert_type(lo_f32.astype(jnp.bfloat16), jnp.uint16), jnp.uint32)
    hi = lax.convert_element_type(
        lax.bitcast_convert_type(hi_f32.astype(jnp.bfloat16), jnp.uint16), jnp.uint32)
    return lax.bitcast_convert_type((hi << 16) | lo, jnp.int32)


def _unpack_bf16_pair(packed_i32):
    u = lax.bitcast_convert_type(packed_i32, jnp.uint32)
    lo = lax.bitcast_convert_type(
        lax.convert_element_type(u & jnp.uint32(0xFFFF), jnp.uint16), jnp.bfloat16)
    hi = lax.bitcast_convert_type(
        lax.convert_element_type(u >> 16, jnp.uint16), jnp.bfloat16)
    return lo.astype(jnp.float32), hi.astype(jnp.float32)


def _build_table(x2, Wk, bk, Wv, bv, BT):
    NT, C = x2.shape

    def body(x_ref, wk_ref, bk_ref, wv_ref, bv_ref, tab_ref):
        xb = x_ref[...].astype(jnp.bfloat16)
        kf = jnp.dot(xb, wk_ref[...].astype(jnp.bfloat16),
                     preferred_element_type=jnp.float32) + bk_ref[...]
        vf = jnp.dot(xb, wv_ref[...].astype(jnp.bfloat16),
                     preferred_element_type=jnp.float32) + bv_ref[...]
        tab_ref[...] = _pack_bf16_pair(kf, vf)

    grid = (NT // BT,)
    return pl.pallas_call(
        body,
        grid=grid,
        in_specs=[
            pl.BlockSpec((BT, C), lambda i: (i, 0)),
            pl.BlockSpec((C, C), lambda i: (0, 0)),
            pl.BlockSpec((1, C), lambda i: (0, 0)),
            pl.BlockSpec((C, C), lambda i: (0, 0)),
            pl.BlockSpec((1, C), lambda i: (0, 0)),
        ],
        out_specs=pl.BlockSpec((BT, C), lambda i: (i, 0)),
        out_shape=jax.ShapeDtypeStruct((NT, C), jnp.int32),
    )(x2, Wk, bk, Wv, bv)


def _sc_gather(table, idx_flat, xyzT, N, K, batch):
    ROWS = idx_flat.shape[0]
    C = table.shape[1]
    NW = 32
    CH = 128
    L = 16
    RPW = ROWS // NW
    NCH = RPW // CH
    mesh = plsc.VectorSubcoreMesh(core_axis_name="c", subcore_axis_name="s")
    cp = pltpu.CompilerParams()
    if "needs_layout_passes" in pltpu.CompilerParams.__dataclass_fields__:
        cp = dataclasses.replace(cp, needs_layout_passes=False)

    @functools.partial(
        pl.kernel,
        compiler_params=cp,
        out_type=[
            jax.ShapeDtypeStruct((ROWS, C), jnp.int32),
            jax.ShapeDtypeStruct((ROWS, XPAD), jnp.float32),
        ],
        mesh=mesh,
        scratch_types=[
            pltpu.VMEM((N,), jnp.float32),
            pltpu.VMEM((N,), jnp.float32),
            pltpu.VMEM((N,), jnp.float32),
            pltpu.VMEM((CH,), jnp.int32),
            pltpu.VMEM((CH,), jnp.int32),
            pltpu.VMEM((CH, C), jnp.int32),
            pltpu.VMEM((CH, C), jnp.int32),
            pltpu.VMEM((CH, XPAD), jnp.float32),
            pltpu.VMEM((CH, XPAD), jnp.float32),
            pltpu.SemaphoreType.DMA,
            pltpu.SemaphoreType.DMA,
            pltpu.SemaphoreType.DMA,
            pltpu.SemaphoreType.DMA,
            pltpu.SemaphoreType.DMA,
            pltpu.SemaphoreType.DMA,
        ],
    )
    def gather_k(tab_hbm, idx_hbm, xyzT_hbm, out_hbm, nx_hbm,
                 cx_v, cy_v, cz_v, idx0, idx1, rows0, rows1, nx0, nx1,
                 is0, is1, gs0, gs1, ws0, ws1):
        idx_v = (idx0, idx1)
        rows_v = (rows0, rows1)
        nx_v = (nx0, nx1)
        isem = (is0, is1)
        gsem = (gs0, gs1)
        wsem = (ws0, ws1)
        wid = lax.axis_index("s") * 2 + lax.axis_index("c")
        base = wid * RPW

        pltpu.sync_copy(xyzT_hbm.at[pl.ds((batch * 3 + 0) * N, N)], cx_v)
        pltpu.sync_copy(xyzT_hbm.at[pl.ds((batch * 3 + 1) * N, N)], cy_v)
        pltpu.sync_copy(xyzT_hbm.at[pl.ds((batch * 3 + 2) * N, N)], cz_v)

        zeros = jnp.zeros((L,), jnp.float32)

        def idx_src(i):
            return idx_hbm.at[pl.ds(base + i * CH, CH)]

        def rows_dst(i):
            return out_hbm.at[pl.ds(base + i * CH, CH)]

        def nx_dst(i):
            return nx_hbm.at[pl.ds(base + i * CH, CH)]

        def compute_nx(s):
            for j in range(CH // L):
                nb = idx_v[s][pl.ds(j * L, L)]
                rows16 = lax.iota(jnp.int32, L) + (j * L)
                gx = plsc.load_gather(cx_v, [nb])
                gy = plsc.load_gather(cy_v, [nb])
                gz = plsc.load_gather(cz_v, [nb])
                plsc.store_scatter(nx_v[s], [rows16, jnp.full((L,), 0, jnp.int32)], gx)
                plsc.store_scatter(nx_v[s], [rows16, jnp.full((L,), 1, jnp.int32)], gy)
                plsc.store_scatter(nx_v[s], [rows16, jnp.full((L,), 2, jnp.int32)], gz)
                plsc.store_scatter(nx_v[s], [rows16, jnp.full((L,), 3, jnp.int32)], zeros)

        pltpu.async_copy(idx_src(0), idx_v[0], isem[0])

        @pl.loop(0, NCH, step=2)
        def _(i0):
            for par in range(2):
                s, o = par, 1 - par
                i = i0 + par
                @pl.when(i >= 1)
                def _():
                    pltpu.make_async_copy(
                        tab_hbm.at[idx_v[o]], rows_v[o], gsem[o]).wait()
                    pltpu.async_copy(rows_v[o], rows_dst(i - 1), wsem[o])
                    pltpu.async_copy(nx_v[o], nx_dst(i - 1), wsem[o])
                @pl.when(i + 1 < NCH)
                def _():
                    pltpu.async_copy(idx_src(i + 1), idx_v[o], isem[o])
                @pl.when(i >= 2)
                def _():
                    pltpu.make_async_copy(rows_v[s], rows_dst(i - 2), wsem[s]).wait()
                    pltpu.make_async_copy(nx_v[s], nx_dst(i - 2), wsem[s]).wait()
                pltpu.make_async_copy(idx_src(i), idx_v[s], isem[s]).wait()
                compute_nx(s)
                pltpu.async_copy(tab_hbm.at[idx_v[s]], rows_v[s], gsem[s])

        last = NCH - 1
        sl = last % 2
        pltpu.make_async_copy(tab_hbm.at[idx_v[sl]], rows_v[sl], gsem[sl]).wait()
        pltpu.async_copy(rows_v[sl], rows_dst(last), wsem[sl])
        pltpu.async_copy(nx_v[sl], nx_dst(last), wsem[sl])
        pltpu.make_async_copy(rows_v[1 - sl], rows_dst(last - 1), wsem[1 - sl]).wait()
        pltpu.make_async_copy(nx_v[1 - sl], nx_dst(last - 1), wsem[1 - sl]).wait()
        pltpu.make_async_copy(rows_v[sl], rows_dst(last), wsem[sl]).wait()
        pltpu.make_async_copy(nx_v[sl], nx_dst(last), wsem[sl]).wait()

    return gather_k(table, idx_flat, xyzT)


def _attention(x, xyzp3, gath3, nx3, Wq, bq, Wm1p, bm1, Wm2r, bm2r, Wo, bo,
               hd, BP):
    N, C = x.shape
    K = gath3.shape[0] // N
    scale = 1.0 / math.sqrt(hd)

    def body(x_ref, xyz_ref, g_ref, nx_ref, wq_ref, bq_ref, wm1_ref, bm1_ref,
             wm2_ref, bm2_ref, wo_ref, bo_ref, o_ref):
        bf = jnp.bfloat16
        xb = x_ref[...]
        q = jnp.dot(xb, wq_ref[...], preferred_element_type=jnp.float32) + bq_ref[...]
        q_bf = q.astype(bf)
        u = lax.bitcast_convert_type(g_ref[...], jnp.uint32)
        kn_bf = lax.bitcast_convert_type(
            lax.convert_element_type(u & jnp.uint32(0xFFFF), jnp.uint16), bf)
        vn_bf = lax.bitcast_convert_type(
            lax.convert_element_type(u >> 16, jnp.uint16), bf)

        nx = nx_ref[...]
        rel = xyz_ref[...][:, None, :] - nx.reshape(BP, K, XPAD)
        rel_bf = rel.reshape(BP * K, XPAD).astype(bf)
        h1 = jnp.dot(rel_bf, wm1_ref[...].astype(bf),
                     preferred_element_type=jnp.float32) + bm1_ref[...]
        h1_bf = jnp.maximum(h1, 0.0).astype(bf)
        hb = jnp.dot(h1_bf, wm2_ref[...].astype(bf),
                     preferred_element_type=jnp.float32) + bm2_ref[...]

        ce = lax.broadcasted_iota(jnp.int32, (C, C), 0) // hd
        je = lax.broadcasted_iota(jnp.int32, (C, C), 1) // hd
        E2 = jnp.where(ce == je, scale, 0.0).astype(bf)
        prod = (kn_bf.reshape(BP, K, C) * q_bf[:, None, :]).reshape(BP * K, C)
        s = jnp.dot(prod, E2, preferred_element_type=jnp.float32) + hb

        s3 = s.reshape(BP, K, C)
        m = jnp.max(s3, axis=1, keepdims=True)
        e = jnp.exp(s3 - m)
        den = jnp.sum(e, axis=1, keepdims=True)
        attn_bf = (e / den).astype(bf)

        oa = (attn_bf * vn_bf.reshape(BP, K, C)).sum(axis=1).astype(jnp.float32)
        o_ref[...] = jnp.dot(oa, wo_ref[...], preferred_element_type=jnp.float32) + bo_ref[...]

    grid = (N // BP,)
    return pl.pallas_call(
        body,
        grid=grid,
        in_specs=[
            pl.BlockSpec((BP, C), lambda i: (i, 0)),
            pl.BlockSpec((BP, XPAD), lambda i: (i, 0)),
            pl.BlockSpec((BP * K, C), lambda i: (i, 0)),
            pl.BlockSpec((BP * K, XPAD), lambda i: (i, 0)),
            pl.BlockSpec((C, C), lambda i: (0, 0)),
            pl.BlockSpec((1, C), lambda i: (0, 0)),
            pl.BlockSpec((XPAD, 32), lambda i: (0, 0)),
            pl.BlockSpec((1, 32), lambda i: (0, 0)),
            pl.BlockSpec((32, C), lambda i: (0, 0)),
            pl.BlockSpec((1, C), lambda i: (0, 0)),
            pl.BlockSpec((C, C), lambda i: (0, 0)),
            pl.BlockSpec((1, C), lambda i: (0, 0)),
        ],
        out_specs=pl.BlockSpec((BP, C), lambda i: (i, 0)),
        out_shape=jax.ShapeDtypeStruct((N, C), jnp.float32),
    )(x, xyzp3, gath3, nx3, Wq, bq, Wm1p, bm1, Wm2r, bm2r, Wo, bo)


def kernel(x, xyz, idx, Wq, bq, Wk, bk, Wv, bv, Wo, bo, Wm1, bm1, Wm2, bm2):
    B, N, C = x.shape
    K = idx.shape[2]
    H = Wm2.shape[1]

    xyzT = jnp.transpose(xyz, (0, 2, 1)).reshape(B * 3 * N)
    xyzp = jnp.pad(xyz, ((0, 0), (0, 0), (0, XPAD - 3)))
    Wm1p = jnp.pad(Wm1, ((0, XPAD - 3), (0, 0)))

    hd = C // H
    Wm2r = jnp.repeat(Wm2, hd, axis=1)
    bm2r = jnp.repeat(bm2.reshape(1, H), hd, axis=1)

    idx3 = idx.reshape(B, N * K).astype(jnp.int32)
    outs = []
    for b in range(B):
        table_b = _build_table(x[b], Wk, bk.reshape(1, C),
                               Wv, bv.reshape(1, C), BT=1024)
        gath_b, nx_b = _sc_gather(table_b, idx3[b], xyzT, N, K, b)
        out_b = _attention(x[b], xyzp[b], gath_b, nx_b,
                           Wq, bq.reshape(1, C), Wm1p, bm1.reshape(1, 32),
                           Wm2r, bm2r, Wo, bo.reshape(1, C), hd=hd, BP=256)
        outs.append(out_b)
    return jnp.stack(outs, axis=0)

# --- scband reference (transcript-rebuilt; emitter-appended) ---
"""Pipeline reference for scband-local-sphere-attention-56040733278768 (READ-ONLY COPY).

The authoritative reference and input builder live on the scoring server;
editing this copy changes nothing except your own understanding.
"""

import jax, jax.numpy as jnp
import numpy as np

B, N, C, H, K = 2, 16384, 128, 8, 16


def setup_inputs(seed: int = 0) -> dict:
    key = jax.random.key(seed)
    ks = jax.random.split(key, 12)
    s = 0.02
    x = jax.random.normal(ks[0], (B, N, C), dtype=jnp.float32)
    xyz = jax.random.uniform(ks[1], (B, N, 3), dtype=jnp.float32)
    idx = jax.random.randint(ks[2], (B, N, K), 0, N)
    Wq = jax.random.normal(ks[3], (C, C), dtype=jnp.float32) * s
    bq = jnp.zeros((C,), dtype=jnp.float32)
    Wk = jax.random.normal(ks[4], (C, C), dtype=jnp.float32) * s
    bk = jnp.zeros((C,), dtype=jnp.float32)
    Wv = jax.random.normal(ks[5], (C, C), dtype=jnp.float32) * s
    bv = jnp.zeros((C,), dtype=jnp.float32)
    Wo = jax.random.normal(ks[6], (C, C), dtype=jnp.float32) * s
    bo = jnp.zeros((C,), dtype=jnp.float32)
    Wm1 = jax.random.normal(ks[7], (3, 32), dtype=jnp.float32) * s
    bm1 = jnp.zeros((32,), dtype=jnp.float32)
    Wm2 = jax.random.normal(ks[8], (32, H), dtype=jnp.float32) * s
    bm2 = jnp.zeros((H,), dtype=jnp.float32)
    return {"x": x, "xyz": xyz, "idx": idx, "Wq": Wq, "bq": bq, "Wk": Wk, "bk": bk,
            "Wv": Wv, "bv": bv, "Wo": Wo, "bo": bo, "Wm1": Wm1, "bm1": bm1,
            "Wm2": Wm2, "bm2": bm2}


def reference(x, xyz, idx, Wq, bq, Wk, bk, Wv, bv, Wo, bo, Wm1, bm1, Wm2, bm2):
    Bn, Nn, Cn = x.shape
    Hn = Wm2.shape[1]
    hd = Cn // Hn
    kk = idx.shape[-1]
    q = (x @ Wq + bq).reshape(Bn, Nn, Hn, hd)
    kf = (x @ Wk + bk).reshape(Bn, Nn, Hn, hd)
    vf = (x @ Wv + bv).reshape(Bn, Nn, Hn, hd)
    bidx = jnp.arange(Bn)[:, None, None]
    kn = kf[bidx, idx]            # [B, N, k, H, hd] gather
    vn = vf[bidx, idx]            # [B, N, k, H, hd] gather
    nxyz = xyz[bidx, idx]         # [B, N, k, 3] gather
    rel = xyz[:, :, None, :] - nxyz
    hbias = jax.nn.relu(rel @ Wm1 + bm1) @ Wm2 + bm2   # [B, N, k, H]
    bias = jnp.transpose(hbias, (0, 3, 1, 2))          # [B, H, N, k]
    qh = jnp.transpose(q, (0, 2, 1, 3))                # [B, H, N, hd]
    knh = jnp.transpose(kn, (0, 3, 1, 2, 4))           # [B, H, N, k, hd]
    vnh = jnp.transpose(vn, (0, 3, 1, 2, 4))           # [B, H, N, k, hd]
    scores = jnp.einsum('bhid,bhikd->bhik', qh, knh) / np.sqrt(hd).astype(np.float32)
    scores = scores + bias
    attn = jax.nn.softmax(scores, axis=-1)
    out = jnp.einsum('bhik,bhikd->bhid', attn, vnh)
    out = jnp.transpose(out, (0, 2, 1, 3)).reshape(Bn, Nn, Cn)
    return out @ Wo + bo

if __name__ == "__main__":
    import jax
    _d = setup_inputs()
    print(jax.jit(kernel)(*tuple(_d.values())))

</pallas_src>

<mosaic_0001>
#map = affine_map<(d0, d1) -> (0, 0)>
#map1 = affine_map<(d0, d1) -> (0)>
module attributes {stable_mosaic.version = 14 : i64} {
  func.func @gather_k(%arg0: i32, %arg1: i32, %arg2: memref<16384x128xi32, #tpu.memory_space<hbm>>, %arg3: memref<262144xi32, #tpu.memory_space<hbm>>, %arg4: memref<98304xf32, #tpu.memory_space<hbm>>, %arg5: memref<262144x128xi32, #tpu.memory_space<hbm>>, %arg6: memref<262144x4xf32, #tpu.memory_space<hbm>>, %arg7: memref<16384xf32, #tpu.memory_space<vmem>>, %arg8: memref<16384xf32, #tpu.memory_space<vmem>>, %arg9: memref<16384xf32, #tpu.memory_space<vmem>>, %arg10: memref<128xi32, #tpu.memory_space<vmem>>, %arg11: memref<128xi32, #tpu.memory_space<vmem>>, %arg12: memref<128x128xi32, #tpu.memory_space<vmem>>, %arg13: memref<128x128xi32, #tpu.memory_space<vmem>>, %arg14: memref<128x4xf32, #tpu.memory_space<vmem>>, %arg15: memref<128x4xf32, #tpu.memory_space<vmem>>, %arg16: memref<!tpu.dma_semaphore, #tpu.memory_space<semaphore_mem>>, %arg17: memref<!tpu.dma_semaphore, #tpu.memory_space<semaphore_mem>>, %arg18: memref<!tpu.dma_semaphore, #tpu.memory_space<semaphore_mem>>, %arg19: memref<!tpu.dma_semaphore, #tpu.memory_space<semaphore_mem>>, %arg20: memref<!tpu.dma_semaphore, #tpu.memory_space<semaphore_mem>>, %arg21: memref<!tpu.dma_semaphore, #tpu.memory_space<semaphore_mem>>) attributes {dimension_semantics = [#tpu.dimension_semantics<core_parallel>, #tpu.dimension_semantics<subcore_parallel>], iteration_bounds = array<i64: 2, 16>, scalar_prefetch = 0 : i64, scratch_operands = 15 : i64, tpu.core_type = #tpu.core_type<sc_vector_subcore>, window_params = [{transform_indices = #map}, {transform_indices = #map1}, {transform_indices = #map1}, {transform_indices = #map}, {transform_indices = #map}]} {
    %mul3A = arith.constant 2 : i32
    %mul3A_0 = arith.muli %arg1, %mul3A : i32
    %add3A = arith.addi %mul3A_0, %arg0 : i32
    %mul3A_1 = arith.constant 8192 : i32
    %mul3A_2 = arith.muli %add3A, %mul3A_1 : i32
    "tpu.region"() ({
      %run_scoped3A = tpu.sem_alloc : memref<!tpu.dma_semaphore, #tpu.memory_space<semaphore_mem>>
      %dma_start3A_49 = arith.constant 0 : i32
      %dma_start3A_50 = tpu.memref_slice %arg4[%dma_start3A_49] : memref<98304xf32, #tpu.memory_space<hbm>> -> memref<16384xf32, #tpu.memory_space<hbm>>
      %dma_start3A_51 = arith.constant 0 : i32
      %dma_start3A_52 = tpu.memref_slice %arg4[%dma_start3A_51] : memref<98304xf32, #tpu.memory_space<hbm>> -> memref<16384xf32, #tpu.memory_space<hbm>>
      tpu.enqueue_dma source(%dma_start3A_52 : memref<16384xf32, #tpu.memory_space<hbm>>) target(%arg7 : memref<16384xf32, #tpu.memory_space<vmem>>) target_semaphore(%run_scoped3A : memref<!tpu.dma_semaphore, #tpu.memory_space<semaphore_mem>>)
      %dma_wait3A_53 = arith.constant 0 : i32
      %dma_wait3A_54 = tpu.memref_slice %arg4[%dma_wait3A_53] : memref<98304xf32, #tpu.memory_space<hbm>> -> memref<16384xf32, #tpu.memory_space<hbm>>
      %dma_wait3A_55 = arith.constant 0 : i32
      %dma_wait3A_56 = tpu.memref_slice %arg4[%dma_wait3A_55] : memref<98304xf32, #tpu.memory_space<hbm>> -> memref<16384xf32, #tpu.memory_space<hbm>>
      tpu.wait_dma2 semaphore(%run_scoped3A : memref<!tpu.dma_semaphore, #tpu.memory_space<semaphore_mem>>) src(%dma_wait3A_56 : memref<16384xf32, #tpu.memory_space<hbm>>) dst(%arg7 : memref<16384xf32, #tpu.memory_space<vmem>>)
      tpu.yield
    }) : () -> ()
    "tpu.region"() ({
      %run_scoped3A = tpu.sem_alloc : memref<!tpu.dma_semaphore, #tpu.memory_space<semaphore_mem>>
      %dma_start3A_49 = arith.constant 16384 : i32
      %dma_start3A_50 = tpu.memref_slice %arg4[%dma_start3A_49] : memref<98304xf32, #tpu.memory_space<hbm>> -> memref<16384xf32, #tpu.memory_space<hbm>>
      %dma_start3A_51 = arith.constant 16384 : i32
      %dma_start3A_52 = tpu.memref_slice %arg4[%dma_start3A_51] : memref<98304xf32, #tpu.memory_space<hbm>> -> memref<16384xf32, #tpu.memory_space<hbm>>
      tpu.enqueue_dma source(%dma_start3A_52 : memref<16384xf32, #tpu.memory_space<hbm>>) target(%arg8 : memref<16384xf32, #tpu.memory_space<vmem>>) target_semaphore(%run_scoped3A : memref<!tpu.dma_semaphore, #tpu.memory_space<semaphore_mem>>)
      %dma_wait3A_53 = arith.constant 16384 : i32
      %dma_wait3A_54 = tpu.memref_slice %arg4[%dma_wait3A_53] : memref<98304xf32, #tpu.memory_space<hbm>> -> memref<16384xf32, #tpu.memory_space<hbm>>
      %dma_wait3A_55 = arith.constant 16384 : i32
      %dma_wait3A_56 = tpu.memref_slice %arg4[%dma_wait3A_55] : memref<98304xf32, #tpu.memory_space<hbm>> -> memref<16384xf32, #tpu.memory_space<hbm>>
      tpu.wait_dma2 semaphore(%run_scoped3A : memref<!tpu.dma_semaphore, #tpu.memory_space<semaphore_mem>>) src(%dma_wait3A_56 : memref<16384xf32, #tpu.memory_space<hbm>>) dst(%arg8 : memref<16384xf32, #tpu.memory_space<vmem>>)
      tpu.yield
    }) : () -> ()
    "tpu.region"() ({
      %run_scoped3A = tpu.sem_alloc : memref<!tpu.dma_semaphore, #tpu.memory_space<semaphore_mem>>
      %dma_start3A_49 = arith.constant 32768 : i32
      %dma_start3A_50 = tpu.memref_slice %arg4[%dma_start3A_49] : memref<98304xf32, #tpu.memory_space<hbm>> -> memref<16384xf32, #tpu.memory_space<hbm>>
      %dma_start3A_51 = arith.constant 32768 : i32
      %dma_start3A_52 = tpu.memref_slice %arg4[%dma_start3A_51] : memref<98304xf32, #tpu.memory_space<hbm>> -> memref<16384xf32, #tpu.memory_space<hbm>>
      tpu.enqueue_dma source(%dma_start3A_52 : memref<16384xf32, #tpu.memory_space<hbm>>) target(%arg9 : memref<16384xf32, #tpu.memory_space<vmem>>) target_semaphore(%run_scoped3A : memref<!tpu.dma_semaphore, #tpu.memory_space<semaphore_mem>>)
      %dma_wait3A_53 = arith.constant 32768 : i32
      %dma_wait3A_54 = tpu.memref_slice %arg4[%dma_wait3A_53] : memref<98304xf32, #tpu.memory_space<hbm>> -> memref<16384xf32, #tpu.memory_space<hbm>>
      %dma_wait3A_55 = arith.constant 32768 : i32
      %dma_wait3A_56 = tpu.memref_slice %arg4[%dma_wait3A_55] : memref<98304xf32, #tpu.memory_space<hbm>> -> memref<16384xf32, #tpu.memory_space<hbm>>
      tpu.wait_dma2 semaphore(%run_scoped3A : memref<!tpu.dma_semaphore, #tpu.memory_space<semaphore_mem>>) src(%dma_wait3A_56 : memref<16384xf32, #tpu.memory_space<hbm>>) dst(%arg9 : memref<16384xf32, #tpu.memory_space<vmem>>)
      tpu.yield
    }) : () -> ()
    %broadcast_in_dim3A = arith.constant 0.000000e+00 : f32
    %broadcast_in_dim3A_3 = vector.broadcast %broadcast_in_dim3A : f32 to vector<16xf32>
    %add3A_4 = arith.constant 0 : i32
    %add3A_5 = arith.addi %mul3A_2, %add3A_4 : i32
    %dma_start3A = tpu.memref_slice %arg3[%add3A_5] : memref<262144xi32, #tpu.memory_space<hbm>> -> memref<128xi32, #tpu.memory_space<hbm>>
    %dma_start3A_6 = tpu.memref_slice %arg3[%add3A_5] : memref<262144xi32, #tpu.memory_space<hbm>> -> memref<128xi32, #tpu.memory_space<hbm>>
    tpu.enqueue_dma source(%dma_start3A_6 : memref<128xi32, #tpu.memory_space<hbm>>) target(%arg10 : memref<128xi32, #tpu.memory_space<vmem>>) target_semaphore(%arg16 : memref<!tpu.dma_semaphore, #tpu.memory_space<semaphore_mem>>)
    %scan3A = arith.constant 0 : i32
    %scan3A_7 = arith.constant 32 : i32
    %scan3A_8 = arith.addi %scan3A, %scan3A_7 : i32
    %scan3A_9 = arith.constant 1 : i32
    scf.for %scan3A_49 = %scan3A to %scan3A_8 step %scan3A_9  : i32 {
      %mul3A_50 = arith.constant 2 : i32
      %mul3A_51 = arith.muli %scan3A_49, %mul3A_50 : i32
      %add3A_52 = arith.constant 0 : i32
      %add3A_53 = arith.addi %add3A_52, %mul3A_51 : i32
      %add3A_54 = arith.constant 0 : i32
      %add3A_55 = arith.addi %add3A_53, %add3A_54 : i32
      %ge3A = arith.constant 1 : i32
      %ge3A_56 = arith.cmpi sge, %add3A_55, %ge3A : i32
      %convert_element_type3A = arith.extui %ge3A_56 : i1 to i32
      %cond3A = arith.constant 0 : i32
      %cond3A_57 = arith.cmpi ne, %convert_element_type3A, %cond3A : i32
      scf.if %cond3A_57 {
        %dma_wait3A_373 = arith.constant 0 : i32
        %dma_wait3A_374 = arith.constant 0 : i32
        %dma_wait3A_375 = tpu.memref_slice %arg2[%dma_wait3A_373, %dma_wait3A_374] : memref<16384x128xi32, #tpu.memory_space<hbm>> -> memref<16384x128xi32, #tpu.memory_space<hbm>>
        tpu.wait_indirect_dma semaphore(%arg19 : memref<!tpu.dma_semaphore, #tpu.memory_space<semaphore_mem>>) src(%dma_wait3A_375 : memref<16384x128xi32, #tpu.memory_space<hbm>>) dst(%arg13 : memref<128x128xi32, #tpu.memory_space<vmem>>)
        %sub3A = arith.constant 1 : i32
        %sub3A_376 = arith.subi %add3A_55, %sub3A : i32
        %mul3A_377 = arith.constant 128 : i32
        %mul3A_378 = arith.muli %sub3A_376, %mul3A_377 : i32
        %add3A_379 = arith.addi %mul3A_2, %mul3A_378 : i32
        %dma_start3A_380 = arith.constant 0 : i32
        %dma_start3A_381 = tpu.memref_slice %arg5[%add3A_379, %dma_start3A_380] : memref<262144x128xi32, #tpu.memory_space<hbm>> -> memref<128x128xi32, #tpu.memory_space<hbm>>
        %dma_start3A_382 = arith.constant 0 : i32
        %dma_start3A_383 = tpu.memref_slice %arg5[%add3A_379, %dma_start3A_382] : memref<262144x128xi32, #tpu.memory_space<hbm>> -> memref<128x128xi32, #tpu.memory_space<hbm>>
        tpu.enqueue_dma source(%arg13 : memref<128x128xi32, #tpu.memory_space<vmem>>) target(%dma_start3A_383 : memref<128x128xi32, #tpu.memory_space<hbm>>) target_semaphore(%arg21 : memref<!tpu.dma_semaphore, #tpu.memory_space<semaphore_mem>>)
        %sub3A_384 = arith.constant 1 : i32
        %sub3A_385 = arith.subi %add3A_55, %sub3A_384 : i32
        %mul3A_386 = arith.constant 128 : i32
        %mul3A_387 = arith.muli %sub3A_385, %mul3A_386 : i32
        %add3A_388 = arith.addi %mul3A_2, %mul3A_387 : i32
        %dma_start3A_389 = arith.constant 0 : i32
        %dma_start3A_390 = tpu.memref_slice %arg6[%add3A_388, %dma_start3A_389] : memref<262144x4xf32, #tpu.memory_space<hbm>> -> memref<128x4xf32, #tpu.memory_space<hbm>>
        %dma_start3A_391 = arith.constant 0 : i32
        %dma_start3A_392 = tpu.memref_slice %arg6[%add3A_388, %dma_start3A_391] : memref<262144x4xf32, #tpu.memory_space<hbm>> -> memref<128x4xf32, #tpu.memory_space<hbm>>
        tpu.enqueue_dma source(%arg15 : memref<128x4xf32, #tpu.memory_space<vmem>>) target(%dma_start3A_392 : memref<128x4xf32, #tpu.memory_space<hbm>>) target_semaphore(%arg21 : memref<!tpu.dma_semaphore, #tpu.memory_space<semaphore_mem>>)
      } else {
      }
      %add3A_58 = arith.constant 1 : i32
      %add3A_59 = arith.addi %add3A_55, %add3A_58 : i32
      %lt3A = arith.constant 64 : i32
      %lt3A_60 = arith.cmpi slt, %add3A_59, %lt3A : i32
      %convert_element_type3A_61 = arith.extui %lt3A_60 : i1 to i32
      %cond3A_62 = arith.constant 0 : i32
      %cond3A_63 = arith.cmpi ne, %convert_element_type3A_61, %cond3A_62 : i32
      scf.if %cond3A_63 {
        %add3A_373 = arith.constant 1 : i32
        %add3A_374 = arith.addi %add3A_55, %add3A_373 : i32
        %mul3A_375 = arith.constant 128 : i32
        %mul3A_376 = arith.muli %add3A_374, %mul3A_375 : i32
        %add3A_377 = arith.addi %mul3A_2, %mul3A_376 : i32
        %dma_start3A_378 = tpu.memref_slice %arg3[%add3A_377] : memref<262144xi32, #tpu.memory_space<hbm>> -> memref<128xi32, #tpu.memory_space<hbm>>
        %dma_start3A_379 = tpu.memref_slice %arg3[%add3A_377] : memref<262144xi32, #tpu.memory_space<hbm>> -> memref<128xi32, #tpu.memory_space<hbm>>
        tpu.enqueue_dma source(%dma_start3A_379 : memref<128xi32, #tpu.memory_space<hbm>>) target(%arg11 : memref<128xi32, #tpu.memory_space<vmem>>) target_semaphore(%arg17 : memref<!tpu.dma_semaphore, #tpu.memory_space<semaphore_mem>>)
      } else {
      }
      %ge3A_64 = arith.constant 2 : i32
      %ge3A_65 = arith.cmpi sge, %add3A_55, %ge3A_64 : i32
      %convert_element_type3A_66 = arith.extui %ge3A_65 : i1 to i32
      %cond3A_67 = arith.constant 0 : i32
      %cond3A_68 = arith.cmpi ne, %convert_element_type3A_66, %cond3A_67 : i32
      scf.if %cond3A_68 {
        %sub3A = arith.constant 2 : i32
        %sub3A_373 = arith.subi %add3A_55, %sub3A : i32
        %mul3A_374 = arith.constant 128 : i32
        %mul3A_375 = arith.muli %sub3A_373, %mul3A_374 : i32
        %add3A_376 = arith.addi %mul3A_2, %mul3A_375 : i32
        %dma_wait3A_377 = arith.constant 0 : i32
        %dma_wait3A_378 = tpu.memref_slice %arg5[%add3A_376, %dma_wait3A_377] : memref<262144x128xi32, #tpu.memory_space<hbm>> -> memref<128x128xi32, #tpu.memory_space<hbm>>
        %dma_wait3A_379 = arith.constant 0 : i32
        %dma_wait3A_380 = tpu.memref_slice %arg5[%add3A_376, %dma_wait3A_379] : memref<262144x128xi32, #tpu.memory_space<hbm>> -> memref<128x128xi32, #tpu.memory_space<hbm>>
        tpu.wait_dma2 semaphore(%arg20 : memref<!tpu.dma_semaphore, #tpu.memory_space<semaphore_mem>>) src(%arg12 : memref<128x128xi32, #tpu.memory_space<vmem>>) dst(%dma_wait3A_380 : memref<128x128xi32, #tpu.memory_space<hbm>>)
        %sub3A_381 = arith.constant 2 : i32
        %sub3A_382 = arith.subi %add3A_55, %sub3A_381 : i32
        %mul3A_383 = arith.constant 128 : i32
        %mul3A_384 = arith.muli %sub3A_382, %mul3A_383 : i32
        %add3A_385 = arith.addi %mul3A_2, %mul3A_384 : i32
        %dma_wait3A_386 = arith.constant 0 : i32
        %dma_wait3A_387 = tpu.memref_slice %arg6[%add3A_385, %dma_wait3A_386] : memref<262144x4xf32, #tpu.memory_space<hbm>> -> memref<128x4xf32, #tpu.memory_space<hbm>>
        %dma_wait3A_388 = arith.constant 0 : i32
        %dma_wait3A_389 = tpu.memref_slice %arg6[%add3A_385, %dma_wait3A_388] : memref<262144x4xf32, #tpu.memory_space<hbm>> -> memref<128x4xf32, #tpu.memory_space<hbm>>
        tpu.wait_dma2 semaphore(%arg20 : memref<!tpu.dma_semaphore, #tpu.memory_space<semaphore_mem>>) src(%arg14 : memref<128x4xf32, #tpu.memory_space<vmem>>) dst(%dma_wait3A_389 : memref<128x4xf32, #tpu.memory_space<hbm>>)
      } else {
      }
      %mul3A_69 = arith.constant 128 : i32
      %mul3A_70 = arith.muli %add3A_55, %mul3A_69 : i32
      %add3A_71 = arith.addi %mul3A_2, %mul3A_70 : i32
      %dma_wait3A_72 = tpu.memref_slice %arg3[%add3A_71] : memref<262144xi32, #tpu.memory_space<hbm>> -> memref<128xi32, #tpu.memory_space<hbm>>
      %dma_wait3A_73 = tpu.memref_slice %arg3[%add3A_71] : memref<262144xi32, #tpu.memory_space<hbm>> -> memref<128xi32, #tpu.memory_space<hbm>>
      tpu.wait_dma2 semaphore(%arg16 : memref<!tpu.dma_semaphore, #tpu.memory_space<semaphore_mem>>) src(%dma_wait3A_73 : memref<128xi32, #tpu.memory_space<hbm>>) dst(%arg10 : memref<128xi32, #tpu.memory_space<vmem>>)
      %get3A = arith.constant 0 : index
      %get3A_74 = tpu.vector_load %arg10[%get3A] {strides = array<i32>} : memref<128xi32, #tpu.memory_space<vmem>>, vector<16xi32>,
      %iota3A = tpu.iota {dimensions = array<i32: 0>} : vector<16xi32>
      %add3A_75 = arith.constant 0 : i32
      %add3A_76 = vector.broadcast %add3A_75 : i32 to vector<16xi32>
      %add3A_77 = arith.addi %iota3A, %add3A_76 : vector<16xi32>
      %gather3A = tpu.vector_load_idx %arg7[%get3A_74] : memref<16384xf32, #tpu.memory_space<vmem>>[vector<16xi32>], vector<16xf32>,
      %gather3A_78 = tpu.vector_load_idx %arg8[%get3A_74] : memref<16384xf32, #tpu.memory_space<vmem>>[vector<16xi32>], vector<16xf32>,
      %gather3A_79 = tpu.vector_load_idx %arg9[%get3A_74] : memref<16384xf32, #tpu.memory_space<vmem>>[vector<16xi32>], vector<16xf32>,
      %broadcast_in_dim3A_80 = arith.constant 0 : i32
      %broadcast_in_dim3A_81 = vector.broadcast %broadcast_in_dim3A_80 : i32 to vector<16xi32>
      tpu.vector_store_idx %arg14[%add3A_77, %broadcast_in_dim3A_81], %gather3A : memref<128x4xf32, #tpu.memory_space<vmem>>[vector<16xi32>, vector<16xi32>], vector<16xf32>,
      %broadcast_in_dim3A_82 = arith.constant 1 : i32
      %broadcast_in_dim3A_83 = vector.broadcast %broadcast_in_dim3A_82 : i32 to vector<16xi32>
      tpu.vector_store_idx %arg14[%add3A_77, %broadcast_in_dim3A_83], %gather3A_78 : memref<128x4xf32, #tpu.memory_space<vmem>>[vector<16xi32>, vector<16xi32>], vector<16xf32>,
      %broadcast_in_dim3A_84 = arith.constant 2 : i32
      %broadcast_in_dim3A_85 = vector.broadcast %broadcast_in_dim3A_84 : i32 to vector<16xi32>
      tpu.vector_store_idx %arg14[%add3A_77, %broadcast_in_dim3A_85], %gather3A_79 : memref<128x4xf32, #tpu.memory_space<vmem>>[vector<16xi32>, vector<16xi32>], vector<16xf32>,
      %broadcast_in_dim3A_86 = arith.constant 3 : i32
      %broadcast_in_dim3A_87 = vector.broadcast %broadcast_in_dim3A_86 : i32 to vector<16xi32>
      tpu.vector_store_idx %arg14[%add3A_77, %broadcast_in_dim3A_87], %broadcast_in_dim3A_3 : memref<128x4xf32, #tpu.memory_space<vmem>>[vector<16xi32>, vector<16xi32>], vector<16xf32>,
      %get3A_88 = arith.constant 16 : index
      %get3A_89 = tpu.vector_load %arg10[%get3A_88] {strides = array<i32>} : memref<128xi32, #tpu.memory_space<vmem>>, vector<16xi32>,
      %iota3A_90 = tpu.iota {dimensions = array<i32: 0>} : vector<16xi32>
      %add3A_91 = arith.constant 16 : i32
      %add3A_92 = vector.broadcast %add3A_91 : i32 to vector<16xi32>
      %add3A_93 = arith.addi %iota3A_90, %add3A_92 : vector<16xi32>
      %gather3A_94 = tpu.vector_load_idx %arg7[%get3A_89] : memref<16384xf32, #tpu.memory_space<vmem>>[vector<16xi32>], vector<16xf32>,
      %gather3A_95 = tpu.vector_load_idx %arg8[%get3A_89] : memref<16384xf32, #tpu.memory_space<vmem>>[vector<16xi32>], vector<16xf32>,
      %gather3A_96 = tpu.vector_load_idx %arg9[%get3A_89] : memref<16384xf32, #tpu.memory_space<vmem>>[vector<16xi32>], vector<16xf32>,
      %broadcast_in_dim3A_97 = arith.constant 0 : i32
      %broadcast_in_dim3A_98 = vector.broadcast %broadcast_in_dim3A_97 : i32 to vector<16xi32>
      tpu.vector_store_idx %arg14[%add3A_93, %broadcast_in_dim3A_98], %gather3A_94 : memref<128x4xf32, #tpu.memory_space<vmem>>[vector<16xi32>, vector<16xi32>], vector<16xf32>,
      %broadcast_in_dim3A_99 = arith.constant 1 : i32
      %broadcast_in_dim3A_100 = vector.broadcast %broadcast_in_dim3A_99 : i32 to vector<16xi32>
      tpu.vector_store_idx %arg14[%add3A_93, %broadcast_in_dim3A_100], %gather3A_95 : memref<128x4xf32, #tpu.memory_space<vmem>>[vector<16xi32>, vector<16xi32>], vector<16xf32>,
      %broadcast_in_dim3A_101 = arith.constant 2 : i32
      %broadcast_in_dim3A_102 = vector.broadcast %broadcast_in_dim3A_101 : i32 to vector<16xi32>
      tpu.vector_store_idx %arg14[%add3A_93, %broadcast_in_dim3A_102], %gather3A_96 : memref<128x4xf32, #tpu.memory_space<vmem>>[vector<16xi32>, vector<16xi32>], vector<16xf32>,
      %broadcast_in_dim3A_103 = arith.constant 3 : i32
      %broadcast_in_dim3A_104 = vector.broadcast %broadcast_in_dim3A_103 : i32 to vector<16xi32>
      tpu.vector_store_idx %arg14[%add3A_93, %broadcast_in_dim3A_104], %broadcast_in_dim3A_3 : memref<128x4xf32, #tpu.memory_space<vmem>>[vector<16xi32>, vector<16xi32>], vector<16xf32>,
      %get3A_105 = arith.constant 32 : index
      %get3A_106 = tpu.vector_load %arg10[%get3A_105] {strides = array<i32>} : memref<128xi32, #tpu.memory_space<vmem>>, vector<16xi32>,
      %iota3A_107 = tpu.iota {dimensions = array<i32: 0>} : vector<16xi32>
      %add3A_108 = arith.constant 32 : i32
      %add3A_109 = vector.broadcast %add3A_108 : i32 to vector<16xi32>
      %add3A_110 = arith.addi %iota3A_107, %add3A_109 : vector<16xi32>
      %gather3A_111 = tpu.vector_load_idx %arg7[%get3A_106] : memref<16384xf32, #tpu.memory_space<vmem>>[vector<16xi32>], vector<16xf32>,
      %gather3A_112 = tpu.vector_load_idx %arg8[%get3A_106] : memref<16384xf32, #tpu.memory_space<vmem>>[vector<16xi32>], vector<16xf32>,
      %gather3A_113 = tpu.vector_load_idx %arg9[%get3A_106] : memref<16384xf32, #tpu.memory_space<vmem>>[vector<16xi32>], vector<16xf32>,
      %broadcast_in_dim3A_114 = arith.constant 0 : i32
      %broadcast_in_dim3A_115 = vector.broadcast %broadcast_in_dim3A_114 : i32 to vector<16xi32>
      tpu.vector_store_idx %arg14[%add3A_110, %broadcast_in_dim3A_115], %gather3A_111 : memref<128x4xf32, #tpu.memory_space<vmem>>[vector<16xi32>, vector<16xi32>], vector<16xf32>,
      %broadcast_in_dim3A_116 = arith.constant 1 : i32
      %broadcast_in_dim3A_117 = vector.broadcast %broadcast_in_dim3A_116 : i32 to vector<16xi32>
      tpu.vector_store_idx %arg14[%add3A_110, %broadcast_in_dim3A_117], %gather3A_112 : memref<128x4xf32, #tpu.memory_space<vmem>>[vector<16xi32>, vector<16xi32>], vector<16xf32>,
      %broadcast_in_dim3A_118 = arith.constant 2 : i32
      %broadcast_in_dim3A_119 = vector.broadcast %broadcast_in_dim3A_118 : i32 to vector<16xi32>
      tpu.vector_store_idx %arg14[%add3A_110, %broadcast_in_dim3A_119], %gather3A_113 : memref<128x4xf32, #tpu.memory_space<vmem>>[vector<16xi32>, vector<16xi32>], vector<16xf32>,
      %broadcast_in_dim3A_120 = arith.constant 3 : i32
      %broadcast_in_dim3A_121 = vector.broadcast %broadcast_in_dim3A_120 : i32 to vector<16xi32>
      tpu.vector_store_idx %arg14[%add3A_110, %broadcast_in_dim3A_121], %broadcast_in_dim3A_3 : memref<128x4xf32, #tpu.memory_space<vmem>>[vector<16xi32>, vector<16xi32>], vector<16xf32>,
      %get3A_122 = arith.constant 48 : index
      %get3A_123 = tpu.vector_load %arg10[%get3A_122] {strides = array<i32>} : memref<128xi32, #tpu.memory_space<vmem>>, vector<16xi32>,
      %iota3A_124 = tpu.iota {dimensions = array<i32: 0>} : vector<16xi32>
      %add3A_125 = arith.constant 48 : i32
      %add3A_126 = vector.broadcast %add3A_125 : i32 to vector<16xi32>
      %add3A_127 = arith.addi %iota3A_124, %add3A_126 : vector<16xi32>
      %gather3A_128 = tpu.vector_load_idx %arg7[%get3A_123] : memref<16384xf32, #tpu.memory_space<vmem>>[vector<16xi32>], vector<16xf32>,
      %gather3A_129 = tpu.vector_load_idx %arg8[%get3A_123] : memref<16384xf32, #tpu.memory_space<vmem>>[vector<16xi32>], vector<16xf32>,
      %gather3A_130 = tpu.vector_load_idx %arg9[%get3A_123] : memref<16384xf32, #tpu.memory_space<vmem>>[vector<16xi32>], vector<16xf32>,
      %broadcast_in_dim3A_131 = arith.constant 0 : i32
      %broadcast_in_dim3A_132 = vector.broadcast %broadcast_in_dim3A_131 : i32 to vector<16xi32>
      tpu.vector_store_idx %arg14[%add3A_127, %broadcast_in_dim3A_132], %gather3A_128 : memref<128x4xf32, #tpu.memory_space<vmem>>[vector<16xi32>, vector<16xi32>], vector<16xf32>,
      %broadcast_in_dim3A_133 = arith.constant 1 : i32
      %broadcast_in_dim3A_134 = vector.broadcast %broadcast_in_dim3A_133 : i32 to vector<16xi32>
      tpu.vector_store_idx %arg14[%add3A_127, %broadcast_in_dim3A_134], %gather3A_129 : memref<128x4xf32, #tpu.memory_space<vmem>>[vector<16xi32>, vector<16xi32>], vector<16xf32>,
      %broadcast_in_dim3A_135 = arith.constant 2 : i32
      %broadcast_in_dim3A_136 = vector.broadcast %broadcast_in_dim3A_135 : i32 to vector<16xi32>
      tpu.vector_store_idx %arg14[%add3A_127, %broadcast_in_dim3A_136], %gather3A_130 : memref<128x4xf32, #tpu.memory_space<vmem>>[vector<16xi32>, vector<16xi32>], vector<16xf32>,
      %broadcast_in_dim3A_137 = arith.constant 3 : i32
      %broadcast_in_dim3A_138 = vector.broadcast %broadcast_in_dim3A_137 : i32 to vector<16xi32>
      tpu.vector_store_idx %arg14[%add3A_127, %broadcast_in_dim3A_138], %broadcast_in_dim3A_3 : memref<128x4xf32, #tpu.memory_space<vmem>>[vector<16xi32>, vector<16xi32>], vector<16xf32>,
      %get3A_139 = arith.constant 64 : index
      %get3A_140 = tpu.vector_load %arg10[%get3A_139] {strides = array<i32>} : memref<128xi32, #tpu.memory_space<vmem>>, vector<16xi32>,
      %iota3A_141 = tpu.iota {dimensions = array<i32: 0>} : vector<16xi32>
      %add3A_142 = arith.constant 64 : i32
      %add3A_143 = vector.broadcast %add3A_142 : i32 to vector<16xi32>
      %add3A_144 = arith.addi %iota3A_141, %add3A_143 : vector<16xi32>
      %gather3A_145 = tpu.vector_load_idx %arg7[%get3A_140] : memref<16384xf32, #tpu.memory_space<vmem>>[vector<16xi32>], vector<16xf32>,
      %gather3A_146 = tpu.vector_load_idx %arg8[%get3A_140] : memref<16384xf32, #tpu.memory_space<vmem>>[vector<16xi32>], vector<16xf32>,
      %gather3A_147 = tpu.vector_load_idx %arg9[%get3A_140] : memref<16384xf32, #tpu.memory_space<vmem>>[vector<16xi32>], vector<16xf32>,
      %broadcast_in_dim3A_148 = arith.constant 0 : i32
      %broadcast_in_dim3A_149 = vector.broadcast %broadcast_in_dim3A_148 : i32 to vector<16xi32>
      tpu.vector_store_idx %arg14[%add3A_144, %broadcast_in_dim3A_149], %gather3A_145 : memref<128x4xf32, #tpu.memory_space<vmem>>[vector<16xi32>, vector<16xi32>], vector<16xf32>,
      %broadcast_in_dim3A_150 = arith.constant 1 : i32
      %broadcast_in_dim3A_151 = vector.broadcast %broadcast_in_dim3A_150 : i32 to vector<16xi32>
      tpu.vector_store_idx %arg14[%add3A_144, %broadcast_in_dim3A_151], %gather3A_146 : memref<128x4xf32, #tpu.memory_space<vmem>>[vector<16xi32>, vector<16xi32>], vector<16xf32>,
      %broadcast_in_dim3A_152 = arith.constant 2 : i32
      %broadcast_in_dim3A_153 = vector.broadcast %broadcast_in_dim3A_152 : i32 to vector<16xi32>
      tpu.vector_store_idx %arg14[%add3A_144, %broadcast_in_dim3A_153], %gather3A_147 : memref<128x4xf32, #tpu.memory_space<vmem>>[vector<16xi32>, vector<16xi32>], vector<16xf32>,
      %broadcast_in_dim3A_154 = arith.constant 3 : i32
      %broadcast_in_dim3A_155 = vector.broadcast %broadcast_in_dim3A_154 : i32 to vector<16xi32>
      tpu.vector_store_idx %arg14[%add3A_144, %broadcast_in_dim3A_155], %broadcast_in_dim3A_3 : memref<128x4xf32, #tpu.memory_space<vmem>>[vector<16xi32>, vector<16xi32>], vector<16xf32>,
      %get3A_156 = arith.constant 80 : index
      %get3A_157 = tpu.vector_load %arg10[%get3A_156] {strides = array<i32>} : memref<128xi32, #tpu.memory_space<vmem>>, vector<16xi32>,
      %iota3A_158 = tpu.iota {dimensions = array<i32: 0>} : vector<16xi32>
      %add3A_159 = arith.constant 80 : i32
      %add3A_160 = vector.broadcast %add3A_159 : i32 to vector<16xi32>
      %add3A_161 = arith.addi %iota3A_158, %add3A_160 : vector<16xi32>
      %gather3A_162 = tpu.vector_load_idx %arg7[%get3A_157] : memref<16384xf32, #tpu.memory_space<vmem>>[vector<16xi32>], vector<16xf32>,
      %gather3A_163 = tpu.vector_load_idx %arg8[%get3A_157] : memref<16384xf32, #tpu.memory_space<vmem>>[vector<16xi32>], vector<16xf32>,
      %gather3A_164 = tpu.vector_load_idx %arg9[%get3A_157] : memref<16384xf32, #tpu.memory_space<vmem>>[vector<16xi32>], vector<16xf32>,
      %broadcast_in_dim3A_165 = arith.constant 0 : i32
      %broadcast_in_dim3A_166 = vector.broadcast %broadcast_in_dim3A_165 : i32 to vector<16xi32>
      tpu.vector_store_idx %arg14[%add3A_161, %broadcast_in_dim3A_166], %gather3A_162 : memref<128x4xf32, #tpu.memory_space<vmem>>[vector<16xi32>, vector<16xi32>], vector<16xf32>,
      %broadcast_in_dim3A_167 = arith.constant 1 : i32
      %broadcast_in_dim3A_168 = vector.broadcast %broadcast_in_dim3A_167 : i32 to vector<16xi32>
      tpu.vector_store_idx %arg14[%add3A_161, %broadcast_in_dim3A_168], %gather3A_163 : memref<128x4xf32, #tpu.memory_space<vmem>>[vector<16xi32>, vector<16xi32>], vector<16xf32>,
      %broadcast_in_dim3A_169 = arith.constant 2 : i32
      %broadcast_in_dim3A_170 = vector.broadcast %broadcast_in_dim3A_169 : i32 to vector<16xi32>
      tpu.vector_store_idx %arg14[%add3A_161, %broadcast_in_dim3A_170], %gather3A_164 : memref<128x4xf32, #tpu.memory_space<vmem>>[vector<16xi32>, vector<16xi32>], vector<16xf32>,
      %broadcast_in_dim3A_171 = arith.constant 3 : i32
      %broadcast_in_dim3A_172 = vector.broadcast %broadcast_in_dim3A_171 : i32 to vector<16xi32>
      tpu.vector_store_idx %arg14[%add3A_161, %broadcast_in_dim3A_172], %broadcast_in_dim3A_3 : memref<128x4xf32, #tpu.memory_space<vmem>>[vector<16xi32>, vector<16xi32>], vector<16xf32>,
      %get3A_173 = arith.constant 96 : index
      %get3A_174 = tpu.vector_load %arg10[%get3A_173] {strides = array<i32>} : memref<128xi32, #tpu.memory_space<vmem>>, vector<16xi32>,
      %iota3A_175 = tpu.iota {dimensions = array<i32: 0>} : vector<16xi32>
      %add3A_176 = arith.constant 96 : i32
      %add3A_177 = vector.broadcast %add3A_176 : i32 to vector<16xi32>
      %add3A_178 = arith.addi %iota3A_175, %add3A_177 : vector<16xi32>
      %gather3A_179 = tpu.vector_load_idx %arg7[%get3A_174] : memref<16384xf32, #tpu.memory_space<vmem>>[vector<16xi32>], vector<16xf32>,
      %gather3A_180 = tpu.vector_load_idx %arg8[%get3A_174] : memref<16384xf32, #tpu.memory_space<vmem>>[vector<16xi32>], vector<16xf32>,
      %gather3A_181 = tpu.vector_load_idx %arg9[%get3A_174] : memref<16384xf32, #tpu.memory_space<vmem>>[vector<16xi32>], vector<16xf32>,
      %broadcast_in_dim3A_182 = arith.constant 0 : i32
      %broadcast_in_dim3A_183 = vector.broadcast %broadcast_in_dim3A_182 : i32 to vector<16xi32>
      tpu.vector_store_idx %arg14[%add3A_178, %broadcast_in_dim3A_183], %gather3A_179 : memref<128x4xf32, #tpu.memory_space<vmem>>[vector<16xi32>, vector<16xi32>], vector<16xf32>,
      %broadcast_in_dim3A_184 = arith.constant 1 : i32
      %broadcast_in_dim3A_185 = vector.broadcast %broadcast_in_dim3A_184 : i32 to vector<16xi32>
      tpu.vector_store_idx %arg14[%add3A_178, %broadcast_in_dim3A_185], %gather3A_180 : memref<128x4xf32, #tpu.memory_space<vmem>>[vector<16xi32>, vector<16xi32>], vector<16xf32>,
      %broadcast_in_dim3A_186 = arith.constant 2 : i32
      %broadcast_in_dim3A_187 = vector.broadcast %broadcast_in_dim3A_186 : i32 to vector<16xi32>
      tpu.vector_store_idx %arg14[%add3A_178, %broadcast_in_dim3A_187], %gather3A_181 : memref<128x4xf32, #tpu.memory_space<vmem>>[vector<16xi32>, vector<16xi32>], vector<16xf32>,
      %broadcast_in_dim3A_188 = arith.constant 3 : i32
      %broadcast_in_dim3A_189 = vector.broadcast %broadcast_in_dim3A_188 : i32 to vector<16xi32>
      tpu.vector_store_idx %arg14[%add3A_178, %broadcast_in_dim3A_189], %broadcast_in_dim3A_3 : memref<128x4xf32, #tpu.memory_space<vmem>>[vector<16xi32>, vector<16xi32>], vector<16xf32>,
      %get3A_190 = arith.constant 112 : index
      %get3A_191 = tpu.vector_load %arg10[%get3A_190] {strides = array<i32>} : memref<128xi32, #tpu.memory_space<vmem>>, vector<16xi32>,
      %iota3A_192 = tpu.iota {dimensions = array<i32: 0>} : vector<16xi32>
      %add3A_193 = arith.constant 112 : i32
      %add3A_194 = vector.broadcast %add3A_193 : i32 to vector<16xi32>
      %add3A_195 = arith.addi %iota3A_192, %add3A_194 : vector<16xi32>
      %gather3A_196 = tpu.vector_load_idx %arg7[%get3A_191] : memref<16384xf32, #tpu.memory_space<vmem>>[vector<16xi32>], vector<16xf32>,
      %gather3A_197 = tpu.vector_load_idx %arg8[%get3A_191] : memref<16384xf32, #tpu.memory_space<vmem>>[vector<16xi32>], vector<16xf32>,
      %gather3A_198 = tpu.vector_load_idx %arg9[%get3A_191] : memref<16384xf32, #tpu.memory_space<vmem>>[vector<16xi32>], vector<16xf32>,
      %broadcast_in_dim3A_199 = arith.constant 0 : i32
      %broadcast_in_dim3A_200 = vector.broadcast %broadcast_in_dim3A_199 : i32 to vector<16xi32>
      tpu.vector_store_idx %arg14[%add3A_195, %broadcast_in_dim3A_200], %gather3A_196 : memref<128x4xf32, #tpu.memory_space<vmem>>[vector<16xi32>, vector<16xi32>], vector<16xf32>,
      %broadcast_in_dim3A_201 = arith.constant 1 : i32
      %broadcast_in_dim3A_202 = vector.broadcast %broadcast_in_dim3A_201 : i32 to vector<16xi32>
      tpu.vector_store_idx %arg14[%add3A_195, %broadcast_in_dim3A_202], %gather3A_197 : memref<128x4xf32, #tpu.memory_space<vmem>>[vector<16xi32>, vector<16xi32>], vector<16xf32>,
      %broadcast_in_dim3A_203 = arith.constant 2 : i32
      %broadcast_in_dim3A_204 = vector.broadcast %broadcast_in_dim3A_203 : i32 to vector<16xi32>
      tpu.vector_store_idx %arg14[%add3A_195, %broadcast_in_dim3A_204], %gather3A_198 : memref<128x4xf32, #tpu.memory_space<vmem>>[vector<16xi32>, vector<16xi32>], vector<16xf32>,
      %broadcast_in_dim3A_205 = arith.constant 3 : i32
      %broadcast_in_dim3A_206 = vector.broadcast %broadcast_in_dim3A_205 : i32 to vector<16xi32>
      tpu.vector_store_idx %arg14[%add3A_195, %broadcast_in_dim3A_206], %broadcast_in_dim3A_3 : memref<128x4xf32, #tpu.memory_space<vmem>>[vector<16xi32>, vector<16xi32>], vector<16xf32>,
      %dma_start3A_207 = arith.constant 0 : i32
      %dma_start3A_208 = arith.constant 0 : i32
      %dma_start3A_209 = tpu.memref_slice %arg2[%dma_start3A_207, %dma_start3A_208] : memref<16384x128xi32, #tpu.memory_space<hbm>> -> memref<16384x128xi32, #tpu.memory_space<hbm>>
      tpu.enqueue_indirect_dma source(%dma_start3A_209 : memref<16384x128xi32, #tpu.memory_space<hbm>>) target(%arg12 : memref<128x128xi32, #tpu.memory_space<vmem>>) offsets(%arg10 : memref<128xi32, #tpu.memory_space<vmem>>) semaphore(%arg18 : memref<!tpu.dma_semaphore, #tpu.memory_space<semaphore_mem>>)
      %add3A_210 = arith.constant 1 : i32
      %add3A_211 = arith.addi %add3A_53, %add3A_210 : i32
      %ge3A_212 = arith.constant 1 : i32
      %ge3A_213 = arith.cmpi sge, %add3A_211, %ge3A_212 : i32
      %convert_element_type3A_214 = arith.extui %ge3A_213 : i1 to i32
      %cond3A_215 = arith.constant 0 : i32
      %cond3A_216 = arith.cmpi ne, %convert_element_type3A_214, %cond3A_215 : i32
      scf.if %cond3A_216 {
        %dma_wait3A_373 = arith.constant 0 : i32
        %dma_wait3A_374 = arith.constant 0 : i32
        %dma_wait3A_375 = tpu.memref_slice %arg2[%dma_wait3A_373, %dma_wait3A_374] : memref<16384x128xi32, #tpu.memory_space<hbm>> -> memref<16384x128xi32, #tpu.memory_space<hbm>>
        tpu.wait_indirect_dma semaphore(%arg18 : memref<!tpu.dma_semaphore, #tpu.memory_space<semaphore_mem>>) src(%dma_wait3A_375 : memref<16384x128xi32, #tpu.memory_space<hbm>>) dst(%arg12 : memref<128x128xi32, #tpu.memory_space<vmem>>)
        %sub3A = arith.constant 1 : i32
        %sub3A_376 = arith.subi %add3A_211, %sub3A : i32
        %mul3A_377 = arith.constant 128 : i32
        %mul3A_378 = arith.muli %sub3A_376, %mul3A_377 : i32
        %add3A_379 = arith.addi %mul3A_2, %mul3A_378 : i32
        %dma_start3A_380 = arith.constant 0 : i32
        %dma_start3A_381 = tpu.memref_slice %arg5[%add3A_379, %dma_start3A_380] : memref<262144x128xi32, #tpu.memory_space<hbm>> -> memref<128x128xi32, #tpu.memory_space<hbm>>
        %dma_start3A_382 = arith.constant 0 : i32
        %dma_start3A_383 = tpu.memref_slice %arg5[%add3A_379, %dma_start3A_382] : memref<262144x128xi32, #tpu.memory_space<hbm>> -> memref<128x128xi32, #tpu.memory_space<hbm>>
        tpu.enqueue_dma source(%arg12 : memref<128x128xi32, #tpu.memory_space<vmem>>) target(%dma_start3A_383 : memref<128x128xi32, #tpu.memory_space<hbm>>) target_semaphore(%arg20 : memref<!tpu.dma_semaphore, #tpu.memory_space<semaphore_mem>>)
        %sub3A_384 = arith.constant 1 : i32
        %sub3A_385 = arith.subi %add3A_211, %sub3A_384 : i32
        %mul3A_386 = arith.constant 128 : i32
        %mul3A_387 = arith.muli %sub3A_385, %mul3A_386 : i32
        %add3A_388 = arith.addi %mul3A_2, %mul3A_387 : i32
        %dma_start3A_389 = arith.constant 0 : i32
        %dma_start3A_390 = tpu.memref_slice %arg6[%add3A_388, %dma_start3A_389] : memref<262144x4xf32, #tpu.memory_space<hbm>> -> memref<128x4xf32, #tpu.memory_space<hbm>>
        %dma_start3A_391 = arith.constant 0 : i32
        %dma_start3A_392 = tpu.memref_slice %arg6[%add3A_388, %dma_start3A_391] : memref<262144x4xf32, #tpu.memory_space<hbm>> -> memref<128x4xf32, #tpu.memory_space<hbm>>
        tpu.enqueue_dma source(%arg14 : memref<128x4xf32, #tpu.memory_space<vmem>>) target(%dma_start3A_392 : memref<128x4xf32, #tpu.memory_space<hbm>>) target_semaphore(%arg20 : memref<!tpu.dma_semaphore, #tpu.memory_space<semaphore_mem>>)
      } else {
      }
      %add3A_217 = arith.constant 1 : i32
      %add3A_218 = arith.addi %add3A_211, %add3A_217 : i32
      %lt3A_219 = arith.constant 64 : i32
      %lt3A_220 = arith.cmpi slt, %add3A_218, %lt3A_219 : i32
      %convert_element_type3A_221 = arith.extui %lt3A_220 : i1 to i32
      %cond3A_222 = arith.constant 0 : i32
      %cond3A_223 = arith.cmpi ne, %convert_element_type3A_221, %cond3A_222 : i32
      scf.if %cond3A_223 {
        %add3A_373 = arith.constant 1 : i32
        %add3A_374 = arith.addi %add3A_211, %add3A_373 : i32
        %mul3A_375 = arith.constant 128 : i32
        %mul3A_376 = arith.muli %add3A_374, %mul3A_375 : i32
        %add3A_377 = arith.addi %mul3A_2, %mul3A_376 : i32
        %dma_start3A_378 = tpu.memref_slice %arg3[%add3A_377] : memref<262144xi32, #tpu.memory_space<hbm>> -> memref<128xi32, #tpu.memory_space<hbm>>
        %dma_start3A_379 = tpu.memref_slice %arg3[%add3A_377] : memref<262144xi32, #tpu.memory_space<hbm>> -> memref<128xi32, #tpu.memory_space<hbm>>
        tpu.enqueue_dma source(%dma_start3A_379 : memref<128xi32, #tpu.memory_space<hbm>>) target(%arg10 : memref<128xi32, #tpu.memory_space<vmem>>) target_semaphore(%arg16 : memref<!tpu.dma_semaphore, #tpu.memory_space<semaphore_mem>>)
      } else {
      }
      %ge3A_224 = arith.constant 2 : i32
      %ge3A_225 = arith.cmpi sge, %add3A_211, %ge3A_224 : i32
      %convert_element_type3A_226 = arith.extui %ge3A_225 : i1 to i32
      %cond3A_227 = arith.constant 0 : i32
      %cond3A_228 = arith.cmpi ne, %convert_element_type3A_226, %cond3A_227 : i32
      scf.if %cond3A_228 {
        %sub3A = arith.constant 2 : i32
        %sub3A_373 = arith.subi %add3A_211, %sub3A : i32
        %mul3A_374 = arith.constant 128 : i32
        %mul3A_375 = arith.muli %sub3A_373, %mul3A_374 : i32
        %add3A_376 = arith.addi %mul3A_2, %mul3A_375 : i32
        %dma_wait3A_377 = arith.constant 0 : i32
        %dma_wait3A_378 = tpu.memref_slice %arg5[%add3A_376, %dma_wait3A_377] : memref<262144x128xi32, #tpu.memory_space<hbm>> -> memref<128x128xi32, #tpu.memory_space<hbm>>
        %dma_wait3A_379 = arith.constant 0 : i32
        %dma_wait3A_380 = tpu.memref_slice %arg5[%add3A_376, %dma_wait3A_379] : memref<262144x128xi32, #tpu.memory_space<hbm>> -> memref<128x128xi32, #tpu.memory_space<hbm>>
        tpu.wait_dma2 semaphore(%arg21 : memref<!tpu.dma_semaphore, #tpu.memory_space<semaphore_mem>>) src(%arg13 : memref<128x128xi32, #tpu.memory_space<vmem>>) dst(%dma_wait3A_380 : memref<128x128xi32, #tpu.memory_space<hbm>>)
        %sub3A_381 = arith.constant 2 : i32
        %sub3A_382 = arith.subi %add3A_211, %sub3A_381 : i32
        %mul3A_383 = arith.constant 128 : i32
        %mul3A_384 = arith.muli %sub3A_382, %mul3A_383 : i32
        %add3A_385 = arith.addi %mul3A_2, %mul3A_384 : i32
        %dma_wait3A_386 = arith.constant 0 : i32
        %dma_wait3A_387 = tpu.memref_slice %arg6[%add3A_385, %dma_wait3A_386] : memref<262144x4xf32, #tpu.memory_space<hbm>> -> memref<128x4xf32, #tpu.memory_space<hbm>>
        %dma_wait3A_388 = arith.constant 0 : i32
        %dma_wait3A_389 = tpu.memref_slice %arg6[%add3A_385, %dma_wait3A_388] : memref<262144x4xf32, #tpu.memory_space<hbm>> -> memref<128x4xf32, #tpu.memory_space<hbm>>
        tpu.wait_dma2 semaphore(%arg21 : memref<!tpu.dma_semaphore, #tpu.memory_space<semaphore_mem>>) src(%arg15 : memref<128x4xf32, #tpu.memory_space<vmem>>) dst(%dma_wait3A_389 : memref<128x4xf32, #tpu.memory_space<hbm>>)
      } else {
      }
      %mul3A_229 = arith.constant 128 : i32
      %mul3A_230 = arith.muli %add3A_211, %mul3A_229 : i32
      %add3A_231 = arith.addi %mul3A_2, %mul3A_230 : i32
      %dma_wait3A_232 = tpu.memref_slice %arg3[%add3A_231] : memref<262144xi32, #tpu.memory_space<hbm>> -> memref<128xi32, #tpu.memory_space<hbm>>
      %dma_wait3A_233 = tpu.memref_slice %arg3[%add3A_231] : memref<262144xi32, #tpu.memory_space<hbm>> -> memref<128xi32, #tpu.memory_space<hbm>>
      tpu.wait_dma2 semaphore(%arg17 : memref<!tpu.dma_semaphore, #tpu.memory_space<semaphore_mem>>) src(%dma_wait3A_233 : memref<128xi32, #tpu.memory_space<hbm>>) dst(%arg11 : memref<128xi32, #tpu.memory_space<vmem>>)
      %get3A_234 = arith.constant 0 : index
      %get3A_235 = tpu.vector_load %arg11[%get3A_234] {strides = array<i32>} : memref<128xi32, #tpu.memory_space<vmem>>, vector<16xi32>,
      %iota3A_236 = tpu.iota {dimensions = array<i32: 0>} : vector<16xi32>
      %add3A_237 = arith.constant 0 : i32
      %add3A_238 = vector.broadcast %add3A_237 : i32 to vector<16xi32>
      %add3A_239 = arith.addi %iota3A_236, %add3A_238 : vector<16xi32>
      %gather3A_240 = tpu.vector_load_idx %arg7[%get3A_235] : memref<16384xf32, #tpu.memory_space<vmem>>[vector<16xi32>], vector<16xf32>,
      %gather3A_241 = tpu.vector_load_idx %arg8[%get3A_235] : memref<16384xf32, #tpu.memory_space<vmem>>[vector<16xi32>], vector<16xf32>,
      %gather3A_242 = tpu.vector_load_idx %arg9[%get3A_235] : memref<16384xf32, #tpu.memory_space<vmem>>[vector<16xi32>], vector<16xf32>,
      %broadcast_in_dim3A_243 = arith.constant 0 : i32
      %broadcast_in_dim3A_244 = vector.broadcast %broadcast_in_dim3A_243 : i32 to vector<16xi32>
      tpu.vector_store_idx %arg15[%add3A_239, %broadcast_in_dim3A_244], %gather3A_240 : memref<128x4xf32, #tpu.memory_space<vmem>>[vector<16xi32>, vector<16xi32>], vector<16xf32>,
      %broadcast_in_dim3A_245 = arith.constant 1 : i32
      %broadcast_in_dim3A_246 = vector.broadcast %broadcast_in_dim3A_245 : i32 to vector<16xi32>
      tpu.vector_store_idx %arg15[%add3A_239, %broadcast_in_dim3A_246], %gather3A_241 : memref<128x4xf32, #tpu.memory_space<vmem>>[vector<16xi32>, vector<16xi32>], vector<16xf32>,
      %broadcast_in_dim3A_247 = arith.constant 2 : i32
      %broadcast_in_dim3A_248 = vector.broadcast %broadcast_in_dim3A_247 : i32 to vector<16xi32>
      tpu.vector_store_idx %arg15[%add3A_239, %broadcast_in_dim3A_248], %gather3A_242 : memref<128x4xf32, #tpu.memory_space<vmem>>[vector<16xi32>, vector<16xi32>], vector<16xf32>,
      %broadcast_in_dim3A_249 = arith.constant 3 : i32
      %broadcast_in_dim3A_250 = vector.broadcast %broadcast_in_dim3A_249 : i32 to vector<16xi32>
      tpu.vector_store_idx %arg15[%add3A_239, %broadcast_in_dim3A_250], %broadcast_in_dim3A_3 : memref<128x4xf32, #tpu.memory_space<vmem>>[vector<16xi32>, vector<16xi32>], vector<16xf32>,
      %get3A_251 = arith.constant 16 : index
      %get3A_252 = tpu.vector_load %arg11[%get3A_251] {strides = array<i32>} : memref<128xi32, #tpu.memory_space<vmem>>, vector<16xi32>,
      %iota3A_253 = tpu.iota {dimensions = array<i32: 0>} : vector<16xi32>
      %add3A_254 = arith.constant 16 : i32
      %add3A_255 = vector.broadcast %add3A_254 : i32 to vector<16xi32>
      %add3A_256 = arith.addi %iota3A_253, %add3A_255 : vector<16xi32>
      %gather3A_257 = tpu.vector_load_idx %arg7[%get3A_252] : memref<16384xf32, #tpu.memory_space<vmem>>[vector<16xi32>], vector<16xf32>,
      %gather3A_258 = tpu.vector_load_idx %arg8[%get3A_252] : memref<16384xf32, #tpu.memory_space<vmem>>[vector<16xi32>], vector<16xf32>,
      %gather3A_259 = tpu.vector_load_idx %arg9[%get3A_252] : memref<16384xf32, #tpu.memory_space<vmem>>[vector<16xi32>], vector<16xf32>,
      %broadcast_in_dim3A_260 = arith.constant 0 : i32
      %broadcast_in_dim3A_261 = vector.broadcast %broadcast_in_dim3A_260 : i32 to vector<16xi32>
      tpu.vector_store_idx %arg15[%add3A_256, %broadcast_in_dim3A_261], %gather3A_257 : memref<128x4xf32, #tpu.memory_space<vmem>>[vector<16xi32>, vector<16xi32>], vector<16xf32>,
      %broadcast_in_dim3A_262 = arith.constant 1 : i32
      %broadcast_in_dim3A_263 = vector.broadcast %broadcast_in_dim3A_262 : i32 to vector<16xi32>
      tpu.vector_store_idx %arg15[%add3A_256, %broadcast_in_dim3A_263], %gather3A_258 : memref<128x4xf32, #tpu.memory_space<vmem>>[vector<16xi32>, vector<16xi32>], vector<16xf32>,
      %broadcast_in_dim3A_264 = arith.constant 2 : i32
      %broadcast_in_dim3A_265 = vector.broadcast %broadcast_in_dim3A_264 : i32 to vector<16xi32>
      tpu.vector_store_idx %arg15[%add3A_256, %broadcast_in_dim3A_265], %gather3A_259 : memref<128x4xf32, #tpu.memory_space<vmem>>[vector<16xi32>, vector<16xi32>], vector<16xf32>,
      %broadcast_in_dim3A_266 = arith.constant 3 : i32
      %broadcast_in_dim3A_267 = vector.broadcast %broadcast_in_dim3A_266 : i32 to vector<16xi32>
      tpu.vector_store_idx %arg15[%add3A_256, %broadcast_in_dim3A_267], %broadcast_in_dim3A_3 : memref<128x4xf32, #tpu.memory_space<vmem>>[vector<16xi32>, vector<16xi32>], vector<16xf32>,
      %get3A_268 = arith.constant 32 : index
      %get3A_269 = tpu.vector_load %arg11[%get3A_268] {strides = array<i32>} : memref<128xi32, #tpu.memory_space<vmem>>, vector<16xi32>,
      %iota3A_270 = tpu.iota {dimensions = array<i32: 0>} : vector<16xi32>
      %add3A_271 = arith.constant 32 : i32
      %add3A_272 = vector.broadcast %add3A_271 : i32 to vector<16xi32>
      %add3A_273 = arith.addi %iota3A_270, %add3A_272 : vector<16xi32>
      %gather3A_274 = tpu.vector_load_idx %arg7[%get3A_269] : memref<16384xf32, #tpu.memory_space<vmem>>[vector<16xi32>], vector<16xf32>,
      %gather3A_275 = tpu.vector_load_idx %arg8[%get3A_269] : memref<16384xf32, #tpu.memory_space<vmem>>[vector<16xi32>], vector<16xf32>,
      %gather3A_276 = tpu.vector_load_idx %arg9[%get3A_269] : memref<16384xf32, #tpu.memory_space<vmem>>[vector<16xi32>], vector<16xf32>,
      %broadcast_in_dim3A_277 = arith.constant 0 : i32
      %broadcast_in_dim3A_278 = vector.broadcast %broadcast_in_dim3A_277 : i32 to vector<16xi32>
      tpu.vector_store_idx %arg15[%add3A_273, %broadcast_in_dim3A_278], %gather3A_274 : memref<128x4xf32, #tpu.memory_space<vmem>>[vector<16xi32>, vector<16xi32>], vector<16xf32>,
      %broadcast_in_dim3A_279 = arith.constant 1 : i32
      %broadcast_in_dim3A_280 = vector.broadcast %broadcast_in_dim3A_279 : i32 to vector<16xi32>
      tpu.vector_store_idx %arg15[%add3A_273, %broadcast_in_dim3A_280], %gather3A_275 : memref<128x4xf32, #tpu.memory_space<vmem>>[vector<16xi32>, vector<16xi32>], vector<16xf32>,
      %broadcast_in_dim3A_281 = arith.constant 2 : i32
      %broadcast_in_dim3A_282 = vector.broadcast %broadcast_in_dim3A_281 : i32 to vector<16xi32>
      tpu.vector_store_idx %arg15[%add3A_273, %broadcast_in_dim3A_282], %gather3A_276 : memref<128x4xf32, #tpu.memory_space<vmem>>[vector<16xi32>, vector<16xi32>], vector<16xf32>,
      %broadcast_in_dim3A_283 = arith.constant 3 : i32
      %broadcast_in_dim3A_284 = vector.broadcast %broadcast_in_dim3A_283 : i32 to vector<16xi32>
      tpu.vector_store_idx %arg15[%add3A_273, %broadcast_in_dim3A_284], %broadcast_in_dim3A_3 : memref<128x4xf32, #tpu.memory_space<vmem>>[vector<16xi32>, vector<16xi32>], vector<16xf32>,
      %get3A_285 = arith.constant 48 : index
      %get3A_286 = tpu.vector_load %arg11[%get3A_285] {strides = array<i32>} : memref<128xi32, #tpu.memory_space<vmem>>, vector<16xi32>,
      %iota3A_287 = tpu.iota {dimensions = array<i32: 0>} : vector<16xi32>
      %add3A_288 = arith.constant 48 : i32
      %add3A_289 = vector.broadcast %add3A_288 : i32 to vector<16xi32>
      %add3A_290 = arith.addi %iota3A_287, %add3A_289 : vector<16xi32>
      %gather3A_291 = tpu.vector_load_idx %arg7[%get3A_286] : memref<16384xf32, #tpu.memory_space<vmem>>[vector<16xi32>], vector<16xf32>,
      %gather3A_292 = tpu.vector_load_idx %arg8[%get3A_286] : memref<16384xf32, #tpu.memory_space<vmem>>[vector<16xi32>], vector<16xf32>,
      %gather3A_293 = tpu.vector_load_idx %arg9[%get3A_286] : memref<16384xf32, #tpu.memory_space<vmem>>[vector<16xi32>], vector<16xf32>,
      %broadcast_in_dim3A_294 = arith.constant 0 : i32
      %broadcast_in_dim3A_295 = vector.broadcast %broadcast_in_dim3A_294 : i32 to vector<16xi32>
      tpu.vector_store_idx %arg15[%add3A_290, %broadcast_in_dim3A_295], %gather3A_291 : memref<128x4xf32, #tpu.memory_space<vmem>>[vector<16xi32>, vector<16xi32>], vector<16xf32>,
      %broadcast_in_dim3A_296 = arith.constant 1 : i32
      %broadcast_in_dim3A_297 = vector.broadcast %broadcast_in_dim3A_296 : i32 to vector<16xi32>
      tpu.vector_store_idx %arg15[%add3A_290, %broadcast_in_dim3A_297], %gather3A_292 : memref<128x4xf32, #tpu.memory_space<vmem>>[vector<16xi32>, vector<16xi32>], vector<16xf32>,
      %broadcast_in_dim3A_298 = arith.constant 2 : i32
      %broadcast_in_dim3A_299 = vector.broadcast %broadcast_in_dim3A_298 : i32 to vector<16xi32>
      tpu.vector_store_idx %arg15[%add3A_290, %broadcast_in_dim3A_299], %gather3A_293 : memref<128x4xf32, #tpu.memory_space<vmem>>[vector<16xi32>, vector<16xi32>], vector<16xf32>,
      %broadcast_in_dim3A_300 = arith.constant 3 : i32
      %broadcast_in_dim3A_301 = vector.broadcast %broadcast_in_dim3A_300 : i32 to vector<16xi32>
      tpu.vector_store_idx %arg15[%add3A_290, %broadcast_in_dim3A_301], %broadcast_in_dim3A_3 : memref<128x4xf32, #tpu.memory_space<vmem>>[vector<16xi32>, vector<16xi32>], vector<16xf32>,
      %get3A_302 = arith.constant 64 : index
      %get3A_303 = tpu.vector_load %arg11[%get3A_302] {strides = array<i32>} : memref<128xi32, #tpu.memory_space<vmem>>, vector<16xi32>,
      %iota3A_304 = tpu.iota {dimensions = array<i32: 0>} : vector<16xi32>
      %add3A_305 = arith.constant 64 : i32
      %add3A_306 = vector.broadcast %add3A_305 : i32 to vector<16xi32>
      %add3A_307 = arith.addi %iota3A_304, %add3A_306 : vector<16xi32>
      %gather3A_308 = tpu.vector_load_idx %arg7[%get3A_303] : memref<16384xf32, #tpu.memory_space<vmem>>[vector<16xi32>], vector<16xf32>,
      %gather3A_309 = tpu.vector_load_idx %arg8[%get3A_303] : memref<16384xf32, #tpu.memory_space<vmem>>[vector<16xi32>], vector<16xf32>,
      %gather3A_310 = tpu.vector_load_idx %arg9[%get3A_303] : memref<16384xf32, #tpu.memory_space<vmem>>[vector<16xi32>], vector<16xf32>,
      %broadcast_in_dim3A_311 = arith.constant 0 : i32
      %broadcast_in_dim3A_312 = vector.broadcast %broadcast_in_dim3A_311 : i32 to vector<16xi32>
      tpu.vector_store_idx %arg15[%add3A_307, %broadcast_in_dim3A_312], %gather3A_308 : memref<128x4xf32, #tpu.memory_space<vmem>>[vector<16xi32>, vector<16xi32>], vector<16xf32>,
      %broadcast_in_dim3A_313 = arith.constant 1 : i32
      %broadcast_in_dim3A_314 = vector.broadcast %broadcast_in_dim3A_313 : i32 to vector<16xi32>
      tpu.vector_store_idx %arg15[%add3A_307, %broadcast_in_dim3A_314], %gather3A_309 : memref<128x4xf32, #tpu.memory_space<vmem>>[vector<16xi32>, vector<16xi32>], vector<16xf32>,
      %broadcast_in_dim3A_315 = arith.constant 2 : i32
      %broadcast_in_dim3A_316 = vector.broadcast %broadcast_in_dim3A_315 : i32 to vector<16xi32>
      tpu.vector_store_idx %arg15[%add3A_307, %broadcast_in_dim3A_316], %gather3A_310 : memref<128x4xf32, #tpu.memory_space<vmem>>[vector<16xi32>, vector<16xi32>], vector<16xf32>,
      %broadcast_in_dim3A_317 = arith.constant 3 : i32
      %broadcast_in_dim3A_318 = vector.broadcast %broadcast_in_dim3A_317 : i32 to vector<16xi32>
      tpu.vector_store_idx %arg15[%add3A_307, %broadcast_in_dim3A_318], %broadcast_in_dim3A_3 : memref<128x4xf32, #tpu.memory_space<vmem>>[vector<16xi32>, vector<16xi32>], vector<16xf32>,
      %get3A_319 = arith.constant 80 : index
      %get3A_320 = tpu.vector_load %arg11[%get3A_319] {strides = array<i32>} : memref<128xi32, #tpu.memory_space<vmem>>, vector<16xi32>,
      %iota3A_321 = tpu.iota {dimensions = array<i32: 0>} : vector<16xi32>
      %add3A_322 = arith.constant 80 : i32
      %add3A_323 = vector.broadcast %add3A_322 : i32 to vector<16xi32>
      %add3A_324 = arith.addi %iota3A_321, %add3A_323 : vector<16xi32>
      %gather3A_325 = tpu.vector_load_idx %arg7[%get3A_320] : memref<16384xf32, #tpu.memory_space<vmem>>[vector<16xi32>], vector<16xf32>,
      %gather3A_326 = tpu.vector_load_idx %arg8[%get3A_320] : memref<16384xf32, #tpu.memory_space<vmem>>[vector<16xi32>], vector<16xf32>,
      %gather3A_327 = tpu.vector_load_idx %arg9[%get3A_320] : memref<16384xf32, #tpu.memory_space<vmem>>[vector<16xi32>], vector<16xf32>,
      %broadcast_in_dim3A_328 = arith.constant 0 : i32
      %broadcast_in_dim3A_329 = vector.broadcast %broadcast_in_dim3A_328 : i32 to vector<16xi32>
      tpu.vector_store_idx %arg15[%add3A_324, %broadcast_in_dim3A_329], %gather3A_325 : memref<128x4xf32, #tpu.memory_space<vmem>>[vector<16xi32>, vector<16xi32>], vector<16xf32>,
      %broadcast_in_dim3A_330 = arith.constant 1 : i32
      %broadcast_in_dim3A_331 = vector.broadcast %broadcast_in_dim3A_330 : i32 to vector<16xi32>
      tpu.vector_store_idx %arg15[%add3A_324, %broadcast_in_dim3A_331], %gather3A_326 : memref<128x4xf32, #tpu.memory_space<vmem>>[vector<16xi32>, vector<16xi32>], vector<16xf32>,
      %broadcast_in_dim3A_332 = arith.constant 2 : i32
      %broadcast_in_dim3A_333 = vector.broadcast %broadcast_in_dim3A_332 : i32 to vector<16xi32>
      tpu.vector_store_idx %arg15[%add3A_324, %broadcast_in_dim3A_333], %gather3A_327 : memref<128x4xf32, #tpu.memory_space<vmem>>[vector<16xi32>, vector<16xi32>], vector<16xf32>,
      %broadcast_in_dim3A_334 = arith.constant 3 : i32
      %broadcast_in_dim3A_335 = vector.broadcast %broadcast_in_dim3A_334 : i32 to vector<16xi32>
      tpu.vector_store_idx %arg15[%add3A_324, %broadcast_in_dim3A_335], %broadcast_in_dim3A_3 : memref<128x4xf32, #tpu.memory_space<vmem>>[vector<16xi32>, vector<16xi32>], vector<16xf32>,
      %get3A_336 = arith.constant 96 : index
      %get3A_337 = tpu.vector_load %arg11[%get3A_336] {strides = array<i32>} : memref<128xi32, #tpu.memory_space<vmem>>, vector<16xi32>,
      %iota3A_338 = tpu.iota {dimensions = array<i32: 0>} : vector<16xi32>
      %add3A_339 = arith.constant 96 : i32
      %add3A_340 = vector.broadcast %add3A_339 : i32 to vector<16xi32>
      %add3A_341 = arith.addi %iota3A_338, %add3A_340 : vector<16xi32>
      %gather3A_342 = tpu.vector_load_idx %arg7[%get3A_337] : memref<16384xf32, #tpu.memory_space<vmem>>[vector<16xi32>], vector<16xf32>,
      %gather3A_343 = tpu.vector_load_idx %arg8[%get3A_337] : memref<16384xf32, #tpu.memory_space<vmem>>[vector<16xi32>], vector<16xf32>,
      %gather3A_344 = tpu.vector_load_idx %arg9[%get3A_337] : memref<16384xf32, #tpu.memory_space<vmem>>[vector<16xi32>], vector<16xf32>,
      %broadcast_in_dim3A_345 = arith.constant 0 : i32
      %broadcast_in_dim3A_346 = vector.broadcast %broadcast_in_dim3A_345 : i32 to vector<16xi32>
      tpu.vector_store_idx %arg15[%add3A_341, %broadcast_in_dim3A_346], %gather3A_342 : memref<128x4xf32, #tpu.memory_space<vmem>>[vector<16xi32>, vector<16xi32>], vector<16xf32>,
      %broadcast_in_dim3A_347 = arith.constant 1 : i32
      %broadcast_in_dim3A_348 = vector.broadcast %broadcast_in_dim3A_347 : i32 to vector<16xi32>
      tpu.vector_store_idx %arg15[%add3A_341, %broadcast_in_dim3A_348], %gather3A_343 : memref<128x4xf32, #tpu.memory_space<vmem>>[vector<16xi32>, vector<16xi32>], vector<16xf32>,
      %broadcast_in_dim3A_349 = arith.constant 2 : i32
      %broadcast_in_dim3A_350 = vector.broadcast %broadcast_in_dim3A_349 : i32 to vector<16xi32>
      tpu.vector_store_idx %arg15[%add3A_341, %broadcast_in_dim3A_350], %gather3A_344 : memref<128x4xf32, #tpu.memory_space<vmem>>[vector<16xi32>, vector<16xi32>], vector<16xf32>,
      %broadcast_in_dim3A_351 = arith.constant 3 : i32
      %broadcast_in_dim3A_352 = vector.broadcast %broadcast_in_dim3A_351 : i32 to vector<16xi32>
      tpu.vector_store_idx %arg15[%add3A_341, %broadcast_in_dim3A_352], %broadcast_in_dim3A_3 : memref<128x4xf32, #tpu.memory_space<vmem>>[vector<16xi32>, vector<16xi32>], vector<16xf32>,
      %get3A_353 = arith.constant 112 : index
      %get3A_354 = tpu.vector_load %arg11[%get3A_353] {strides = array<i32>} : memref<128xi32, #tpu.memory_space<vmem>>, vector<16xi32>,
      %iota3A_355 = tpu.iota {dimensions = array<i32: 0>} : vector<16xi32>
      %add3A_356 = arith.constant 112 : i32
      %add3A_357 = vector.broadcast %add3A_356 : i32 to vector<16xi32>
      %add3A_358 = arith.addi %iota3A_355, %add3A_357 : vector<16xi32>
      %gather3A_359 = tpu.vector_load_idx %arg7[%get3A_354] : memref<16384xf32, #tpu.memory_space<vmem>>[vector<16xi32>], vector<16xf32>,
      %gather3A_360 = tpu.vector_load_idx %arg8[%get3A_354] : memref<16384xf32, #tpu.memory_space<vmem>>[vector<16xi32>], vector<16xf32>,
      %gather3A_361 = tpu.vector_load_idx %arg9[%get3A_354] : memref<16384xf32, #tpu.memory_space<vmem>>[vector<16xi32>], vector<16xf32>,
      %broadcast_in_dim3A_362 = arith.constant 0 : i32
      %broadcast_in_dim3A_363 = vector.broadcast %broadcast_in_dim3A_362 : i32 to vector<16xi32>
      tpu.vector_store_idx %arg15[%add3A_358, %broadcast_in_dim3A_363], %gather3A_359 : memref<128x4xf32, #tpu.memory_space<vmem>>[vector<16xi32>, vector<16xi32>], vector<16xf32>,
      %broadcast_in_dim3A_364 = arith.constant 1 : i32
      %broadcast_in_dim3A_365 = vector.broadcast %broadcast_in_dim3A_364 : i32 to vector<16xi32>
      tpu.vector_store_idx %arg15[%add3A_358, %broadcast_in_dim3A_365], %gather3A_360 : memref<128x4xf32, #tpu.memory_space<vmem>>[vector<16xi32>, vector<16xi32>], vector<16xf32>,
      %broadcast_in_dim3A_366 = arith.constant 2 : i32
      %broadcast_in_dim3A_367 = vector.broadcast %broadcast_in_dim3A_366 : i32 to vector<16xi32>
      tpu.vector_store_idx %arg15[%add3A_358, %broadcast_in_dim3A_367], %gather3A_361 : memref<128x4xf32, #tpu.memory_space<vmem>>[vector<16xi32>, vector<16xi32>], vector<16xf32>,
      %broadcast_in_dim3A_368 = arith.constant 3 : i32
      %broadcast_in_dim3A_369 = vector.broadcast %broadcast_in_dim3A_368 : i32 to vector<16xi32>
      tpu.vector_store_idx %arg15[%add3A_358, %broadcast_in_dim3A_369], %broadcast_in_dim3A_3 : memref<128x4xf32, #tpu.memory_space<vmem>>[vector<16xi32>, vector<16xi32>], vector<16xf32>,
      %dma_start3A_370 = arith.constant 0 : i32
      %dma_start3A_371 = arith.constant 0 : i32
      %dma_start3A_372 = tpu.memref_slice %arg2[%dma_start3A_370, %dma_start3A_371] : memref<16384x128xi32, #tpu.memory_space<hbm>> -> memref<16384x128xi32, #tpu.memory_space<hbm>>
      tpu.enqueue_indirect_dma source(%dma_start3A_372 : memref<16384x128xi32, #tpu.memory_space<hbm>>) target(%arg13 : memref<128x128xi32, #tpu.memory_space<vmem>>) offsets(%arg11 : memref<128xi32, #tpu.memory_space<vmem>>) semaphore(%arg19 : memref<!tpu.dma_semaphore, #tpu.memory_space<semaphore_mem>>)
    }
    %scan3A_10 = arith.constant 32 : i32
    %dma_wait3A = arith.constant 0 : i32
    %dma_wait3A_11 = arith.constant 0 : i32
    %dma_wait3A_12 = tpu.memref_slice %arg2[%dma_wait3A, %dma_wait3A_11] : memref<16384x128xi32, #tpu.memory_space<hbm>> -> memref<16384x128xi32, #tpu.memory_space<hbm>>
    tpu.wait_indirect_dma semaphore(%arg19 : memref<!tpu.dma_semaphore, #tpu.memory_space<semaphore_mem>>) src(%dma_wait3A_12 : memref<16384x128xi32, #tpu.memory_space<hbm>>) dst(%arg13 : memref<128x128xi32, #tpu.memory_space<vmem>>)
    %add3A_13 = arith.constant 8064 : i32
    %add3A_14 = arith.addi %mul3A_2, %add3A_13 : i32
    %dma_start3A_15 = arith.constant 0 : i32
    %dma_start3A_16 = tpu.memref_slice %arg5[%add3A_14, %dma_start3A_15] : memref<262144x128xi32, #tpu.memory_space<hbm>> -> memref<128x128xi32, #tpu.memory_space<hbm>>
    %dma_start3A_17 = arith.constant 0 : i32
    %dma_start3A_18 = tpu.memref_slice %arg5[%add3A_14, %dma_start3A_17] : memref<262144x128xi32, #tpu.memory_space<hbm>> -> memref<128x128xi32, #tpu.memory_space<hbm>>
    tpu.enqueue_dma source(%arg13 : memref<128x128xi32, #tpu.memory_space<vmem>>) target(%dma_start3A_18 : memref<128x128xi32, #tpu.memory_space<hbm>>) target_semaphore(%arg21 : memref<!tpu.dma_semaphore, #tpu.memory_space<semaphore_mem>>)
    %add3A_19 = arith.constant 8064 : i32
    %add3A_20 = arith.addi %mul3A_2, %add3A_19 : i32
    %dma_start3A_21 = arith.constant 0 : i32
    %dma_start3A_22 = tpu.memref_slice %arg6[%add3A_20, %dma_start3A_21] : memref<262144x4xf32, #tpu.memory_space<hbm>> -> memref<128x4xf32, #tpu.memory_space<hbm>>
    %dma_start3A_23 = arith.constant 0 : i32
    %dma_start3A_24 = tpu.memref_slice %arg6[%add3A_20, %dma_start3A_23] : memref<262144x4xf32, #tpu.memory_space<hbm>> -> memref<128x4xf32, #tpu.memory_space<hbm>>
    tpu.enqueue_dma source(%arg15 : memref<128x4xf32, #tpu.memory_space<vmem>>) target(%dma_start3A_24 : memref<128x4xf32, #tpu.memory_space<hbm>>) target_semaphore(%arg21 : memref<!tpu.dma_semaphore, #tpu.memory_space<semaphore_mem>>)
    %add3A_25 = arith.constant 7936 : i32
    %add3A_26 = arith.addi %mul3A_2, %add3A_25 : i32
    %dma_wait3A_27 = arith.constant 0 : i32
    %dma_wait3A_28 = tpu.memref_slice %arg5[%add3A_26, %dma_wait3A_27] : memref<262144x128xi32, #tpu.memory_space<hbm>> -> memref<128x128xi32, #tpu.memory_space<hbm>>
    %dma_wait3A_29 = arith.constant 0 : i32
    %dma_wait3A_30 = tpu.memref_slice %arg5[%add3A_26, %dma_wait3A_29] : memref<262144x128xi32, #tpu.memory_space<hbm>> -> memref<128x128xi32, #tpu.memory_space<hbm>>
    tpu.wait_dma2 semaphore(%arg20 : memref<!tpu.dma_semaphore, #tpu.memory_space<semaphore_mem>>) src(%arg12 : memref<128x128xi32, #tpu.memory_space<vmem>>) dst(%dma_wait3A_30 : memref<128x128xi32, #tpu.memory_space<hbm>>)
    %add3A_31 = arith.constant 7936 : i32
    %add3A_32 = arith.addi %mul3A_2, %add3A_31 : i32
    %dma_wait3A_33 = arith.constant 0 : i32
    %dma_wait3A_34 = tpu.memref_slice %arg6[%add3A_32, %dma_wait3A_33] : memref<262144x4xf32, #tpu.memory_space<hbm>> -> memref<128x4xf32, #tpu.memory_space<hbm>>
    %dma_wait3A_35 = arith.constant 0 : i32
    %dma_wait3A_36 = tpu.memref_slice %arg6[%add3A_32, %dma_wait3A_35] : memref<262144x4xf32, #tpu.memory_space<hbm>> -> memref<128x4xf32, #tpu.memory_space<hbm>>
    tpu.wait_dma2 semaphore(%arg20 : memref<!tpu.dma_semaphore, #tpu.memory_space<semaphore_mem>>) src(%arg14 : memref<128x4xf32, #tpu.memory_space<vmem>>) dst(%dma_wait3A_36 : memref<128x4xf32, #tpu.memory_space<hbm>>)
    %add3A_37 = arith.constant 8064 : i32
    %add3A_38 = arith.addi %mul3A_2, %add3A_37 : i32
    %dma_wait3A_39 = arith.constant 0 : i32
    %dma_wait3A_40 = tpu.memref_slice %arg5[%add3A_38, %dma_wait3A_39] : memref<262144x128xi32, #tpu.memory_space<hbm>> -> memref<128x128xi32, #tpu.memory_space<hbm>>
    %dma_wait3A_41 = arith.constant 0 : i32
    %dma_wait3A_42 = tpu.memref_slice %arg5[%add3A_38, %dma_wait3A_41] : memref<262144x128xi32, #tpu.memory_space<hbm>> -> memref<128x128xi32, #tpu.memory_space<hbm>>
    tpu.wait_dma2 semaphore(%arg21 : memref<!tpu.dma_semaphore, #tpu.memory_space<semaphore_mem>>) src(%arg13 : memref<128x128xi32, #tpu.memory_space<vmem>>) dst(%dma_wait3A_42 : memref<128x128xi32, #tpu.memory_space<hbm>>)
    %add3A_43 = arith.constant 8064 : i32
    %add3A_44 = arith.addi %mul3A_2, %add3A_43 : i32
    %dma_wait3A_45 = arith.constant 0 : i32
    %dma_wait3A_46 = tpu.memref_slice %arg6[%add3A_44, %dma_wait3A_45] : memref<262144x4xf32, #tpu.memory_space<hbm>> -> memref<128x4xf32, #tpu.memory_space<hbm>>
    %dma_wait3A_47 = arith.constant 0 : i32
    %dma_wait3A_48 = tpu.memref_slice %arg6[%add3A_44, %dma_wait3A_47] : memref<262144x4xf32, #tpu.memory_space<hbm>> -> memref<128x4xf32, #tpu.memory_space<hbm>>
    tpu.wait_dma2 semaphore(%arg21 : memref<!tpu.dma_semaphore, #tpu.memory_space<semaphore_mem>>) src(%arg15 : memref<128x4xf32, #tpu.memory_space<vmem>>) dst(%dma_wait3A_48 : memref<128x4xf32, #tpu.memory_space<hbm>>)
    return
  }
}

#map = affine_map<(d0, d1) -> (0, 0)>
#map1 = affine_map<(d0, d1) -> (0)>
module attributes {stable_mosaic.version = 14 : i64} {
  func.func @gather_k(%arg0: i32, %arg1: i32, %arg2: memref<16384x128xi32, #tpu.memory_space<hbm>>, %arg3: memref<262144xi32, #tpu.memory_space<hbm>>, %arg4: memref<98304xf32, #tpu.memory_space<hbm>>, %arg5: memref<262144x128xi32, #tpu.memory_space<hbm>>, %arg6: memref<262144x4xf32, #tpu.memory_space<hbm>>, %arg7: memref<16384xf32, #tpu.memory_space<vmem>>, %arg8: memref<16384xf32, #tpu.memory_space<vmem>>, %arg9: memref<16384xf32, #tpu.memory_space<vmem>>, %arg10: memref<128xi32, #tpu.memory_space<vmem>>, %arg11: memref<128xi32, #tpu.memory_space<vmem>>, %arg12: memref<128x128xi32, #tpu.memory_space<vmem>>, %arg13: memref<128x128xi32, #tpu.memory_space<vmem>>, %arg14: memref<128x4xf32, #tpu.memory_space<vmem>>, %arg15: memref<128x4xf32, #tpu.memory_space<vmem>>, %arg16: memref<!tpu.dma_semaphore, #tpu.memory_space<semaphore_mem>>, %arg17: memref<!tpu.dma_semaphore, #tpu.memory_space<semaphore_mem>>, %arg18: memref<!tpu.dma_semaphore, #tpu.memory_space<semaphore_mem>>, %arg19: memref<!tpu.dma_semaphore, #tpu.memory_space<semaphore_mem>>, %arg20: memref<!tpu.dma_semaphore, #tpu.memory_space<semaphore_mem>>, %arg21: memref<!tpu.dma_semaphore, #tpu.memory_space<semaphore_mem>>) attributes {dimension_semantics = [#tpu.dimension_semantics<core_parallel>, #tpu.dimension_semantics<subcore_parallel>], iteration_bounds = array<i64: 2, 16>, scalar_prefetch = 0 : i64, scratch_operands = 15 : i64, tpu.core_type = #tpu.core_type<sc_vector_subcore>, window_params = [{transform_indices = #map}, {transform_indices = #map1}, {transform_indices = #map1}, {transform_indices = #map}, {transform_indices = #map}]} {
    %mul3A = arith.constant 2 : i32
    %mul3A_0 = arith.muli %arg1, %mul3A : i32
    %add3A = arith.addi %mul3A_0, %arg0 : i32
    %mul3A_1 = arith.constant 8192 : i32
    %mul3A_2 = arith.muli %add3A, %mul3A_1 : i32
    "tpu.region"() ({
      %run_scoped3A = tpu.sem_alloc : memref<!tpu.dma_semaphore, #tpu.memory_space<semaphore_mem>>
      %dma_start3A_49 = arith.constant 49152 : i32
      %dma_start3A_50 = tpu.memref_slice %arg4[%dma_start3A_49] : memref<98304xf32, #tpu.memory_space<hbm>> -> memref<16384xf32, #tpu.memory_space<hbm>>
      %dma_start3A_51 = arith.constant 49152 : i32
      %dma_start3A_52 = tpu.memref_slice %arg4[%dma_start3A_51] : memref<98304xf32, #tpu.memory_space<hbm>> -> memref<16384xf32, #tpu.memory_space<hbm>>
      tpu.enqueue_dma source(%dma_start3A_52 : memref<16384xf32, #tpu.memory_space<hbm>>) target(%arg7 : memref<16384xf32, #tpu.memory_space<vmem>>) target_semaphore(%run_scoped3A : memref<!tpu.dma_semaphore, #tpu.memory_space<semaphore_mem>>)
      %dma_wait3A_53 = arith.constant 49152 : i32
      %dma_wait3A_54 = tpu.memref_slice %arg4[%dma_wait3A_53] : memref<98304xf32, #tpu.memory_space<hbm>> -> memref<16384xf32, #tpu.memory_space<hbm>>
      %dma_wait3A_55 = arith.constant 49152 : i32
      %dma_wait3A_56 = tpu.memref_slice %arg4[%dma_wait3A_55] : memref<98304xf32, #tpu.memory_space<hbm>> -> memref<16384xf32, #tpu.memory_space<hbm>>
      tpu.wait_dma2 semaphore(%run_scoped3A : memref<!tpu.dma_semaphore, #tpu.memory_space<semaphore_mem>>) src(%dma_wait3A_56 : memref<16384xf32, #tpu.memory_space<hbm>>) dst(%arg7 : memref<16384xf32, #tpu.memory_space<vmem>>)
      tpu.yield
    }) : () -> ()
    "tpu.region"() ({
      %run_scoped3A = tpu.sem_alloc : memref<!tpu.dma_semaphore, #tpu.memory_space<semaphore_mem>>
      %dma_start3A_49 = arith.constant 65536 : i32
      %dma_start3A_50 = tpu.memref_slice %arg4[%dma_start3A_49] : memref<98304xf32, #tpu.memory_space<hbm>> -> memref<16384xf32, #tpu.memory_space<hbm>>
      %dma_start3A_51 = arith.constant 65536 : i32
      %dma_start3A_52 = tpu.memref_slice %arg4[%dma_start3A_51] : memref<98304xf32, #tpu.memory_space<hbm>> -> memref<16384xf32, #tpu.memory_space<hbm>>
      tpu.enqueue_dma source(%dma_start3A_52 : memref<16384xf32, #tpu.memory_space<hbm>>) target(%arg8 : memref<16384xf32, #tpu.memory_space<vmem>>) target_semaphore(%run_scoped3A : memref<!tpu.dma_semaphore, #tpu.memory_space<semaphore_mem>>)
      %dma_wait3A_53 = arith.constant 65536 : i32
      %dma_wait3A_54 = tpu.memref_slice %arg4[%dma_wait3A_53] : memref<98304xf32, #tpu.memory_space<hbm>> -> memref<16384xf32, #tpu.memory_space<hbm>>
      %dma_wait3A_55 = arith.constant 65536 : i32
      %dma_wait3A_56 = tpu.memref_slice %arg4[%dma_wait3A_55] : memref<98304xf32, #tpu.memory_space<hbm>> -> memref<16384xf32, #tpu.memory_space<hbm>>
      tpu.wait_dma2 semaphore(%run_scoped3A : memref<!tpu.dma_semaphore, #tpu.memory_space<semaphore_mem>>) src(%dma_wait3A_56 : memref<16384xf32, #tpu.memory_space<hbm>>) dst(%arg8 : memref<16384xf32, #tpu.memory_space<vmem>>)
      tpu.yield
    }) : () -> ()
    "tpu.region"() ({
      %run_scoped3A = tpu.sem_alloc : memref<!tpu.dma_semaphore, #tpu.memory_space<semaphore_mem>>
      %dma_start3A_49 = arith.constant 81920 : i32
      %dma_start3A_50 = tpu.memref_slice %arg4[%dma_start3A_49] : memref<98304xf32, #tpu.memory_space<hbm>> -> memref<16384xf32, #tpu.memory_space<hbm>>
      %dma_start3A_51 = arith.constant 81920 : i32
      %dma_start3A_52 = tpu.memref_slice %arg4[%dma_start3A_51] : memref<98304xf32, #tpu.memory_space<hbm>> -> memref<16384xf32, #tpu.memory_space<hbm>>
      tpu.enqueue_dma source(%dma_start3A_52 : memref<16384xf32, #tpu.memory_space<hbm>>) target(%arg9 : memref<16384xf32, #tpu.memory_space<vmem>>) target_semaphore(%run_scoped3A : memref<!tpu.dma_semaphore, #tpu.memory_space<semaphore_mem>>)
      %dma_wait3A_53 = arith.constant 81920 : i32
      %dma_wait3A_54 = tpu.memref_slice %arg4[%dma_wait3A_53] : memref<98304xf32, #tpu.memory_space<hbm>> -> memref<16384xf32, #tpu.memory_space<hbm>>
      %dma_wait3A_55 = arith.constant 81920 : i32
      %dma_wait3A_56 = tpu.memref_slice %arg4[%dma_wait3A_55] : memref<98304xf32, #tpu.memory_space<hbm>> -> memref<16384xf32, #tpu.memory_space<hbm>>
      tpu.wait_dma2 semaphore(%run_scoped3A : memref<!tpu.dma_semaphore, #tpu.memory_space<semaphore_mem>>) src(%dma_wait3A_56 : memref<16384xf32, #tpu.memory_space<hbm>>) dst(%arg9 : memref<16384xf32, #tpu.memory_space<vmem>>)
      tpu.yield
    }) : () -> ()
    %broadcast_in_dim3A = arith.constant 0.000000e+00 : f32
    %broadcast_in_dim3A_3 = vector.broadcast %broadcast_in_dim3A : f32 to vector<16xf32>
    %add3A_4 = arith.constant 0 : i32
    %add3A_5 = arith.addi %mul3A_2, %add3A_4 : i32
    %dma_start3A = tpu.memref_slice %arg3[%add3A_5] : memref<262144xi32, #tpu.memory_space<hbm>> -> memref<128xi32, #tpu.memory_space<hbm>>
    %dma_start3A_6 = tpu.memref_slice %arg3[%add3A_5] : memref<262144xi32, #tpu.memory_space<hbm>> -> memref<128xi32, #tpu.memory_space<hbm>>
    tpu.enqueue_dma source(%dma_start3A_6 : memref<128xi32, #tpu.memory_space<hbm>>) target(%arg10 : memref<128xi32, #tpu.memory_space<vmem>>) target_semaphore(%arg16 : memref<!tpu.dma_semaphore, #tpu.memory_space<semaphore_mem>>)
    %scan3A = arith.constant 0 : i32
    %scan3A_7 = arith.constant 32 : i32
    %scan3A_8 = arith.addi %scan3A, %scan3A_7 : i32
    %scan3A_9 = arith.constant 1 : i32
    scf.for %scan3A_49 = %scan3A to %scan3A_8 step %scan3A_9  : i32 {
      %mul3A_50 = arith.constant 2 : i32
      %mul3A_51 = arith.muli %scan3A_49, %mul3A_50 : i32
      %add3A_52 = arith.constant 0 : i32
      %add3A_53 = arith.addi %add3A_52, %mul3A_51 : i32
      %add3A_54 = arith.constant 0 : i32
      %add3A_55 = arith.addi %add3A_53, %add3A_54 : i32
      %ge3A = arith.constant 1 : i32
      %ge3A_56 = arith.cmpi sge, %add3A_55, %ge3A : i32
      %convert_element_type3A = arith.extui %ge3A_56 : i1 to i32
      %cond3A = arith.constant 0 : i32
      %cond3A_57 = arith.cmpi ne, %convert_element_type3A, %cond3A : i32
      scf.if %cond3A_57 {
        %dma_wait3A_373 = arith.constant 0 : i32
        %dma_wait3A_374 = arith.constant 0 : i32
        %dma_wait3A_375 = tpu.memref_slice %arg2[%dma_wait3A_373, %dma_wait3A_374] : memref<16384x128xi32, #tpu.memory_space<hbm>> -> memref<16384x128xi32, #tpu.memory_space<hbm>>
        tpu.wait_indirect_dma semaphore(%arg19 : memref<!tpu.dma_semaphore, #tpu.memory_space<semaphore_mem>>) src(%dma_wait3A_375 : memref<16384x128xi32, #tpu.memory_space<hbm>>) dst(%arg13 : memref<128x128xi32, #tpu.memory_space<vmem>>)
        %sub3A = arith.constant 1 : i32
        %sub3A_376 = arith.subi %add3A_55, %sub3A : i32
        %mul3A_377 = arith.constant 128 : i32
        %mul3A_378 = arith.muli %sub3A_376, %mul3A_377 : i32
        %add3A_379 = arith.addi %mul3A_2, %mul3A_378 : i32
        %dma_start3A_380 = arith.constant 0 : i32
        %dma_start3A_381 = tpu.memref_slice %arg5[%add3A_379, %dma_start3A_380] : memref<262144x128xi32, #tpu.memory_space<hbm>> -> memref<128x128xi32, #tpu.memory_space<hbm>>
        %dma_start3A_382 = arith.constant 0 : i32
        %dma_start3A_383 = tpu.memref_slice %arg5[%add3A_379, %dma_start3A_382] : memref<262144x128xi32, #tpu.memory_space<hbm>> -> memref<128x128xi32, #tpu.memory_space<hbm>>
        tpu.enqueue_dma source(%arg13 : memref<128x128xi32, #tpu.memory_space<vmem>>) target(%dma_start3A_383 : memref<128x128xi32, #tpu.memory_space<hbm>>) target_semaphore(%arg21 : memref<!tpu.dma_semaphore, #tpu.memory_space<semaphore_mem>>)
        %sub3A_384 = arith.constant 1 : i32
        %sub3A_385 = arith.subi %add3A_55, %sub3A_384 : i32
        %mul3A_386 = arith.constant 128 : i32
        %mul3A_387 = arith.muli %sub3A_385, %mul3A_386 : i32
        %add3A_388 = arith.addi %mul3A_2, %mul3A_387 : i32
        %dma_start3A_389 = arith.constant 0 : i32
        %dma_start3A_390 = tpu.memref_slice %arg6[%add3A_388, %dma_start3A_389] : memref<262144x4xf32, #tpu.memory_space<hbm>> -> memref<128x4xf32, #tpu.memory_space<hbm>>
        %dma_start3A_391 = arith.constant 0 : i32
        %dma_start3A_392 = tpu.memref_slice %arg6[%add3A_388, %dma_start3A_391] : memref<262144x4xf32, #tpu.memory_space<hbm>> -> memref<128x4xf32, #tpu.memory_space<hbm>>
        tpu.enqueue_dma source(%arg15 : memref<128x4xf32, #tpu.memory_space<vmem>>) target(%dma_start3A_392 : memref<128x4xf32, #tpu.memory_space<hbm>>) target_semaphore(%arg21 : memref<!tpu.dma_semaphore, #tpu.memory_space<semaphore_mem>>)
      } else {
      }
      %add3A_58 = arith.constant 1 : i32
      %add3A_59 = arith.addi %add3A_55, %add3A_58 : i32
      %lt3A = arith.constant 64 : i32
      %lt3A_60 = arith.cmpi slt, %add3A_59, %lt3A : i32
      %convert_element_type3A_61 = arith.extui %lt3A_60 : i1 to i32
      %cond3A_62 = arith.constant 0 : i32
      %cond3A_63 = arith.cmpi ne, %convert_element_type3A_61, %cond3A_62 : i32
      scf.if %cond3A_63 {
        %add3A_373 = arith.constant 1 : i32
        %add3A_374 = arith.addi %add3A_55, %add3A_373 : i32
        %mul3A_375 = arith.constant 128 : i32
        %mul3A_376 = arith.muli %add3A_374, %mul3A_375 : i32
        %add3A_377 = arith.addi %mul3A_2, %mul3A_376 : i32
        %dma_start3A_378 = tpu.memref_slice %arg3[%add3A_377] : memref<262144xi32, #tpu.memory_space<hbm>> -> memref<128xi32, #tpu.memory_space<hbm>>
        %dma_start3A_379 = tpu.memref_slice %arg3[%add3A_377] : memref<262144xi32, #tpu.memory_space<hbm>> -> memref<128xi32, #tpu.memory_space<hbm>>
        tpu.enqueue_dma source(%dma_start3A_379 : memref<128xi32, #tpu.memory_space<hbm>>) target(%arg11 : memref<128xi32, #tpu.memory_space<vmem>>) target_semaphore(%arg17 : memref<!tpu.dma_semaphore, #tpu.memory_space<semaphore_mem>>)
      } else {
      }
      %ge3A_64 = arith.constant 2 : i32
      %ge3A_65 = arith.cmpi sge, %add3A_55, %ge3A_64 : i32
      %convert_element_type3A_66 = arith.extui %ge3A_65 : i1 to i32
      %cond3A_67 = arith.constant 0 : i32
      %cond3A_68 = arith.cmpi ne, %convert_element_type3A_66, %cond3A_67 : i32
      scf.if %cond3A_68 {
        %sub3A = arith.constant 2 : i32
        %sub3A_373 = arith.subi %add3A_55, %sub3A : i32
        %mul3A_374 = arith.constant 128 : i32
        %mul3A_375 = arith.muli %sub3A_373, %mul3A_374 : i32
        %add3A_376 = arith.addi %mul3A_2, %mul3A_375 : i32
        %dma_wait3A_377 = arith.constant 0 : i32
        %dma_wait3A_378 = tpu.memref_slice %arg5[%add3A_376, %dma_wait3A_377] : memref<262144x128xi32, #tpu.memory_space<hbm>> -> memref<128x128xi32, #tpu.memory_space<hbm>>
        %dma_wait3A_379 = arith.constant 0 : i32
        %dma_wait3A_380 = tpu.memref_slice %arg5[%add3A_376, %dma_wait3A_379] : memref<262144x128xi32, #tpu.memory_space<hbm>> -> memref<128x128xi32, #tpu.memory_space<hbm>>
        tpu.wait_dma2 semaphore(%arg20 : memref<!tpu.dma_semaphore, #tpu.memory_space<semaphore_mem>>) src(%arg12 : memref<128x128xi32, #tpu.memory_space<vmem>>) dst(%dma_wait3A_380 : memref<128x128xi32, #tpu.memory_space<hbm>>)
        %sub3A_381 = arith.constant 2 : i32
        %sub3A_382 = arith.subi %add3A_55, %sub3A_381 : i32
        %mul3A_383 = arith.constant 128 : i32
        %mul3A_384 = arith.muli %sub3A_382, %mul3A_383 : i32
        %add3A_385 = arith.addi %mul3A_2, %mul3A_384 : i32
        %dma_wait3A_386 = arith.constant 0 : i32
        %dma_wait3A_387 = tpu.memref_slice %arg6[%add3A_385, %dma_wait3A_386] : memref<262144x4xf32, #tpu.memory_space<hbm>> -> memref<128x4xf32, #tpu.memory_space<hbm>>
        %dma_wait3A_388 = arith.constant 0 : i32
        %dma_wait3A_389 = tpu.memref_slice %arg6[%add3A_385, %dma_wait3A_388] : memref<262144x4xf32, #tpu.memory_space<hbm>> -> memref<128x4xf32, #tpu.memory_space<hbm>>
        tpu.wait_dma2 semaphore(%arg20 : memref<!tpu.dma_semaphore, #tpu.memory_space<semaphore_mem>>) src(%arg14 : memref<128x4xf32, #tpu.memory_space<vmem>>) dst(%dma_wait3A_389 : memref<128x4xf32, #tpu.memory_space<hbm>>)
      } else {
      }
      %mul3A_69 = arith.constant 128 : i32
      %mul3A_70 = arith.muli %add3A_55, %mul3A_69 : i32
      %add3A_71 = arith.addi %mul3A_2, %mul3A_70 : i32
      %dma_wait3A_72 = tpu.memref_slice %arg3[%add3A_71] : memref<262144xi32, #tpu.memory_space<hbm>> -> memref<128xi32, #tpu.memory_space<hbm>>
      %dma_wait3A_73 = tpu.memref_slice %arg3[%add3A_71] : memref<262144xi32, #tpu.memory_space<hbm>> -> memref<128xi32, #tpu.memory_space<hbm>>
      tpu.wait_dma2 semaphore(%arg16 : memref<!tpu.dma_semaphore, #tpu.memory_space<semaphore_mem>>) src(%dma_wait3A_73 : memref<128xi32, #tpu.memory_space<hbm>>) dst(%arg10 : memref<128xi32, #tpu.memory_space<vmem>>)
      %get3A = arith.constant 0 : index
      %get3A_74 = tpu.vector_load %arg10[%get3A] {strides = array<i32>} : memref<128xi32, #tpu.memory_space<vmem>>, vector<16xi32>,
      %iota3A = tpu.iota {dimensions = array<i32: 0>} : vector<16xi32>
      %add3A_75 = arith.constant 0 : i32
      %add3A_76 = vector.broadcast %add3A_75 : i32 to vector<16xi32>
      %add3A_77 = arith.addi %iota3A, %add3A_76 : vector<16xi32>
      %gather3A = tpu.vector_load_idx %arg7[%get3A_74] : memref<16384xf32, #tpu.memory_space<vmem>>[vector<16xi32>], vector<16xf32>,
      %gather3A_78 = tpu.vector_load_idx %arg8[%get3A_74] : memref<16384xf32, #tpu.memory_space<vmem>>[vector<16xi32>], vector<16xf32>,
      %gather3A_79 = tpu.vector_load_idx %arg9[%get3A_74] : memref<16384xf32, #tpu.memory_space<vmem>>[vector<16xi32>], vector<16xf32>,
      %broadcast_in_dim3A_80 = arith.constant 0 : i32
      %broadcast_in_dim3A_81 = vector.broadcast %broadcast_in_dim3A_80 : i32 to vector<16xi32>
      tpu.vector_store_idx %arg14[%add3A_77, %broadcast_in_dim3A_81], %gather3A : memref<128x4xf32, #tpu.memory_space<vmem>>[vector<16xi32>, vector<16xi32>], vector<16xf32>,
      %broadcast_in_dim3A_82 = arith.constant 1 : i32
      %broadcast_in_dim3A_83 = vector.broadcast %broadcast_in_dim3A_82 : i32 to vector<16xi32>
      tpu.vector_store_idx %arg14[%add3A_77, %broadcast_in_dim3A_83], %gather3A_78 : memref<128x4xf32, #tpu.memory_space<vmem>>[vector<16xi32>, vector<16xi32>], vector<16xf32>,
      %broadcast_in_dim3A_84 = arith.constant 2 : i32
      %broadcast_in_dim3A_85 = vector.broadcast %broadcast_in_dim3A_84 : i32 to vector<16xi32>
      tpu.vector_store_idx %arg14[%add3A_77, %broadcast_in_dim3A_85], %gather3A_79 : memref<128x4xf32, #tpu.memory_space<vmem>>[vector<16xi32>, vector<16xi32>], vector<16xf32>,
      %broadcast_in_dim3A_86 = arith.constant 3 : i32
      %broadcast_in_dim3A_87 = vector.broadcast %broadcast_in_dim3A_86 : i32 to vector<16xi32>
      tpu.vector_store_idx %arg14[%add3A_77, %broadcast_in_dim3A_87], %broadcast_in_dim3A_3 : memref<128x4xf32, #tpu.memory_space<vmem>>[vector<16xi32>, vector<16xi32>], vector<16xf32>,
      %get3A_88 = arith.constant 16 : index
      %get3A_89 = tpu.vector_load %arg10[%get3A_88] {strides = array<i32>} : memref<128xi32, #tpu.memory_space<vmem>>, vector<16xi32>,
      %iota3A_90 = tpu.iota {dimensions = array<i32: 0>} : vector<16xi32>
      %add3A_91 = arith.constant 16 : i32
      %add3A_92 = vector.broadcast %add3A_91 : i32 to vector<16xi32>
      %add3A_93 = arith.addi %iota3A_90, %add3A_92 : vector<16xi32>
      %gather3A_94 = tpu.vector_load_idx %arg7[%get3A_89] : memref<16384xf32, #tpu.memory_space<vmem>>[vector<16xi32>], vector<16xf32>,
      %gather3A_95 = tpu.vector_load_idx %arg8[%get3A_89] : memref<16384xf32, #tpu.memory_space<vmem>>[vector<16xi32>], vector<16xf32>,
      %gather3A_96 = tpu.vector_load_idx %arg9[%get3A_89] : memref<16384xf32, #tpu.memory_space<vmem>>[vector<16xi32>], vector<16xf32>,
      %broadcast_in_dim3A_97 = arith.constant 0 : i32
      %broadcast_in_dim3A_98 = vector.broadcast %broadcast_in_dim3A_97 : i32 to vector<16xi32>
      tpu.vector_store_idx %arg14[%add3A_93, %broadcast_in_dim3A_98], %gather3A_94 : memref<128x4xf32, #tpu.memory_space<vmem>>[vector<16xi32>, vector<16xi32>], vector<16xf32>,
      %broadcast_in_dim3A_99 = arith.constant 1 : i32
      %broadcast_in_dim3A_100 = vector.broadcast %broadcast_in_dim3A_99 : i32 to vector<16xi32>
      tpu.vector_store_idx %arg14[%add3A_93, %broadcast_in_dim3A_100], %gather3A_95 : memref<128x4xf32, #tpu.memory_space<vmem>>[vector<16xi32>, vector<16xi32>], vector<16xf32>,
      %broadcast_in_dim3A_101 = arith.constant 2 : i32
      %broadcast_in_dim3A_102 = vector.broadcast %broadcast_in_dim3A_101 : i32 to vector<16xi32>
      tpu.vector_store_idx %arg14[%add3A_93, %broadcast_in_dim3A_102], %gather3A_96 : memref<128x4xf32, #tpu.memory_space<vmem>>[vector<16xi32>, vector<16xi32>], vector<16xf32>,
      %broadcast_in_dim3A_103 = arith.constant 3 : i32
      %broadcast_in_dim3A_104 = vector.broadcast %broadcast_in_dim3A_103 : i32 to vector<16xi32>
      tpu.vector_store_idx %arg14[%add3A_93, %broadcast_in_dim3A_104], %broadcast_in_dim3A_3 : memref<128x4xf32, #tpu.memory_space<vmem>>[vector<16xi32>, vector<16xi32>], vector<16xf32>,
      %get3A_105 = arith.constant 32 : index
      %get3A_106 = tpu.vector_load %arg10[%get3A_105] {strides = array<i32>} : memref<128xi32, #tpu.memory_space<vmem>>, vector<16xi32>,
      %iota3A_107 = tpu.iota {dimensions = array<i32: 0>} : vector<16xi32>
      %add3A_108 = arith.constant 32 : i32
      %add3A_109 = vector.broadcast %add3A_108 : i32 to vector<16xi32>
      %add3A_110 = arith.addi %iota3A_107, %add3A_109 : vector<16xi32>
      %gather3A_111 = tpu.vector_load_idx %arg7[%get3A_106] : memref<16384xf32, #tpu.memory_space<vmem>>[vector<16xi32>], vector<16xf32>,
      %gather3A_112 = tpu.vector_load_idx %arg8[%get3A_106] : memref<16384xf32, #tpu.memory_space<vmem>>[vector<16xi32>], vector<16xf32>,
      %gather3A_113 = tpu.vector_load_idx %arg9[%get3A_106] : memref<16384xf32, #tpu.memory_space<vmem>>[vector<16xi32>], vector<16xf32>,
      %broadcast_in_dim3A_114 = arith.constant 0 : i32
      %broadcast_in_dim3A_115 = vector.broadcast %broadcast_in_dim3A_114 : i32 to vector<16xi32>
      tpu.vector_store_idx %arg14[%add3A_110, %broadcast_in_dim3A_115], %gather3A_111 : memref<128x4xf32, #tpu.memory_space<vmem>>[vector<16xi32>, vector<16xi32>], vector<16xf32>,
      %broadcast_in_dim3A_116 = arith.constant 1 : i32
      %broadcast_in_dim3A_117 = vector.broadcast %broadcast_in_dim3A_116 : i32 to vector<16xi32>
      tpu.vector_store_idx %arg14[%add3A_110, %broadcast_in_dim3A_117], %gather3A_112 : memref<128x4xf32, #tpu.memory_space<vmem>>[vector<16xi32>, vector<16xi32>], vector<16xf32>,
      %broadcast_in_dim3A_118 = arith.constant 2 : i32
      %broadcast_in_dim3A_119 = vector.broadcast %broadcast_in_dim3A_118 : i32 to vector<16xi32>
      tpu.vector_store_idx %arg14[%add3A_110, %broadcast_in_dim3A_119], %gather3A_113 : memref<128x4xf32, #tpu.memory_space<vmem>>[vector<16xi32>, vector<16xi32>], vector<16xf32>,
      %broadcast_in_dim3A_120 = arith.constant 3 : i32
      %broadcast_in_dim3A_121 = vector.broadcast %broadcast_in_dim3A_120 : i32 to vector<16xi32>
      tpu.vector_store_idx %arg14[%add3A_110, %broadcast_in_dim3A_121], %broadcast_in_dim3A_3 : memref<128x4xf32, #tpu.memory_space<vmem>>[vector<16xi32>, vector<16xi32>], vector<16xf32>,
      %get3A_122 = arith.constant 48 : index
      %get3A_123 = tpu.vector_load %arg10[%get3A_122] {strides = array<i32>} : memref<128xi32, #tpu.memory_space<vmem>>, vector<16xi32>,
      %iota3A_124 = tpu.iota {dimensions = array<i32: 0>} : vector<16xi32>
      %add3A_125 = arith.constant 48 : i32
      %add3A_126 = vector.broadcast %add3A_125 : i32 to vector<16xi32>
      %add3A_127 = arith.addi %iota3A_124, %add3A_126 : vector<16xi32>
      %gather3A_128 = tpu.vector_load_idx %arg7[%get3A_123] : memref<16384xf32, #tpu.memory_space<vmem>>[vector<16xi32>], vector<16xf32>,
      %gather3A_129 = tpu.vector_load_idx %arg8[%get3A_123] : memref<16384xf32, #tpu.memory_space<vmem>>[vector<16xi32>], vector<16xf32>,
      %gather3A_130 = tpu.vector_load_idx %arg9[%get3A_123] : memref<16384xf32, #tpu.memory_space<vmem>>[vector<16xi32>], vector<16xf32>,
      %broadcast_in_dim3A_131 = arith.constant 0 : i32
      %broadcast_in_dim3A_132 = vector.broadcast %broadcast_in_dim3A_131 : i32 to vector<16xi32>
      tpu.vector_store_idx %arg14[%add3A_127, %broadcast_in_dim3A_132], %gather3A_128 : memref<128x4xf32, #tpu.memory_space<vmem>>[vector<16xi32>, vector<16xi32>], vector<16xf32>,
      %broadcast_in_dim3A_133 = arith.constant 1 : i32
      %broadcast_in_dim3A_134 = vector.broadcast %broadcast_in_dim3A_133 : i32 to vector<16xi32>
      tpu.vector_store_idx %arg14[%add3A_127, %broadcast_in_dim3A_134], %gather3A_129 : memref<128x4xf32, #tpu.memory_space<vmem>>[vector<16xi32>, vector<16xi32>], vector<16xf32>,
      %broadcast_in_dim3A_135 = arith.constant 2 : i32
      %broadcast_in_dim3A_136 = vector.broadcast %broadcast_in_dim3A_135 : i32 to vector<16xi32>
      tpu.vector_store_idx %arg14[%add3A_127, %broadcast_in_dim3A_136], %gather3A_130 : memref<128x4xf32, #tpu.memory_space<vmem>>[vector<16xi32>, vector<16xi32>], vector<16xf32>,
      %broadcast_in_dim3A_137 = arith.constant 3 : i32
      %broadcast_in_dim3A_138 = vector.broadcast %broadcast_in_dim3A_137 : i32 to vector<16xi32>
      tpu.vector_store_idx %arg14[%add3A_127, %broadcast_in_dim3A_138], %broadcast_in_dim3A_3 : memref<128x4xf32, #tpu.memory_space<vmem>>[vector<16xi32>, vector<16xi32>], vector<16xf32>,
      %get3A_139 = arith.constant 64 : index
      %get3A_140 = tpu.vector_load %arg10[%get3A_139] {strides = array<i32>} : memref<128xi32, #tpu.memory_space<vmem>>, vector<16xi32>,
      %iota3A_141 = tpu.iota {dimensions = array<i32: 0>} : vector<16xi32>
      %add3A_142 = arith.constant 64 : i32
      %add3A_143 = vector.broadcast %add3A_142 : i32 to vector<16xi32>
      %add3A_144 = arith.addi %iota3A_141, %add3A_143 : vector<16xi32>
      %gather3A_145 = tpu.vector_load_idx %arg7[%get3A_140] : memref<16384xf32, #tpu.memory_space<vmem>>[vector<16xi32>], vector<16xf32>,
      %gather3A_146 = tpu.vector_load_idx %arg8[%get3A_140] : memref<16384xf32, #tpu.memory_space<vmem>>[vector<16xi32>], vector<16xf32>,
      %gather3A_147 = tpu.vector_load_idx %arg9[%get3A_140] : memref<16384xf32, #tpu.memory_space<vmem>>[vector<16xi32>], vector<16xf32>,
      %broadcast_in_dim3A_148 = arith.constant 0 : i32
      %broadcast_in_dim3A_149 = vector.broadcast %broadcast_in_dim3A_148 : i32 to vector<16xi32>
      tpu.vector_store_idx %arg14[%add3A_144, %broadcast_in_dim3A_149], %gather3A_145 : memref<128x4xf32, #tpu.memory_space<vmem>>[vector<16xi32>, vector<16xi32>], vector<16xf32>,
      %broadcast_in_dim3A_150 = arith.constant 1 : i32
      %broadcast_in_dim3A_151 = vector.broadcast %broadcast_in_dim3A_150 : i32 to vector<16xi32>
      tpu.vector_store_idx %arg14[%add3A_144, %broadcast_in_dim3A_151], %gather3A_146 : memref<128x4xf32, #tpu.memory_space<vmem>>[vector<16xi32>, vector<16xi32>], vector<16xf32>,
      %broadcast_in_dim3A_152 = arith.constant 2 : i32
      %broadcast_in_dim3A_153 = vector.broadcast %broadcast_in_dim3A_152 : i32 to vector<16xi32>
      tpu.vector_store_idx %arg14[%add3A_144, %broadcast_in_dim3A_153], %gather3A_147 : memref<128x4xf32, #tpu.memory_space<vmem>>[vector<16xi32>, vector<16xi32>], vector<16xf32>,
      %broadcast_in_dim3A_154 = arith.constant 3 : i32
      %broadcast_in_dim3A_155 = vector.broadcast %broadcast_in_dim3A_154 : i32 to vector<16xi32>
      tpu.vector_store_idx %arg14[%add3A_144, %broadcast_in_dim3A_155], %broadcast_in_dim3A_3 : memref<128x4xf32, #tpu.memory_space<vmem>>[vector<16xi32>, vector<16xi32>], vector<16xf32>,
      %get3A_156 = arith.constant 80 : index
      %get3A_157 = tpu.vector_load %arg10[%get3A_156] {strides = array<i32>} : memref<128xi32, #tpu.memory_space<vmem>>, vector<16xi32>,
      %iota3A_158 = tpu.iota {dimensions = array<i32: 0>} : vector<16xi32>
      %add3A_159 = arith.constant 80 : i32
      %add3A_160 = vector.broadcast %add3A_159 : i32 to vector<16xi32>
      %add3A_161 = arith.addi %iota3A_158, %add3A_160 : vector<16xi32>
      %gather3A_162 = tpu.vector_load_idx %arg7[%get3A_157] : memref<16384xf32, #tpu.memory_space<vmem>>[vector<16xi32>], vector<16xf32>,
      %gather3A_163 = tpu.vector_load_idx %arg8[%get3A_157] : memref<16384xf32, #tpu.memory_space<vmem>>[vector<16xi32>], vector<16xf32>,
      %gather3A_164 = tpu.vector_load_idx %arg9[%get3A_157] : memref<16384xf32, #tpu.memory_space<vmem>>[vector<16xi32>], vector<16xf32>,
      %broadcast_in_dim3A_165 = arith.constant 0 : i32
      %broadcast_in_dim3A_166 = vector.broadcast %broadcast_in_dim3A_165 : i32 to vector<16xi32>
      tpu.vector_store_idx %arg14[%add3A_161, %broadcast_in_dim3A_166], %gather3A_162 : memref<128x4xf32, #tpu.memory_space<vmem>>[vector<16xi32>, vector<16xi32>], vector<16xf32>,
      %broadcast_in_dim3A_167 = arith.constant 1 : i32
      %broadcast_in_dim3A_168 = vector.broadcast %broadcast_in_dim3A_167 : i32 to vector<16xi32>
      tpu.vector_store_idx %arg14[%add3A_161, %broadcast_in_dim3A_168], %gather3A_163 : memref<128x4xf32, #tpu.memory_space<vmem>>[vector<16xi32>, vector<16xi32>], vector<16xf32>,
      %broadcast_in_dim3A_169 = arith.constant 2 : i32
      %broadcast_in_dim3A_170 = vector.broadcast %broadcast_in_dim3A_169 : i32 to vector<16xi32>
      tpu.vector_store_idx %arg14[%add3A_161, %broadcast_in_dim3A_170], %gather3A_164 : memref<128x4xf32, #tpu.memory_space<vmem>>[vector<16xi32>, vector<16xi32>], vector<16xf32>,
      %broadcast_in_dim3A_171 = arith.constant 3 : i32
      %broadcast_in_dim3A_172 = vector.broadcast %broadcast_in_dim3A_171 : i32 to vector<16xi32>
      tpu.vector_store_idx %arg14[%add3A_161, %broadcast_in_dim3A_172], %broadcast_in_dim3A_3 : memref<128x4xf32, #tpu.memory_space<vmem>>[vector<16xi32>, vector<16xi32>], vector<16xf32>,
      %get3A_173 = arith.constant 96 : index
      %get3A_174 = tpu.vector_load %arg10[%get3A_173] {strides = array<i32>} : memref<128xi32, #tpu.memory_space<vmem>>, vector<16xi32>,
      %iota3A_175 = tpu.iota {dimensions = array<i32: 0>} : vector<16xi32>
      %add3A_176 = arith.constant 96 : i32
      %add3A_177 = vector.broadcast %add3A_176 : i32 to vector<16xi32>
      %add3A_178 = arith.addi %iota3A_175, %add3A_177 : vector<16xi32>
      %gather3A_179 = tpu.vector_load_idx %arg7[%get3A_174] : memref<16384xf32, #tpu.memory_space<vmem>>[vector<16xi32>], vector<16xf32>,
      %gather3A_180 = tpu.vector_load_idx %arg8[%get3A_174] : memref<16384xf32, #tpu.memory_space<vmem>>[vector<16xi32>], vector<16xf32>,
      %gather3A_181 = tpu.vector_load_idx %arg9[%get3A_174] : memref<16384xf32, #tpu.memory_space<vmem>>[vector<16xi32>], vector<16xf32>,
      %broadcast_in_dim3A_182 = arith.constant 0 : i32
      %broadcast_in_dim3A_183 = vector.broadcast %broadcast_in_dim3A_182 : i32 to vector<16xi32>
      tpu.vector_store_idx %arg14[%add3A_178, %broadcast_in_dim3A_183], %gather3A_179 : memref<128x4xf32, #tpu.memory_space<vmem>>[vector<16xi32>, vector<16xi32>], vector<16xf32>,
      %broadcast_in_dim3A_184 = arith.constant 1 : i32
      %broadcast_in_dim3A_185 = vector.broadcast %broadcast_in_dim3A_184 : i32 to vector<16xi32>
      tpu.vector_store_idx %arg14[%add3A_178, %broadcast_in_dim3A_185], %gather3A_180 : memref<128x4xf32, #tpu.memory_space<vmem>>[vector<16xi32>, vector<16xi32>], vector<16xf32>,
      %broadcast_in_dim3A_186 = arith.constant 2 : i32
      %broadcast_in_dim3A_187 = vector.broadcast %broadcast_in_dim3A_186 : i32 to vector<16xi32>
      tpu.vector_store_idx %arg14[%add3A_178, %broadcast_in_dim3A_187], %gather3A_181 : memref<128x4xf32, #tpu.memory_space<vmem>>[vector<16xi32>, vector<16xi32>], vector<16xf32>,
      %broadcast_in_dim3A_188 = arith.constant 3 : i32
      %broadcast_in_dim3A_189 = vector.broadcast %broadcast_in_dim3A_188 : i32 to vector<16xi32>
      tpu.vector_store_idx %arg14[%add3A_178, %broadcast_in_dim3A_189], %broadcast_in_dim3A_3 : memref<128x4xf32, #tpu.memory_space<vmem>>[vector<16xi32>, vector<16xi32>], vector<16xf32>,
      %get3A_190 = arith.constant 112 : index
      %get3A_191 = tpu.vector_load %arg10[%get3A_190] {strides = array<i32>} : memref<128xi32, #tpu.memory_space<vmem>>, vector<16xi32>,
      %iota3A_192 = tpu.iota {dimensions = array<i32: 0>} : vector<16xi32>
      %add3A_193 = arith.constant 112 : i32
      %add3A_194 = vector.broadcast %add3A_193 : i32 to vector<16xi32>
      %add3A_195 = arith.addi %iota3A_192, %add3A_194 : vector<16xi32>
      %gather3A_196 = tpu.vector_load_idx %arg7[%get3A_191] : memref<16384xf32, #tpu.memory_space<vmem>>[vector<16xi32>], vector<16xf32>,
      %gather3A_197 = tpu.vector_load_idx %arg8[%get3A_191] : memref<16384xf32, #tpu.memory_space<vmem>>[vector<16xi32>], vector<16xf32>,
      %gather3A_198 = tpu.vector_load_idx %arg9[%get3A_191] : memref<16384xf32, #tpu.memory_space<vmem>>[vector<16xi32>], vector<16xf32>,
      %broadcast_in_dim3A_199 = arith.constant 0 : i32
      %broadcast_in_dim3A_200 = vector.broadcast %broadcast_in_dim3A_199 : i32 to vector<16xi32>
      tpu.vector_store_idx %arg14[%add3A_195, %broadcast_in_dim3A_200], %gather3A_196 : memref<128x4xf32, #tpu.memory_space<vmem>>[vector<16xi32>, vector<16xi32>], vector<16xf32>,
      %broadcast_in_dim3A_201 = arith.constant 1 : i32
      %broadcast_in_dim3A_202 = vector.broadcast %broadcast_in_dim3A_201 : i32 to vector<16xi32>
      tpu.vector_store_idx %arg14[%add3A_195, %broadcast_in_dim3A_202], %gather3A_197 : memref<128x4xf32, #tpu.memory_space<vmem>>[vector<16xi32>, vector<16xi32>], vector<16xf32>,
      %broadcast_in_dim3A_203 = arith.constant 2 : i32
      %broadcast_in_dim3A_204 = vector.broadcast %broadcast_in_dim3A_203 : i32 to vector<16xi32>
      tpu.vector_store_idx %arg14[%add3A_195, %broadcast_in_dim3A_204], %gather3A_198 : memref<128x4xf32, #tpu.memory_space<vmem>>[vector<16xi32>, vector<16xi32>], vector<16xf32>,
      %broadcast_in_dim3A_205 = arith.constant 3 : i32
      %broadcast_in_dim3A_206 = vector.broadcast %broadcast_in_dim3A_205 : i32 to vector<16xi32>
      tpu.vector_store_idx %arg14[%add3A_195, %broadcast_in_dim3A_206], %broadcast_in_dim3A_3 : memref<128x4xf32, #tpu.memory_space<vmem>>[vector<16xi32>, vector<16xi32>], vector<16xf32>,
      %dma_start3A_207 = arith.constant 0 : i32
      %dma_start3A_208 = arith.constant 0 : i32
      %dma_start3A_209 = tpu.memref_slice %arg2[%dma_start3A_207, %dma_start3A_208] : memref<16384x128xi32, #tpu.memory_space<hbm>> -> memref<16384x128xi32, #tpu.memory_space<hbm>>
      tpu.enqueue_indirect_dma source(%dma_start3A_209 : memref<16384x128xi32, #tpu.memory_space<hbm>>) target(%arg12 : memref<128x128xi32, #tpu.memory_space<vmem>>) offsets(%arg10 : memref<128xi32, #tpu.memory_space<vmem>>) semaphore(%arg18 : memref<!tpu.dma_semaphore, #tpu.memory_space<semaphore_mem>>)
      %add3A_210 = arith.constant 1 : i32
      %add3A_211 = arith.addi %add3A_53, %add3A_210 : i32
      %ge3A_212 = arith.constant 1 : i32
      %ge3A_213 = arith.cmpi sge, %add3A_211, %ge3A_212 : i32
      %convert_element_type3A_214 = arith.extui %ge3A_213 : i1 to i32
      %cond3A_215 = arith.constant 0 : i32
      %cond3A_216 = arith.cmpi ne, %convert_element_type3A_214, %cond3A_215 : i32
      scf.if %cond3A_216 {
        %dma_wait3A_373 = arith.constant 0 : i32
        %dma_wait3A_374 = arith.constant 0 : i32
        %dma_wait3A_375 = tpu.memref_slice %arg2[%dma_wait3A_373, %dma_wait3A_374] : memref<16384x128xi32, #tpu.memory_space<hbm>> -> memref<16384x128xi32, #tpu.memory_space<hbm>>
        tpu.wait_indirect_dma semaphore(%arg18 : memref<!tpu.dma_semaphore, #tpu.memory_space<semaphore_mem>>) src(%dma_wait3A_375 : memref<16384x128xi32, #tpu.memory_space<hbm>>) dst(%arg12 : memref<128x128xi32, #tpu.memory_space<vmem>>)
        %sub3A = arith.constant 1 : i32
        %sub3A_376 = arith.subi %add3A_211, %sub3A : i32
        %mul3A_377 = arith.constant 128 : i32
        %mul3A_378 = arith.muli %sub3A_376, %mul3A_377 : i32
        %add3A_379 = arith.addi %mul3A_2, %mul3A_378 : i32
        %dma_start3A_380 = arith.constant 0 : i32
        %dma_start3A_381 = tpu.memref_slice %arg5[%add3A_379, %dma_start3A_380] : memref<262144x128xi32, #tpu.memory_space<hbm>> -> memref<128x128xi32, #tpu.memory_space<hbm>>
        %dma_start3A_382 = arith.constant 0 : i32
        %dma_start3A_383 = tpu.memref_slice %arg5[%add3A_379, %dma_start3A_382] : memref<262144x128xi32, #tpu.memory_space<hbm>> -> memref<128x128xi32, #tpu.memory_space<hbm>>
        tpu.enqueue_dma source(%arg12 : memref<128x128xi32, #tpu.memory_space<vmem>>) target(%dma_start3A_383 : memref<128x128xi32, #tpu.memory_space<hbm>>) target_semaphore(%arg20 : memref<!tpu.dma_semaphore, #tpu.memory_space<semaphore_mem>>)
        %sub3A_384 = arith.constant 1 : i32
        %sub3A_385 = arith.subi %add3A_211, %sub3A_384 : i32
        %mul3A_386 = arith.constant 128 : i32
        %mul3A_387 = arith.muli %sub3A_385, %mul3A_386 : i32
        %add3A_388 = arith.addi %mul3A_2, %mul3A_387 : i32
        %dma_start3A_389 = arith.constant 0 : i32
        %dma_start3A_390 = tpu.memref_slice %arg6[%add3A_388, %dma_start3A_389] : memref<262144x4xf32, #tpu.memory_space<hbm>> -> memref<128x4xf32, #tpu.memory_space<hbm>>
        %dma_start3A_391 = arith.constant 0 : i32
        %dma_start3A_392 = tpu.memref_slice %arg6[%add3A_388, %dma_start3A_391] : memref<262144x4xf32, #tpu.memory_space<hbm>> -> memref<128x4xf32, #tpu.memory_space<hbm>>
        tpu.enqueue_dma source(%arg14 : memref<128x4xf32, #tpu.memory_space<vmem>>) target(%dma_start3A_392 : memref<128x4xf32, #tpu.memory_space<hbm>>) target_semaphore(%arg20 : memref<!tpu.dma_semaphore, #tpu.memory_space<semaphore_mem>>)
      } else {
      }
      %add3A_217 = arith.constant 1 : i32
      %add3A_218 = arith.addi %add3A_211, %add3A_217 : i32
      %lt3A_219 = arith.constant 64 : i32
      %lt3A_220 = arith.cmpi slt, %add3A_218, %lt3A_219 : i32
      %convert_element_type3A_221 = arith.extui %lt3A_220 : i1 to i32
      %cond3A_222 = arith.constant 0 : i32
      %cond3A_223 = arith.cmpi ne, %convert_element_type3A_221, %cond3A_222 : i32
      scf.if %cond3A_223 {
        %add3A_373 = arith.constant 1 : i32
        %add3A_374 = arith.addi %add3A_211, %add3A_373 : i32
        %mul3A_375 = arith.constant 128 : i32
        %mul3A_376 = arith.muli %add3A_374, %mul3A_375 : i32
        %add3A_377 = arith.addi %mul3A_2, %mul3A_376 : i32
        %dma_start3A_378 = tpu.memref_slice %arg3[%add3A_377] : memref<262144xi32, #tpu.memory_space<hbm>> -> memref<128xi32, #tpu.memory_space<hbm>>
        %dma_start3A_379 = tpu.memref_slice %arg3[%add3A_377] : memref<262144xi32, #tpu.memory_space<hbm>> -> memref<128xi32, #tpu.memory_space<hbm>>
        tpu.enqueue_dma source(%dma_start3A_379 : memref<128xi32, #tpu.memory_space<hbm>>) target(%arg10 : memref<128xi32, #tpu.memory_space<vmem>>) target_semaphore(%arg16 : memref<!tpu.dma_semaphore, #tpu.memory_space<semaphore_mem>>)
      } else {
      }
      %ge3A_224 = arith.constant 2 : i32
      %ge3A_225 = arith.cmpi sge, %add3A_211, %ge3A_224 : i32
      %convert_element_type3A_226 = arith.extui %ge3A_225 : i1 to i32
      %cond3A_227 = arith.constant 0 : i32
      %cond3A_228 = arith.cmpi ne, %convert_element_type3A_226, %cond3A_227 : i32
      scf.if %cond3A_228 {
        %sub3A = arith.constant 2 : i32
        %sub3A_373 = arith.subi %add3A_211, %sub3A : i32
        %mul3A_374 = arith.constant 128 : i32
        %mul3A_375 = arith.muli %sub3A_373, %mul3A_374 : i32
        %add3A_376 = arith.addi %mul3A_2, %mul3A_375 : i32
        %dma_wait3A_377 = arith.constant 0 : i32
        %dma_wait3A_378 = tpu.memref_slice %arg5[%add3A_376, %dma_wait3A_377] : memref<262144x128xi32, #tpu.memory_space<hbm>> -> memref<128x128xi32, #tpu.memory_space<hbm>>
        %dma_wait3A_379 = arith.constant 0 : i32
        %dma_wait3A_380 = tpu.memref_slice %arg5[%add3A_376, %dma_wait3A_379] : memref<262144x128xi32, #tpu.memory_space<hbm>> -> memref<128x128xi32, #tpu.memory_space<hbm>>
        tpu.wait_dma2 semaphore(%arg21 : memref<!tpu.dma_semaphore, #tpu.memory_space<semaphore_mem>>) src(%arg13 : memref<128x128xi32, #tpu.memory_space<vmem>>) dst(%dma_wait3A_380 : memref<128x128xi32, #tpu.memory_space<hbm>>)
        %sub3A_381 = arith.constant 2 : i32
        %sub3A_382 = arith.subi %add3A_211, %sub3A_381 : i32
        %mul3A_383 = arith.constant 128 : i32
        %mul3A_384 = arith.muli %sub3A_382, %mul3A_383 : i32
        %add3A_385 = arith.addi %mul3A_2, %mul3A_384 : i32
        %dma_wait3A_386 = arith.constant 0 : i32
        %dma_wait3A_387 = tpu.memref_slice %arg6[%add3A_385, %dma_wait3A_386] : memref<262144x4xf32, #tpu.memory_space<hbm>> -> memref<128x4xf32, #tpu.memory_space<hbm>>
        %dma_wait3A_388 = arith.constant 0 : i32
        %dma_wait3A_389 = tpu.memref_slice %arg6[%add3A_385, %dma_wait3A_388] : memref<262144x4xf32, #tpu.memory_space<hbm>> -> memref<128x4xf32, #tpu.memory_space<hbm>>
        tpu.wait_dma2 semaphore(%arg21 : memref<!tpu.dma_semaphore, #tpu.memory_space<semaphore_mem>>) src(%arg15 : memref<128x4xf32, #tpu.memory_space<vmem>>) dst(%dma_wait3A_389 : memref<128x4xf32, #tpu.memory_space<hbm>>)
      } else {
      }
      %mul3A_229 = arith.constant 128 : i32
      %mul3A_230 = arith.muli %add3A_211, %mul3A_229 : i32
      %add3A_231 = arith.addi %mul3A_2, %mul3A_230 : i32
      %dma_wait3A_232 = tpu.memref_slice %arg3[%add3A_231] : memref<262144xi32, #tpu.memory_space<hbm>> -> memref<128xi32, #tpu.memory_space<hbm>>
      %dma_wait3A_233 = tpu.memref_slice %arg3[%add3A_231] : memref<262144xi32, #tpu.memory_space<hbm>> -> memref<128xi32, #tpu.memory_space<hbm>>
      tpu.wait_dma2 semaphore(%arg17 : memref<!tpu.dma_semaphore, #tpu.memory_space<semaphore_mem>>) src(%dma_wait3A_233 : memref<128xi32, #tpu.memory_space<hbm>>) dst(%arg11 : memref<128xi32, #tpu.memory_space<vmem>>)
      %get3A_234 = arith.constant 0 : index
      %get3A_235 = tpu.vector_load %arg11[%get3A_234] {strides = array<i32>} : memref<128xi32, #tpu.memory_space<vmem>>, vector<16xi32>,
      %iota3A_236 = tpu.iota {dimensions = array<i32: 0>} : vector<16xi32>
      %add3A_237 = arith.constant 0 : i32
      %add3A_238 = vector.broadcast %add3A_237 : i32 to vector<16xi32>
      %add3A_239 = arith.addi %iota3A_236, %add3A_238 : vector<16xi32>
      %gather3A_240 = tpu.vector_load_idx %arg7[%get3A_235] : memref<16384xf32, #tpu.memory_space<vmem>>[vector<16xi32>], vector<16xf32>,
      %gather3A_241 = tpu.vector_load_idx %arg8[%get3A_235] : memref<16384xf32, #tpu.memory_space<vmem>>[vector<16xi32>], vector<16xf32>,
      %gather3A_242 = tpu.vector_load_idx %arg9[%get3A_235] : memref<16384xf32, #tpu.memory_space<vmem>>[vector<16xi32>], vector<16xf32>,
      %broadcast_in_dim3A_243 = arith.constant 0 : i32
      %broadcast_in_dim3A_244 = vector.broadcast %broadcast_in_dim3A_243 : i32 to vector<16xi32>
      tpu.vector_store_idx %arg15[%add3A_239, %broadcast_in_dim3A_244], %gather3A_240 : memref<128x4xf32, #tpu.memory_space<vmem>>[vector<16xi32>, vector<16xi32>], vector<16xf32>,
      %broadcast_in_dim3A_245 = arith.constant 1 : i32
      %broadcast_in_dim3A_246 = vector.broadcast %broadcast_in_dim3A_245 : i32 to vector<16xi32>
      tpu.vector_store_idx %arg15[%add3A_239, %broadcast_in_dim3A_246], %gather3A_241 : memref<128x4xf32, #tpu.memory_space<vmem>>[vector<16xi32>, vector<16xi32>], vector<16xf32>,
      %broadcast_in_dim3A_247 = arith.constant 2 : i32
      %broadcast_in_dim3A_248 = vector.broadcast %broadcast_in_dim3A_247 : i32 to vector<16xi32>
      tpu.vector_store_idx %arg15[%add3A_239, %broadcast_in_dim3A_248], %gather3A_242 : memref<128x4xf32, #tpu.memory_space<vmem>>[vector<16xi32>, vector<16xi32>], vector<16xf32>,
      %broadcast_in_dim3A_249 = arith.constant 3 : i32
      %broadcast_in_dim3A_250 = vector.broadcast %broadcast_in_dim3A_249 : i32 to vector<16xi32>
      tpu.vector_store_idx %arg15[%add3A_239, %broadcast_in_dim3A_250], %broadcast_in_dim3A_3 : memref<128x4xf32, #tpu.memory_space<vmem>>[vector<16xi32>, vector<16xi32>], vector<16xf32>,
      %get3A_251 = arith.constant 16 : index
      %get3A_252 = tpu.vector_load %arg11[%get3A_251] {strides = array<i32>} : memref<128xi32, #tpu.memory_space<vmem>>, vector<16xi32>,
      %iota3A_253 = tpu.iota {dimensions = array<i32: 0>} : vector<16xi32>
      %add3A_254 = arith.constant 16 : i32
      %add3A_255 = vector.broadcast %add3A_254 : i32 to vector<16xi32>
      %add3A_256 = arith.addi %iota3A_253, %add3A_255 : vector<16xi32>
      %gather3A_257 = tpu.vector_load_idx %arg7[%get3A_252] : memref<16384xf32, #tpu.memory_space<vmem>>[vector<16xi32>], vector<16xf32>,
      %gather3A_258 = tpu.vector_load_idx %arg8[%get3A_252] : memref<16384xf32, #tpu.memory_space<vmem>>[vector<16xi32>], vector<16xf32>,
      %gather3A_259 = tpu.vector_load_idx %arg9[%get3A_252] : memref<16384xf32, #tpu.memory_space<vmem>>[vector<16xi32>], vector<16xf32>,
      %broadcast_in_dim3A_260 = arith.constant 0 : i32
      %broadcast_in_dim3A_261 = vector.broadcast %broadcast_in_dim3A_260 : i32 to vector<16xi32>
      tpu.vector_store_idx %arg15[%add3A_256, %broadcast_in_dim3A_261], %gather3A_257 : memref<128x4xf32, #tpu.memory_space<vmem>>[vector<16xi32>, vector<16xi32>], vector<16xf32>,
      %broadcast_in_dim3A_262 = arith.constant 1 : i32
      %broadcast_in_dim3A_263 = vector.broadcast %broadcast_in_dim3A_262 : i32 to vector<16xi32>
      tpu.vector_store_idx %arg15[%add3A_256, %broadcast_in_dim3A_263], %gather3A_258 : memref<128x4xf32, #tpu.memory_space<vmem>>[vector<16xi32>, vector<16xi32>], vector<16xf32>,
      %broadcast_in_dim3A_264 = arith.constant 2 : i32
      %broadcast_in_dim3A_265 = vector.broadcast %broadcast_in_dim3A_264 : i32 to vector<16xi32>
      tpu.vector_store_idx %arg15[%add3A_256, %broadcast_in_dim3A_265], %gather3A_259 : memref<128x4xf32, #tpu.memory_space<vmem>>[vector<16xi32>, vector<16xi32>], vector<16xf32>,
      %broadcast_in_dim3A_266 = arith.constant 3 : i32
      %broadcast_in_dim3A_267 = vector.broadcast %broadcast_in_dim3A_266 : i32 to vector<16xi32>
      tpu.vector_store_idx %arg15[%add3A_256, %broadcast_in_dim3A_267], %broadcast_in_dim3A_3 : memref<128x4xf32, #tpu.memory_space<vmem>>[vector<16xi32>, vector<16xi32>], vector<16xf32>,
      %get3A_268 = arith.constant 32 : index
      %get3A_269 = tpu.vector_load %arg11[%get3A_268] {strides = array<i32>} : memref<128xi32, #tpu.memory_space<vmem>>, vector<16xi32>,
      %iota3A_270 = tpu.iota {dimensions = array<i32: 0>} : vector<16xi32>
      %add3A_271 = arith.constant 32 : i32
      %add3A_272 = vector.broadcast %add3A_271 : i32 to vector<16xi32>
      %add3A_273 = arith.addi %iota3A_270, %add3A_272 : vector<16xi32>
      %gather3A_274 = tpu.vector_load_idx %arg7[%get3A_269] : memref<16384xf32, #tpu.memory_space<vmem>>[vector<16xi32>], vector<16xf32>,
      %gather3A_275 = tpu.vector_load_idx %arg8[%get3A_269] : memref<16384xf32, #tpu.memory_space<vmem>>[vector<16xi32>], vector<16xf32>,
      %gather3A_276 = tpu.vector_load_idx %arg9[%get3A_269] : memref<16384xf32, #tpu.memory_space<vmem>>[vector<16xi32>], vector<16xf32>,
      %broadcast_in_dim3A_277 = arith.constant 0 : i32
      %broadcast_in_dim3A_278 = vector.broadcast %broadcast_in_dim3A_277 : i32 to vector<16xi32>
      tpu.vector_store_idx %arg15[%add3A_273, %broadcast_in_dim3A_278], %gather3A_274 : memref<128x4xf32, #tpu.memory_space<vmem>>[vector<16xi32>, vector<16xi32>], vector<16xf32>,
      %broadcast_in_dim3A_279 = arith.constant 1 : i32
      %broadcast_in_dim3A_280 = vector.broadcast %broadcast_in_dim3A_279 : i32 to vector<16xi32>
      tpu.vector_store_idx %arg15[%add3A_273, %broadcast_in_dim3A_280], %gather3A_275 : memref<128x4xf32, #tpu.memory_space<vmem>>[vector<16xi32>, vector<16xi32>], vector<16xf32>,
      %broadcast_in_dim3A_281 = arith.constant 2 : i32
      %broadcast_in_dim3A_282 = vector.broadcast %broadcast_in_dim3A_281 : i32 to vector<16xi32>
      tpu.vector_store_idx %arg15[%add3A_273, %broadcast_in_dim3A_282], %gather3A_276 : memref<128x4xf32, #tpu.memory_space<vmem>>[vector<16xi32>, vector<16xi32>], vector<16xf32>,
      %broadcast_in_dim3A_283 = arith.constant 3 : i32
      %broadcast_in_dim3A_284 = vector.broadcast %broadcast_in_dim3A_283 : i32 to vector<16xi32>
      tpu.vector_store_idx %arg15[%add3A_273, %broadcast_in_dim3A_284], %broadcast_in_dim3A_3 : memref<128x4xf32, #tpu.memory_space<vmem>>[vector<16xi32>, vector<16xi32>], vector<16xf32>,
      %get3A_285 = arith.constant 48 : index
      %get3A_286 = tpu.vector_load %arg11[%get3A_285] {strides = array<i32>} : memref<128xi32, #tpu.memory_space<vmem>>, vector<16xi32>,
      %iota3A_287 = tpu.iota {dimensions = array<i32: 0>} : vector<16xi32>
      %add3A_288 = arith.constant 48 : i32
      %add3A_289 = vector.broadcast %add3A_288 : i32 to vector<16xi32>
      %add3A_290 = arith.addi %iota3A_287, %add3A_289 : vector<16xi32>
      %gather3A_291 = tpu.vector_load_idx %arg7[%get3A_286] : memref<16384xf32, #tpu.memory_space<vmem>>[vector<16xi32>], vector<16xf32>,
      %gather3A_292 = tpu.vector_load_idx %arg8[%get3A_286] : memref<16384xf32, #tpu.memory_space<vmem>>[vector<16xi32>], vector<16xf32>,
      %gather3A_293 = tpu.vector_load_idx %arg9[%get3A_286] : memref<16384xf32, #tpu.memory_space<vmem>>[vector<16xi32>], vector<16xf32>,
      %broadcast_in_dim3A_294 = arith.constant 0 : i32
      %broadcast_in_dim3A_295 = vector.broadcast %broadcast_in_dim3A_294 : i32 to vector<16xi32>
      tpu.vector_store_idx %arg15[%add3A_290, %broadcast_in_dim3A_295], %gather3A_291 : memref<128x4xf32, #tpu.memory_space<vmem>>[vector<16xi32>, vector<16xi32>], vector<16xf32>,
      %broadcast_in_dim3A_296 = arith.constant 1 : i32
      %broadcast_in_dim3A_297 = vector.broadcast %broadcast_in_dim3A_296 : i32 to vector<16xi32>
      tpu.vector_store_idx %arg15[%add3A_290, %broadcast_in_dim3A_297], %gather3A_292 : memref<128x4xf32, #tpu.memory_space<vmem>>[vector<16xi32>, vector<16xi32>], vector<16xf32>,
      %broadcast_in_dim3A_298 = arith.constant 2 : i32
      %broadcast_in_dim3A_299 = vector.broadcast %broadcast_in_dim3A_298 : i32 to vector<16xi32>
      tpu.vector_store_idx %arg15[%add3A_290, %broadcast_in_dim3A_299], %gather3A_293 : memref<128x4xf32, #tpu.memory_space<vmem>>[vector<16xi32>, vector<16xi32>], vector<16xf32>,
      %broadcast_in_dim3A_300 = arith.constant 3 : i32
      %broadcast_in_dim3A_301 = vector.broadcast %broadcast_in_dim3A_300 : i32 to vector<16xi32>
      tpu.vector_store_idx %arg15[%add3A_290, %broadcast_in_dim3A_301], %broadcast_in_dim3A_3 : memref<128x4xf32, #tpu.memory_space<vmem>>[vector<16xi32>, vector<16xi32>], vector<16xf32>,
      %get3A_302 = arith.constant 64 : index
      %get3A_303 = tpu.vector_load %arg11[%get3A_302] {strides = array<i32>} : memref<128xi32, #tpu.memory_space<vmem>>, vector<16xi32>,
      %iota3A_304 = tpu.iota {dimensions = array<i32: 0>} : vector<16xi32>
      %add3A_305 = arith.constant 64 : i32
      %add3A_306 = vector.broadcast %add3A_305 : i32 to vector<16xi32>
      %add3A_307 = arith.addi %iota3A_304, %add3A_306 : vector<16xi32>
      %gather3A_308 = tpu.vector_load_idx %arg7[%get3A_303] : memref<16384xf32, #tpu.memory_space<vmem>>[vector<16xi32>], vector<16xf32>,
      %gather3A_309 = tpu.vector_load_idx %arg8[%get3A_303] : memref<16384xf32, #tpu.memory_space<vmem>>[vector<16xi32>], vector<16xf32>,
      %gather3A_310 = tpu.vector_load_idx %arg9[%get3A_303] : memref<16384xf32, #tpu.memory_space<vmem>>[vector<16xi32>], vector<16xf32>,
      %broadcast_in_dim3A_311 = arith.constant 0 : i32
      %broadcast_in_dim3A_312 = vector.broadcast %broadcast_in_dim3A_311 : i32 to vector<16xi32>
      tpu.vector_store_idx %arg15[%add3A_307, %broadcast_in_dim3A_312], %gather3A_308 : memref<128x4xf32, #tpu.memory_space<vmem>>[vector<16xi32>, vector<16xi32>], vector<16xf32>,
      %broadcast_in_dim3A_313 = arith.constant 1 : i32
      %broadcast_in_dim3A_314 = vector.broadcast %broadcast_in_dim3A_313 : i32 to vector<16xi32>
      tpu.vector_store_idx %arg15[%add3A_307, %broadcast_in_dim3A_314], %gather3A_309 : memref<128x4xf32, #tpu.memory_space<vmem>>[vector<16xi32>, vector<16xi32>], vector<16xf32>,
      %broadcast_in_dim3A_315 = arith.constant 2 : i32
      %broadcast_in_dim3A_316 = vector.broadcast %broadcast_in_dim3A_315 : i32 to vector<16xi32>
      tpu.vector_store_idx %arg15[%add3A_307, %broadcast_in_dim3A_316], %gather3A_310 : memref<128x4xf32, #tpu.memory_space<vmem>>[vector<16xi32>, vector<16xi32>], vector<16xf32>,
      %broadcast_in_dim3A_317 = arith.constant 3 : i32
      %broadcast_in_dim3A_318 = vector.broadcast %broadcast_in_dim3A_317 : i32 to vector<16xi32>
      tpu.vector_store_idx %arg15[%add3A_307, %broadcast_in_dim3A_318], %broadcast_in_dim3A_3 : memref<128x4xf32, #tpu.memory_space<vmem>>[vector<16xi32>, vector<16xi32>], vector<16xf32>,
      %get3A_319 = arith.constant 80 : index
      %get3A_320 = tpu.vector_load %arg11[%get3A_319] {strides = array<i32>} : memref<128xi32, #tpu.memory_space<vmem>>, vector<16xi32>,
      %iota3A_321 = tpu.iota {dimensions = array<i32: 0>} : vector<16xi32>
      %add3A_322 = arith.constant 80 : i32
      %add3A_323 = vector.broadcast %add3A_322 : i32 to vector<16xi32>
      %add3A_324 = arith.addi %iota3A_321, %add3A_323 : vector<16xi32>
      %gather3A_325 = tpu.vector_load_idx %arg7[%get3A_320] : memref<16384xf32, #tpu.memory_space<vmem>>[vector<16xi32>], vector<16xf32>,
      %gather3A_326 = tpu.vector_load_idx %arg8[%get3A_320] : memref<16384xf32, #tpu.memory_space<vmem>>[vector<16xi32>], vector<16xf32>,
      %gather3A_327 = tpu.vector_load_idx %arg9[%get3A_320] : memref<16384xf32, #tpu.memory_space<vmem>>[vector<16xi32>], vector<16xf32>,
      %broadcast_in_dim3A_328 = arith.constant 0 : i32
      %broadcast_in_dim3A_329 = vector.broadcast %broadcast_in_dim3A_328 : i32 to vector<16xi32>
      tpu.vector_store_idx %arg15[%add3A_324, %broadcast_in_dim3A_329], %gather3A_325 : memref<128x4xf32, #tpu.memory_space<vmem>>[vector<16xi32>, vector<16xi32>], vector<16xf32>,
      %broadcast_in_dim3A_330 = arith.constant 1 : i32
      %broadcast_in_dim3A_331 = vector.broadcast %broadcast_in_dim3A_330 : i32 to vector<16xi32>
      tpu.vector_store_idx %arg15[%add3A_324, %broadcast_in_dim3A_331], %gather3A_326 : memref<128x4xf32, #tpu.memory_space<vmem>>[vector<16xi32>, vector<16xi32>], vector<16xf32>,
      %broadcast_in_dim3A_332 = arith.constant 2 : i32
      %broadcast_in_dim3A_333 = vector.broadcast %broadcast_in_dim3A_332 : i32 to vector<16xi32>
      tpu.vector_store_idx %arg15[%add3A_324, %broadcast_in_dim3A_333], %gather3A_327 : memref<128x4xf32, #tpu.memory_space<vmem>>[vector<16xi32>, vector<16xi32>], vector<16xf32>,
      %broadcast_in_dim3A_334 = arith.constant 3 : i32
      %broadcast_in_dim3A_335 = vector.broadcast %broadcast_in_dim3A_334 : i32 to vector<16xi32>
      tpu.vector_store_idx %arg15[%add3A_324, %broadcast_in_dim3A_335], %broadcast_in_dim3A_3 : memref<128x4xf32, #tpu.memory_space<vmem>>[vector<16xi32>, vector<16xi32>], vector<16xf32>,
      %get3A_336 = arith.constant 96 : index
      %get3A_337 = tpu.vector_load %arg11[%get3A_336] {strides = array<i32>} : memref<128xi32, #tpu.memory_space<vmem>>, vector<16xi32>,
      %iota3A_338 = tpu.iota {dimensions = array<i32: 0>} : vector<16xi32>
      %add3A_339 = arith.constant 96 : i32
      %add3A_340 = vector.broadcast %add3A_339 : i32 to vector<16xi32>
      %add3A_341 = arith.addi %iota3A_338, %add3A_340 : vector<16xi32>
      %gather3A_342 = tpu.vector_load_idx %arg7[%get3A_337] : memref<16384xf32, #tpu.memory_space<vmem>>[vector<16xi32>], vector<16xf32>,
      %gather3A_343 = tpu.vector_load_idx %arg8[%get3A_337] : memref<16384xf32, #tpu.memory_space<vmem>>[vector<16xi32>], vector<16xf32>,
      %gather3A_344 = tpu.vector_load_idx %arg9[%get3A_337] : memref<16384xf32, #tpu.memory_space<vmem>>[vector<16xi32>], vector<16xf32>,
      %broadcast_in_dim3A_345 = arith.constant 0 : i32
      %broadcast_in_dim3A_346 = vector.broadcast %broadcast_in_dim3A_345 : i32 to vector<16xi32>
      tpu.vector_store_idx %arg15[%add3A_341, %broadcast_in_dim3A_346], %gather3A_342 : memref<128x4xf32, #tpu.memory_space<vmem>>[vector<16xi32>, vector<16xi32>], vector<16xf32>,
      %broadcast_in_dim3A_347 = arith.constant 1 : i32
      %broadcast_in_dim3A_348 = vector.broadcast %broadcast_in_dim3A_347 : i32 to vector<16xi32>
      tpu.vector_store_idx %arg15[%add3A_341, %broadcast_in_dim3A_348], %gather3A_343 : memref<128x4xf32, #tpu.memory_space<vmem>>[vector<16xi32>, vector<16xi32>], vector<16xf32>,
      %broadcast_in_dim3A_349 = arith.constant 2 : i32
      %broadcast_in_dim3A_350 = vector.broadcast %broadcast_in_dim3A_349 : i32 to vector<16xi32>
      tpu.vector_store_idx %arg15[%add3A_341, %broadcast_in_dim3A_350], %gather3A_344 : memref<128x4xf32, #tpu.memory_space<vmem>>[vector<16xi32>, vector<16xi32>], vector<16xf32>,
      %broadcast_in_dim3A_351 = arith.constant 3 : i32
      %broadcast_in_dim3A_352 = vector.broadcast %broadcast_in_dim3A_351 : i32 to vector<16xi32>
      tpu.vector_store_idx %arg15[%add3A_341, %broadcast_in_dim3A_352], %broadcast_in_dim3A_3 : memref<128x4xf32, #tpu.memory_space<vmem>>[vector<16xi32>, vector<16xi32>], vector<16xf32>,
      %get3A_353 = arith.constant 112 : index
      %get3A_354 = tpu.vector_load %arg11[%get3A_353] {strides = array<i32>} : memref<128xi32, #tpu.memory_space<vmem>>, vector<16xi32>,
      %iota3A_355 = tpu.iota {dimensions = array<i32: 0>} : vector<16xi32>
      %add3A_356 = arith.constant 112 : i32
      %add3A_357 = vector.broadcast %add3A_356 : i32 to vector<16xi32>
      %add3A_358 = arith.addi %iota3A_355, %add3A_357 : vector<16xi32>
      %gather3A_359 = tpu.vector_load_idx %arg7[%get3A_354] : memref<16384xf32, #tpu.memory_space<vmem>>[vector<16xi32>], vector<16xf32>,
      %gather3A_360 = tpu.vector_load_idx %arg8[%get3A_354] : memref<16384xf32, #tpu.memory_space<vmem>>[vector<16xi32>], vector<16xf32>,
      %gather3A_361 = tpu.vector_load_idx %arg9[%get3A_354] : memref<16384xf32, #tpu.memory_space<vmem>>[vector<16xi32>], vector<16xf32>,
      %broadcast_in_dim3A_362 = arith.constant 0 : i32
      %broadcast_in_dim3A_363 = vector.broadcast %broadcast_in_dim3A_362 : i32 to vector<16xi32>
      tpu.vector_store_idx %arg15[%add3A_358, %broadcast_in_dim3A_363], %gather3A_359 : memref<128x4xf32, #tpu.memory_space<vmem>>[vector<16xi32>, vector<16xi32>], vector<16xf32>,
      %broadcast_in_dim3A_364 = arith.constant 1 : i32
      %broadcast_in_dim3A_365 = vector.broadcast %broadcast_in_dim3A_364 : i32 to vector<16xi32>
      tpu.vector_store_idx %arg15[%add3A_358, %broadcast_in_dim3A_365], %gather3A_360 : memref<128x4xf32, #tpu.memory_space<vmem>>[vector<16xi32>, vector<16xi32>], vector<16xf32>,
      %broadcast_in_dim3A_366 = arith.constant 2 : i32
      %broadcast_in_dim3A_367 = vector.broadcast %broadcast_in_dim3A_366 : i32 to vector<16xi32>
      tpu.vector_store_idx %arg15[%add3A_358, %broadcast_in_dim3A_367], %gather3A_361 : memref<128x4xf32, #tpu.memory_space<vmem>>[vector<16xi32>, vector<16xi32>], vector<16xf32>,
      %broadcast_in_dim3A_368 = arith.constant 3 : i32
      %broadcast_in_dim3A_369 = vector.broadcast %broadcast_in_dim3A_368 : i32 to vector<16xi32>
      tpu.vector_store_idx %arg15[%add3A_358, %broadcast_in_dim3A_369], %broadcast_in_dim3A_3 : memref<128x4xf32, #tpu.memory_space<vmem>>[vector<16xi32>, vector<16xi32>], vector<16xf32>,
      %dma_start3A_370 = arith.constant 0 : i32
      %dma_start3A_371 = arith.constant 0 : i32
      %dma_start3A_372 = tpu.memref_slice %arg2[%dma_start3A_370, %dma_start3A_371] : memref<16384x128xi32, #tpu.memory_space<hbm>> -> memref<16384x128xi32, #tpu.memory_space<hbm>>
      tpu.enqueue_indirect_dma source(%dma_start3A_372 : memref<16384x128xi32, #tpu.memory_space<hbm>>) target(%arg13 : memref<128x128xi32, #tpu.memory_space<vmem>>) offsets(%arg11 : memref<128xi32, #tpu.memory_space<vmem>>) semaphore(%arg19 : memref<!tpu.dma_semaphore, #tpu.memory_space<semaphore_mem>>)
    }
    %scan3A_10 = arith.constant 32 : i32
    %dma_wait3A = arith.constant 0 : i32
    %dma_wait3A_11 = arith.constant 0 : i32
    %dma_wait3A_12 = tpu.memref_slice %arg2[%dma_wait3A, %dma_wait3A_11] : memref<16384x128xi32, #tpu.memory_space<hbm>> -> memref<16384x128xi32, #tpu.memory_space<hbm>>
    tpu.wait_indirect_dma semaphore(%arg19 : memref<!tpu.dma_semaphore, #tpu.memory_space<semaphore_mem>>) src(%dma_wait3A_12 : memref<16384x128xi32, #tpu.memory_space<hbm>>) dst(%arg13 : memref<128x128xi32, #tpu.memory_space<vmem>>)
    %add3A_13 = arith.constant 8064 : i32
    %add3A_14 = arith.addi %mul3A_2, %add3A_13 : i32
    %dma_start3A_15 = arith.constant 0 : i32
    %dma_start3A_16 = tpu.memref_slice %arg5[%add3A_14, %dma_start3A_15] : memref<262144x128xi32, #tpu.memory_space<hbm>> -> memref<128x128xi32, #tpu.memory_space<hbm>>
    %dma_start3A_17 = arith.constant 0 : i32
    %dma_start3A_18 = tpu.memref_slice %arg5[%add3A_14, %dma_start3A_17] : memref<262144x128xi32, #tpu.memory_space<hbm>> -> memref<128x128xi32, #tpu.memory_space<hbm>>
    tpu.enqueue_dma source(%arg13 : memref<128x128xi32, #tpu.memory_space<vmem>>) target(%dma_start3A_18 : memref<128x128xi32, #tpu.memory_space<hbm>>) target_semaphore(%arg21 : memref<!tpu.dma_semaphore, #tpu.memory_space<semaphore_mem>>)
    %add3A_19 = arith.constant 8064 : i32
    %add3A_20 = arith.addi %mul3A_2, %add3A_19 : i32
    %dma_start3A_21 = arith.constant 0 : i32
    %dma_start3A_22 = tpu.memref_slice %arg6[%add3A_20, %dma_start3A_21] : memref<262144x4xf32, #tpu.memory_space<hbm>> -> memref<128x4xf32, #tpu.memory_space<hbm>>
    %dma_start3A_23 = arith.constant 0 : i32
    %dma_start3A_24 = tpu.memref_slice %arg6[%add3A_20, %dma_start3A_23] : memref<262144x4xf32, #tpu.memory_space<hbm>> -> memref<128x4xf32, #tpu.memory_space<hbm>>
    tpu.enqueue_dma source(%arg15 : memref<128x4xf32, #tpu.memory_space<vmem>>) target(%dma_start3A_24 : memref<128x4xf32, #tpu.memory_space<hbm>>) target_semaphore(%arg21 : memref<!tpu.dma_semaphore, #tpu.memory_space<semaphore_mem>>)
    %add3A_25 = arith.constant 7936 : i32
    %add3A_26 = arith.addi %mul3A_2, %add3A_25 : i32
    %dma_wait3A_27 = arith.constant 0 : i32
    %dma_wait3A_28 = tpu.memref_slice %arg5[%add3A_26, %dma_wait3A_27] : memref<262144x128xi32, #tpu.memory_space<hbm>> -> memref<128x128xi32, #tpu.memory_space<hbm>>
    %dma_wait3A_29 = arith.constant 0 : i32
    %dma_wait3A_30 = tpu.memref_slice %arg5[%add3A_26, %dma_wait3A_29] : memref<262144x128xi32, #tpu.memory_space<hbm>> -> memref<128x128xi32, #tpu.memory_space<hbm>>
    tpu.wait_dma2 semaphore(%arg20 : memref<!tpu.dma_semaphore, #tpu.memory_space<semaphore_mem>>) src(%arg12 : memref<128x128xi32, #tpu.memory_space<vmem>>) dst(%dma_wait3A_30 : memref<128x128xi32, #tpu.memory_space<hbm>>)
    %add3A_31 = arith.constant 7936 : i32
    %add3A_32 = arith.addi %mul3A_2, %add3A_31 : i32
    %dma_wait3A_33 = arith.constant 0 : i32
    %dma_wait3A_34 = tpu.memref_slice %arg6[%add3A_32, %dma_wait3A_33] : memref<262144x4xf32, #tpu.memory_space<hbm>> -> memref<128x4xf32, #tpu.memory_space<hbm>>
    %dma_wait3A_35 = arith.constant 0 : i32
    %dma_wait3A_36 = tpu.memref_slice %arg6[%add3A_32, %dma_wait3A_35] : memref<262144x4xf32, #tpu.memory_space<hbm>> -> memref<128x4xf32, #tpu.memory_space<hbm>>
    tpu.wait_dma2 semaphore(%arg20 : memref<!tpu.dma_semaphore, #tpu.memory_space<semaphore_mem>>) src(%arg14 : memref<128x4xf32, #tpu.memory_space<vmem>>) dst(%dma_wait3A_36 : memref<128x4xf32, #tpu.memory_space<hbm>>)
    %add3A_37 = arith.constant 8064 : i32
    %add3A_38 = arith.addi %mul3A_2, %add3A_37 : i32
    %dma_wait3A_39 = arith.constant 0 : i32
    %dma_wait3A_40 = tpu.memref_slice %arg5[%add3A_38, %dma_wait3A_39] : memref<262144x128xi32, #tpu.memory_space<hbm>> -> memref<128x128xi32, #tpu.memory_space<hbm>>
    %dma_wait3A_41 = arith.constant 0 : i32
    %dma_wait3A_42 = tpu.memref_slice %arg5[%add3A_38, %dma_wait3A_41] : memref<262144x128xi32, #tpu.memory_space<hbm>> -> memref<128x128xi32, #tpu.memory_space<hbm>>
    tpu.wait_dma2 semaphore(%arg21 : memref<!tpu.dma_semaphore, #tpu.memory_space<semaphore_mem>>) src(%arg13 : memref<128x128xi32, #tpu.memory_space<vmem>>) dst(%dma_wait3A_42 : memref<128x128xi32, #tpu.memory_space<hbm>>)
    %add3A_43 = arith.constant 8064 : i32
    %add3A_44 = arith.addi %mul3A_2, %add3A_43 : i32
    %dma_wait3A_45 = arith.constant 0 : i32
    %dma_wait3A_46 = tpu.memref_slice %arg6[%add3A_44, %dma_wait3A_45] : memref<262144x4xf32, #tpu.memory_space<hbm>> -> memref<128x4xf32, #tpu.memory_space<hbm>>
    %dma_wait3A_47 = arith.constant 0 : i32
    %dma_wait3A_48 = tpu.memref_slice %arg6[%add3A_44, %dma_wait3A_47] : memref<262144x4xf32, #tpu.memory_space<hbm>> -> memref<128x4xf32, #tpu.memory_space<hbm>>
    tpu.wait_dma2 semaphore(%arg21 : memref<!tpu.dma_semaphore, #tpu.memory_space<semaphore_mem>>) src(%arg15 : memref<128x4xf32, #tpu.memory_space<vmem>>) dst(%dma_wait3A_48 : memref<128x4xf32, #tpu.memory_space<hbm>>)
    return
  }
}

module attributes {stable_mosaic.version = 14 : i64} {
  func.func @body(%arg0: i32, %arg1: memref<1024x128xf32, #tpu.memory_space<vmem>>, %arg2: memref<128x128xf32, #tpu.memory_space<vmem>>, %arg3: memref<1x128xf32, #tpu.memory_space<vmem>>, %arg4: memref<128x128xf32, #tpu.memory_space<vmem>>, %arg5: memref<1x128xf32, #tpu.memory_space<vmem>>, %arg6: memref<1024x128xi32, #tpu.memory_space<vmem>>) attributes {dimension_semantics = [#tpu.dimension_semantics<arbitrary>], iteration_bounds = array<i64: 16>, scalar_prefetch = 0 : i64, scratch_operands = 0 : i64, tpu.core_type = #tpu.core_type<tc>, window_params = [{transform_indices = @transform_0, window_bounds = array<i64: 1024, 128>}, {pipeline_mode = #tpu.pipeline_mode<synchronous>, transform_indices = @transform_1, window_bounds = array<i64: 128, 128>}, {pipeline_mode = #tpu.pipeline_mode<synchronous>, transform_indices = @transform_2, window_bounds = array<i64: 1, 128>}, {pipeline_mode = #tpu.pipeline_mode<synchronous>, transform_indices = @transform_3, window_bounds = array<i64: 128, 128>}, {pipeline_mode = #tpu.pipeline_mode<synchronous>, transform_indices = @transform_4, window_bounds = array<i64: 1, 128>}, {transform_indices = @transform_5, window_bounds = array<i64: 1024, 128>}]} {
    %get3A = arith.constant 0 : index
    %get3A_0 = arith.constant 0 : index
    %get3A_1 = vector.load %arg1[%get3A, %get3A_0] : memref<1024x128xf32, #tpu.memory_space<vmem>>, vector<1024x128xf32>
    %convert_element_type3A = arith.truncf %get3A_1 : vector<1024x128xf32> to vector<1024x128xbf16>
    %get3A_2 = arith.constant 0 : index
    %get3A_3 = arith.constant 0 : index
    %get3A_4 = vector.load %arg2[%get3A_2, %get3A_3] : memref<128x128xf32, #tpu.memory_space<vmem>>, vector<128x128xf32>
    %convert_element_type3A_5 = arith.truncf %get3A_4 : vector<128x128xf32> to vector<128x128xbf16>
    %dot_general3A = arith.constant dense<0.000000e+00> : vector<1024x128xf32>
    %dot_general3A_6 = tpu.matmul %convert_element_type3A, %convert_element_type3A_5, %dot_general3A {dimension_numbers = #tpu.dot_dimension_numbers<[1], [0], [0], [1], [0, 0, 1, 1], [], []>, transpose_lhs_hint = false} : vector<1024x128xbf16>, vector<128x128xbf16>, vector<1024x128xf32> -> vector<1024x128xf32>
    %get3A_7 = arith.constant 0 : index
    %get3A_8 = arith.constant 0 : index
    %get3A_9 = vector.load %arg3[%get3A_7, %get3A_8] : memref<1x128xf32, #tpu.memory_space<vmem>>, vector<1x128xf32>
    %add3A = vector.broadcast %get3A_9 : vector<1x128xf32> to vector<1024x128xf32>
    %add3A_10 = arith.addf %dot_general3A_6, %add3A : vector<1024x128xf32>
    %get3A_11 = arith.constant 0 : index
    %get3A_12 = arith.constant 0 : index
    %get3A_13 = vector.load %arg4[%get3A_11, %get3A_12] : memref<128x128xf32, #tpu.memory_space<vmem>>, vector<128x128xf32>
    %convert_element_type3A_14 = arith.truncf %get3A_13 : vector<128x128xf32> to vector<128x128xbf16>
    %dot_general3A_15 = arith.constant dense<0.000000e+00> : vector<1024x128xf32>
    %dot_general3A_16 = tpu.matmul %convert_element_type3A, %convert_element_type3A_14, %dot_general3A_15 {dimension_numbers = #tpu.dot_dimension_numbers<[1], [0], [0], [1], [0, 0, 1, 1], [], []>, transpose_lhs_hint = false} : vector<1024x128xbf16>, vector<128x128xbf16>, vector<1024x128xf32> -> vector<1024x128xf32>
    %get3A_17 = arith.constant 0 : index
    %get3A_18 = arith.constant 0 : index
    %get3A_19 = vector.load %arg5[%get3A_17, %get3A_18] : memref<1x128xf32, #tpu.memory_space<vmem>>, vector<1x128xf32>
    %add3A_20 = vector.broadcast %get3A_19 : vector<1x128xf32> to vector<1024x128xf32>
    %add3A_21 = arith.addf %dot_general3A_16, %add3A_20 : vector<1024x128xf32>
    %convert_element_type3A_22 = arith.truncf %add3A_10 : vector<1024x128xf32> to vector<1024x128xbf16>
    %bitcast_convert_type3A = tpu.bitcast %convert_element_type3A_22 : vector<1024x128xbf16> -> vector<1024x128xi16>
    %convert_element_type3A_23 = arith.extui %bitcast_convert_type3A : vector<1024x128xi16> to vector<1024x128xi32>
    %convert_element_type3A_24 = arith.truncf %add3A_21 : vector<1024x128xf32> to vector<1024x128xbf16>
    %bitcast_convert_type3A_25 = tpu.bitcast %convert_element_type3A_24 : vector<1024x128xbf16> -> vector<1024x128xi16>
    %convert_element_type3A_26 = arith.extui %bitcast_convert_type3A_25 : vector<1024x128xi16> to vector<1024x128xi32>
    %shift_left3A = arith.constant 16 : i32
    %shift_left3A_27 = vector.broadcast %shift_left3A : i32 to vector<1024x128xi32>
    %shift_left3A_28 = arith.shli %convert_element_type3A_26, %shift_left3A_27 : vector<1024x128xi32>
    %or3A = arith.ori %shift_left3A_28, %convert_element_type3A_23 : vector<1024x128xi32>
    %bitcast_convert_type3A_29 = tpu.bitcast %or3A : vector<1024x128xi32> -> vector<1024x128xi32>
    %swap3A = arith.constant 0 : index
    %swap3A_30 = arith.constant 0 : index
    %swap3A_31 = vector.load %arg6[%swap3A, %swap3A_30] : memref<1024x128xi32, #tpu.memory_space<vmem>>, vector<1024x128xi32>
    tpu.vector_store %arg6[%swap3A, %swap3A_30], %bitcast_convert_type3A_29 {strides = array<i32>} : memref<1024x128xi32, #tpu.memory_space<vmem>>, vector<1024x128xi32>,
    return
  }
  func.func @transform_0(%arg0: i32) -> (i32, i32) {
    %c0_i32 = arith.constant 0 : i32
    %c0_i32_0 = arith.constant 0 : i32
    return %arg0, %c0_i32 : i32, i32
  }
  func.func @transform_1(%arg0: i32) -> (i32, i32) {
    %c0_i32 = arith.constant 0 : i32
    %c0_i32_0 = arith.constant 0 : i32
    %c0_i32_1 = arith.constant 0 : i32
    return %c0_i32, %c0_i32_0 : i32, i32
  }
  func.func @transform_2(%arg0: i32) -> (i32, i32) {
    %c0_i32 = arith.constant 0 : i32
    %c0_i32_0 = arith.constant 0 : i32
    %c0_i32_1 = arith.constant 0 : i32
    return %c0_i32, %c0_i32_0 : i32, i32
  }
  func.func @transform_3(%arg0: i32) -> (i32, i32) {
    %c0_i32 = arith.constant 0 : i32
    %c0_i32_0 = arith.constant 0 : i32
    %c0_i32_1 = arith.constant 0 : i32
    return %c0_i32, %c0_i32_0 : i32, i32
  }
  func.func @transform_4(%arg0: i32) -> (i32, i32) {
    %c0_i32 = arith.constant 0 : i32
    %c0_i32_0 = arith.constant 0 : i32
    %c0_i32_1 = arith.constant 0 : i32
    return %c0_i32, %c0_i32_0 : i32, i32
  }
  func.func @transform_5(%arg0: i32) -> (i32, i32) {
    %c0_i32 = arith.constant 0 : i32
    %c0_i32_0 = arith.constant 0 : i32
    return %arg0, %c0_i32 : i32, i32
  }
}

module attributes {stable_mosaic.version = 14 : i64} {
  func.func @body(%arg0: i32, %arg1: memref<256x128xf32, #tpu.memory_space<vmem>>, %arg2: memref<256x4xf32, #tpu.memory_space<vmem>>, %arg3: memref<4096x128xi32, #tpu.memory_space<vmem>>, %arg4: memref<4096x4xf32, #tpu.memory_space<vmem>>, %arg5: memref<128x128xf32, #tpu.memory_space<vmem>>, %arg6: memref<1x128xf32, #tpu.memory_space<vmem>>, %arg7: memref<4x32xf32, #tpu.memory_space<vmem>>, %arg8: memref<1x32xf32, #tpu.memory_space<vmem>>, %arg9: memref<32x128xf32, #tpu.memory_space<vmem>>, %arg10: memref<1x128xf32, #tpu.memory_space<vmem>>, %arg11: memref<128x128xf32, #tpu.memory_space<vmem>>, %arg12: memref<1x128xf32, #tpu.memory_space<vmem>>, %arg13: memref<256x128xf32, #tpu.memory_space<vmem>>) attributes {dimension_semantics = [#tpu.dimension_semantics<arbitrary>], iteration_bounds = array<i64: 64>, scalar_prefetch = 0 : i64, scratch_operands = 0 : i64, tpu.core_type = #tpu.core_type<tc>, window_params = [{transform_indices = @transform_0, window_bounds = array<i64: 256, 128>}, {transform_indices = @transform_1, window_bounds = array<i64: 256, 4>}, {transform_indices = @transform_2, window_bounds = array<i64: 4096, 128>}, {transform_indices = @transform_3, window_bounds = array<i64: 4096, 4>}, {pipeline_mode = #tpu.pipeline_mode<synchronous>, transform_indices = @transform_4, window_bounds = array<i64: 128, 128>}, {pipeline_mode = #tpu.pipeline_mode<synchronous>, transform_indices = @transform_5, window_bounds = array<i64: 1, 128>}, {pipeline_mode = #tpu.pipeline_mode<synchronous>, transform_indices = @transform_6, window_bounds = array<i64: 4, 32>}, {pipeline_mode = #tpu.pipeline_mode<synchronous>, transform_indices = @transform_7, window_bounds = array<i64: 1, 32>}, {pipeline_mode = #tpu.pipeline_mode<synchronous>, transform_indices = @transform_8, window_bounds = array<i64: 32, 128>}, {pipeline_mode = #tpu.pipeline_mode<synchronous>, transform_indices = @transform_9, window_bounds = array<i64: 1, 128>}, {pipeline_mode = #tpu.pipeline_mode<synchronous>, transform_indices = @transform_10, window_bounds = array<i64: 128, 128>}, {pipeline_mode = #tpu.pipeline_mode<synchronous>, transform_indices = @transform_11, window_bounds = array<i64: 1, 128>}, {transform_indices = @transform_12, window_bounds = array<i64: 256, 128>}]} {
    %get3A = arith.constant 0 : index
    %get3A_0 = arith.constant 0 : index
    %get3A_1 = vector.load %arg1[%get3A, %get3A_0] : memref<256x128xf32, #tpu.memory_space<vmem>>, vector<256x128xf32>
    %get3A_2 = arith.constant 0 : index
    %get3A_3 = arith.constant 0 : index
    %get3A_4 = vector.load %arg5[%get3A_2, %get3A_3] : memref<128x128xf32, #tpu.memory_space<vmem>>, vector<128x128xf32>
    %dot_general3A = arith.constant dense<0.000000e+00> : vector<256x128xf32>
    %dot_general3A_5 = tpu.matmul %get3A_1, %get3A_4, %dot_general3A {dimension_numbers = #tpu.dot_dimension_numbers<[1], [0], [0], [1], [0, 0, 1, 1], [], []>, transpose_lhs_hint = false} : vector<256x128xf32>, vector<128x128xf32>, vector<256x128xf32> -> vector<256x128xf32>
    %get3A_6 = arith.constant 0 : index
    %get3A_7 = arith.constant 0 : index
    %get3A_8 = vector.load %arg6[%get3A_6, %get3A_7] : memref<1x128xf32, #tpu.memory_space<vmem>>, vector<1x128xf32>
    %add3A = vector.broadcast %get3A_8 : vector<1x128xf32> to vector<256x128xf32>
    %add3A_9 = arith.addf %dot_general3A_5, %add3A : vector<256x128xf32>
    %convert_element_type3A = arith.truncf %add3A_9 : vector<256x128xf32> to vector<256x128xbf16>
    %get3A_10 = arith.constant 0 : index
    %get3A_11 = arith.constant 0 : index
    %get3A_12 = vector.load %arg3[%get3A_10, %get3A_11] : memref<4096x128xi32, #tpu.memory_space<vmem>>, vector<4096x128xi32>
    %bitcast_convert_type3A = tpu.bitcast %get3A_12 : vector<4096x128xi32> -> vector<4096x128xi32>
    %and3A = arith.constant 65535 : i32
    %and3A_13 = vector.broadcast %and3A : i32 to vector<4096x128xi32>
    %and3A_14 = arith.andi %bitcast_convert_type3A, %and3A_13 : vector<4096x128xi32>
    %convert_element_type3A_15 = arith.trunci %and3A_14 : vector<4096x128xi32> to vector<4096x128xi16>
    %bitcast_convert_type3A_16 = tpu.bitcast %convert_element_type3A_15 : vector<4096x128xi16> -> vector<4096x128xbf16>
    %shift_right_logical3A = arith.constant 16 : i32
    %shift_right_logical3A_17 = vector.broadcast %shift_right_logical3A : i32 to vector<4096x128xi32>
    %shift_right_logical3A_18 = arith.shrui %bitcast_convert_type3A, %shift_right_logical3A_17 : vector<4096x128xi32>
    %convert_element_type3A_19 = arith.trunci %shift_right_logical3A_18 : vector<4096x128xi32> to vector<4096x128xi16>
    %bitcast_convert_type3A_20 = tpu.bitcast %convert_element_type3A_19 : vector<4096x128xi16> -> vector<4096x128xbf16>
    %get3A_21 = arith.constant 0 : index
    %get3A_22 = arith.constant 0 : index
    %get3A_23 = vector.load %arg4[%get3A_21, %get3A_22] : memref<4096x4xf32, #tpu.memory_space<vmem>>, vector<4096x4xf32>
    %get3A_24 = arith.constant 0 : index
    %get3A_25 = arith.constant 0 : index
    %get3A_26 = vector.load %arg2[%get3A_24, %get3A_25] : memref<256x4xf32, #tpu.memory_space<vmem>>, vector<256x4xf32>
    %broadcast_in_dim3A = vector.shape_cast %get3A_26 : vector<256x4xf32> to vector<256x1x4xf32>
    %reshape3A = vector.shape_cast %get3A_23 : vector<4096x4xf32> to vector<256x16x4xf32>
    %sub3A = vector.broadcast %broadcast_in_dim3A : vector<256x1x4xf32> to vector<256x16x4xf32>
    %sub3A_27 = arith.subf %sub3A, %reshape3A : vector<256x16x4xf32>
    %reshape3A_28 = vector.shape_cast %sub3A_27 : vector<256x16x4xf32> to vector<4096x4xf32>
    %convert_element_type3A_29 = arith.truncf %reshape3A_28 : vector<4096x4xf32> to vector<4096x4xbf16>
    %get3A_30 = arith.constant 0 : index
    %get3A_31 = arith.constant 0 : index
    %get3A_32 = vector.load %arg7[%get3A_30, %get3A_31] : memref<4x32xf32, #tpu.memory_space<vmem>>, vector<4x32xf32>
    %convert_element_type3A_33 = arith.truncf %get3A_32 : vector<4x32xf32> to vector<4x32xbf16>
    %dot_general3A_34 = arith.constant dense<0.000000e+00> : vector<4096x32xf32>
    %dot_general3A_35 = tpu.matmul %convert_element_type3A_29, %convert_element_type3A_33, %dot_general3A_34 {dimension_numbers = #tpu.dot_dimension_numbers<[1], [0], [0], [1], [0, 0, 1, 1], [], []>, transpose_lhs_hint = false} : vector<4096x4xbf16>, vector<4x32xbf16>, vector<4096x32xf32> -> vector<4096x32xf32>
    %get3A_36 = arith.constant 0 : index
    %get3A_37 = arith.constant 0 : index
    %get3A_38 = vector.load %arg8[%get3A_36, %get3A_37] : memref<1x32xf32, #tpu.memory_space<vmem>>, vector<1x32xf32>
    %add3A_39 = vector.broadcast %get3A_38 : vector<1x32xf32> to vector<4096x32xf32>
    %add3A_40 = arith.addf %dot_general3A_35, %add3A_39 : vector<4096x32xf32>
    %max3A = arith.constant 0.000000e+00 : f32
    %max3A_41 = vector.broadcast %max3A : f32 to vector<4096x32xf32>
    %max3A_42 = arith.maximumf %add3A_40, %max3A_41 : vector<4096x32xf32>
    %convert_element_type3A_43 = arith.truncf %max3A_42 : vector<4096x32xf32> to vector<4096x32xbf16>
    %get3A_44 = arith.constant 0 : index
    %get3A_45 = arith.constant 0 : index
    %get3A_46 = vector.load %arg9[%get3A_44, %get3A_45] : memref<32x128xf32, #tpu.memory_space<vmem>>, vector<32x128xf32>
    %convert_element_type3A_47 = arith.truncf %get3A_46 : vector<32x128xf32> to vector<32x128xbf16>
    %dot_general3A_48 = arith.constant dense<0.000000e+00> : vector<4096x128xf32>
    %dot_general3A_49 = tpu.matmul %convert_element_type3A_43, %convert_element_type3A_47, %dot_general3A_48 {dimension_numbers = #tpu.dot_dimension_numbers<[1], [0], [0], [1], [0, 0, 1, 1], [], []>, transpose_lhs_hint = false} : vector<4096x32xbf16>, vector<32x128xbf16>, vector<4096x128xf32> -> vector<4096x128xf32>
    %get3A_50 = arith.constant 0 : index
    %get3A_51 = arith.constant 0 : index
    %get3A_52 = vector.load %arg10[%get3A_50, %get3A_51] : memref<1x128xf32, #tpu.memory_space<vmem>>, vector<1x128xf32>
    %add3A_53 = vector.broadcast %get3A_52 : vector<1x128xf32> to vector<4096x128xf32>
    %add3A_54 = arith.addf %dot_general3A_49, %add3A_53 : vector<4096x128xf32>
    %iota3A = tpu.iota {dimensions = array<i32: 0>} : vector<128x128xi32>
    %jit3A = arith.constant 16 : i32
    %div3A = vector.broadcast %jit3A : i32 to vector<128x128xi32>
    %div3A_55 = arith.divsi %iota3A, %div3A : vector<128x128xi32>
    %sign3A = arith.constant 0 : i32
    %sign3A_56 = vector.broadcast %sign3A : i32 to vector<128x128xi32>
    %sign3A_57 = arith.cmpi sgt, %iota3A, %sign3A_56 : vector<128x128xi32>
    %sign3A_58 = arith.extui %sign3A_57 : vector<128x128xi1> to vector<128x128xi32>
    %sign3A_59 = arith.constant 0 : i32
    %sign3A_60 = vector.broadcast %sign3A_59 : i32 to vector<128x128xi32>
    %sign3A_61 = arith.cmpi slt, %iota3A, %sign3A_60 : vector<128x128xi32>
    %sign3A_62 = arith.extui %sign3A_61 : vector<128x128xi1> to vector<128x128xi32>
    %sign3A_63 = arith.subi %sign3A_58, %sign3A_62 : vector<128x128xi32>
    %sign3A_64 = arith.constant 0 : i32
    %sign3A_65 = arith.cmpi sgt, %jit3A, %sign3A_64 : i32
    %sign3A_66 = arith.extui %sign3A_65 : i1 to i32
    %sign3A_67 = arith.constant 0 : i32
    %sign3A_68 = arith.cmpi slt, %jit3A, %sign3A_67 : i32
    %sign3A_69 = arith.extui %sign3A_68 : i1 to i32
    %sign3A_70 = arith.subi %sign3A_66, %sign3A_69 : i32
    %ne3A = vector.broadcast %sign3A_70 : i32 to vector<128x128xi32>
    %ne3A_71 = arith.cmpi ne, %sign3A_63, %ne3A : vector<128x128xi32>
    %rem3A = vector.broadcast %jit3A : i32 to vector<128x128xi32>
    %rem3A_72 = arith.remsi %iota3A, %rem3A : vector<128x128xi32>
    %ne3A_73 = arith.constant 0 : i32
    %ne3A_74 = vector.broadcast %ne3A_73 : i32 to vector<128x128xi32>
    %ne3A_75 = arith.cmpi ne, %rem3A_72, %ne3A_74 : vector<128x128xi32>
    %and3A_76 = arith.andi %ne3A_71, %ne3A_75 : vector<128x128xi1>
    %sub3A_77 = arith.constant 1 : i32
    %sub3A_78 = vector.broadcast %sub3A_77 : i32 to vector<128x128xi32>
    %sub3A_79 = arith.subi %div3A_55, %sub3A_78 : vector<128x128xi32>
    %select_n3A = arith.select %and3A_76, %sub3A_79, %div3A_55 : vector<128x128xi1>, vector<128x128xi32>
    %iota3A_80 = tpu.iota {dimensions = array<i32: 1>} : vector<128x128xi32>
    %jit3A_81 = arith.constant 16 : i32
    %div3A_82 = vector.broadcast %jit3A_81 : i32 to vector<128x128xi32>
    %div3A_83 = arith.divsi %iota3A_80, %div3A_82 : vector<128x128xi32>
    %sign3A_84 = arith.constant 0 : i32
    %sign3A_85 = vector.broadcast %sign3A_84 : i32 to vector<128x128xi32>
    %sign3A_86 = arith.cmpi sgt, %iota3A_80, %sign3A_85 : vector<128x128xi32>
    %sign3A_87 = arith.extui %sign3A_86 : vector<128x128xi1> to vector<128x128xi32>
    %sign3A_88 = arith.constant 0 : i32
    %sign3A_89 = vector.broadcast %sign3A_88 : i32 to vector<128x128xi32>
    %sign3A_90 = arith.cmpi slt, %iota3A_80, %sign3A_89 : vector<128x128xi32>
    %sign3A_91 = arith.extui %sign3A_90 : vector<128x128xi1> to vector<128x128xi32>
    %sign3A_92 = arith.subi %sign3A_87, %sign3A_91 : vector<128x128xi32>
    %sign3A_93 = arith.constant 0 : i32
    %sign3A_94 = arith.cmpi sgt, %jit3A_81, %sign3A_93 : i32
    %sign3A_95 = arith.extui %sign3A_94 : i1 to i32
    %sign3A_96 = arith.constant 0 : i32
    %sign3A_97 = arith.cmpi slt, %jit3A_81, %sign3A_96 : i32
    %sign3A_98 = arith.extui %sign3A_97 : i1 to i32
    %sign3A_99 = arith.subi %sign3A_95, %sign3A_98 : i32
    %ne3A_100 = vector.broadcast %sign3A_99 : i32 to vector<128x128xi32>
    %ne3A_101 = arith.cmpi ne, %sign3A_92, %ne3A_100 : vector<128x128xi32>
    %rem3A_102 = vector.broadcast %jit3A_81 : i32 to vector<128x128xi32>
    %rem3A_103 = arith.remsi %iota3A_80, %rem3A_102 : vector<128x128xi32>
    %ne3A_104 = arith.constant 0 : i32
    %ne3A_105 = vector.broadcast %ne3A_104 : i32 to vector<128x128xi32>
    %ne3A_106 = arith.cmpi ne, %rem3A_103, %ne3A_105 : vector<128x128xi32>
    %and3A_107 = arith.andi %ne3A_101, %ne3A_106 : vector<128x128xi1>
    %sub3A_108 = arith.constant 1 : i32
    %sub3A_109 = vector.broadcast %sub3A_108 : i32 to vector<128x128xi32>
    %sub3A_110 = arith.subi %div3A_83, %sub3A_109 : vector<128x128xi32>
    %select_n3A_111 = arith.select %and3A_107, %sub3A_110, %div3A_83 : vector<128x128xi1>, vector<128x128xi32>
    %eq3A = arith.cmpi eq, %select_n3A, %select_n3A_111 : vector<128x128xi32>
    %jit3A_112 = arith.constant 2.500000e-01 : f32
    %jit3A_113 = arith.constant 0.000000e+00 : f32
    %broadcast_in_dim3A_114 = vector.broadcast %jit3A_112 : f32 to vector<128x128xf32>
    %broadcast_in_dim3A_115 = vector.broadcast %jit3A_113 : f32 to vector<128x128xf32>
    %select_n3A_116 = arith.select %eq3A, %broadcast_in_dim3A_114, %broadcast_in_dim3A_115 : vector<128x128xi1>, vector<128x128xf32>
    %convert_element_type3A_117 = arith.truncf %select_n3A_116 : vector<128x128xf32> to vector<128x128xbf16>
    %reshape3A_118 = vector.shape_cast %bitcast_convert_type3A_16 : vector<4096x128xbf16> to vector<256x16x128xbf16>
    %broadcast_in_dim3A_119 = vector.shape_cast %convert_element_type3A : vector<256x128xbf16> to vector<256x1x128xbf16>
    %mul3A = vector.broadcast %broadcast_in_dim3A_119 : vector<256x1x128xbf16> to vector<256x16x128xbf16>
    %mul3A_120 = arith.mulf %reshape3A_118, %mul3A : vector<256x16x128xbf16>
    %reshape3A_121 = vector.shape_cast %mul3A_120 : vector<256x16x128xbf16> to vector<4096x128xbf16>
    %dot_general3A_122 = arith.constant dense<0.000000e+00> : vector<4096x128xf32>
    %dot_general3A_123 = tpu.matmul %reshape3A_121, %convert_element_type3A_117, %dot_general3A_122 {dimension_numbers = #tpu.dot_dimension_numbers<[1], [0], [0], [1], [0, 0, 1, 1], [], []>, transpose_lhs_hint = false} : vector<4096x128xbf16>, vector<128x128xbf16>, vector<4096x128xf32> -> vector<4096x128xf32>
    %add3A_124 = arith.addf %dot_general3A_123, %add3A_54 : vector<4096x128xf32>
    %reshape3A_125 = vector.shape_cast %add3A_124 : vector<4096x128xf32> to vector<256x16x128xf32>
    %reduce_max3A = arith.constant dense<0xFF800000> : vector<256x128xf32>
    %reduce_max3A_126 = vector.multi_reduction <maximumf>, %reshape3A_125, %reduce_max3A [1] : vector<256x16x128xf32> to vector<256x128xf32>
    %broadcast_in_dim3A_127 = vector.shape_cast %reduce_max3A_126 : vector<256x128xf32> to vector<256x1x128xf32>
    %sub3A_128 = vector.broadcast %broadcast_in_dim3A_127 : vector<256x1x128xf32> to vector<256x16x128xf32>
    %sub3A_129 = arith.subf %reshape3A_125, %sub3A_128 : vector<256x16x128xf32>
    %exp3A = math.exp %sub3A_129 : vector<256x16x128xf32>
    %reduce_sum3A = arith.constant dense<0.000000e+00> : vector<256x128xf32>
    %reduce_sum3A_130 = vector.multi_reduction <add>, %exp3A, %reduce_sum3A [1] : vector<256x16x128xf32> to vector<256x128xf32>
    %broadcast_in_dim3A_131 = vector.shape_cast %reduce_sum3A_130 : vector<256x128xf32> to vector<256x1x128xf32>
    %div3A_132 = vector.broadcast %broadcast_in_dim3A_131 : vector<256x1x128xf32> to vector<256x16x128xf32>
    %div3A_133 = arith.divf %exp3A, %div3A_132 : vector<256x16x128xf32>
    %convert_element_type3A_134 = arith.truncf %div3A_133 : vector<256x16x128xf32> to vector<256x16x128xbf16>
    %reshape3A_135 = vector.shape_cast %bitcast_convert_type3A_20 : vector<4096x128xbf16> to vector<256x16x128xbf16>
    %mul3A_136 = arith.mulf %convert_element_type3A_134, %reshape3A_135 : vector<256x16x128xbf16>
    %convert_element_type3A_137 = arith.extf %mul3A_136 : vector<256x16x128xbf16> to vector<256x16x128xf32>
    %reduce_sum3A_138 = arith.constant dense<0.000000e+00> : vector<256x128xf32>
    %reduce_sum3A_139 = vector.multi_reduction <add>, %convert_element_type3A_137, %reduce_sum3A_138 [1] : vector<256x16x128xf32> to vector<256x128xf32>
    %convert_element_type3A_140 = arith.truncf %reduce_sum3A_139 : vector<256x128xf32> to vector<256x128xbf16>
    %convert_element_type3A_141 = arith.extf %convert_element_type3A_140 : vector<256x128xbf16> to vector<256x128xf32>
    %get3A_142 = arith.constant 0 : index
    %get3A_143 = arith.constant 0 : index
    %get3A_144 = vector.load %arg11[%get3A_142, %get3A_143] : memref<128x128xf32, #tpu.memory_space<vmem>>, vector<128x128xf32>
    %dot_general3A_145 = arith.constant dense<0.000000e+00> : vector<256x128xf32>
    %dot_general3A_146 = tpu.matmul %convert_element_type3A_141, %get3A_144, %dot_general3A_145 {dimension_numbers = #tpu.dot_dimension_numbers<[1], [0], [0], [1], [0, 0, 1, 1], [], []>, transpose_lhs_hint = false} : vector<256x128xf32>, vector<128x128xf32>, vector<256x128xf32> -> vector<256x128xf32>
    %get3A_147 = arith.constant 0 : index
    %get3A_148 = arith.constant 0 : index
    %get3A_149 = vector.load %arg12[%get3A_147, %get3A_148] : memref<1x128xf32, #tpu.memory_space<vmem>>, vector<1x128xf32>
    %add3A_150 = vector.broadcast %get3A_149 : vector<1x128xf32> to vector<256x128xf32>
    %add3A_151 = arith.addf %dot_general3A_146, %add3A_150 : vector<256x128xf32>
    %swap3A = arith.constant 0 : index
    %swap3A_152 = arith.constant 0 : index
    %swap3A_153 = vector.load %arg13[%swap3A, %swap3A_152] : memref<256x128xf32, #tpu.memory_space<vmem>>, vector<256x128xf32>
    tpu.vector_store %arg13[%swap3A, %swap3A_152], %add3A_151 {strides = array<i32>} : memref<256x128xf32, #tpu.memory_space<vmem>>, vector<256x128xf32>,
    return
  }
  func.func @transform_0(%arg0: i32) -> (i32, i32) {
    %c0_i32 = arith.constant 0 : i32
    %c0_i32_0 = arith.constant 0 : i32
    return %arg0, %c0_i32 : i32, i32
  }
  func.func @transform_1(%arg0: i32) -> (i32, i32) {
    %c0_i32 = arith.constant 0 : i32
    %c0_i32_0 = arith.constant 0 : i32
    return %arg0, %c0_i32 : i32, i32
  }
  func.func @transform_2(%arg0: i32) -> (i32, i32) {
    %c0_i32 = arith.constant 0 : i32
    %c0_i32_0 = arith.constant 0 : i32
    return %arg0, %c0_i32 : i32, i32
  }
  func.func @transform_3(%arg0: i32) -> (i32, i32) {
    %c0_i32 = arith.constant 0 : i32
    %c0_i32_0 = arith.constant 0 : i32
    return %arg0, %c0_i32 : i32, i32
  }
  func.func @transform_4(%arg0: i32) -> (i32, i32) {
    %c0_i32 = arith.constant 0 : i32
    %c0_i32_0 = arith.constant 0 : i32
    %c0_i32_1 = arith.constant 0 : i32
    return %c0_i32, %c0_i32_0 : i32, i32
  }
  func.func @transform_5(%arg0: i32) -> (i32, i32) {
    %c0_i32 = arith.constant 0 : i32
    %c0_i32_0 = arith.constant 0 : i32
    %c0_i32_1 = arith.constant 0 : i32
    return %c0_i32, %c0_i32_0 : i32, i32
  }
  func.func @transform_6(%arg0: i32) -> (i32, i32) {
    %c0_i32 = arith.constant 0 : i32
    %c0_i32_0 = arith.constant 0 : i32
    %c0_i32_1 = arith.constant 0 : i32
    return %c0_i32, %c0_i32_0 : i32, i32
  }
  func.func @transform_7(%arg0: i32) -> (i32, i32) {
    %c0_i32 = arith.constant 0 : i32
    %c0_i32_0 = arith.constant 0 : i32
    %c0_i32_1 = arith.constant 0 : i32
    return %c0_i32, %c0_i32_0 : i32, i32
  }
  func.func @transform_8(%arg0: i32) -> (i32, i32) {
    %c0_i32 = arith.constant 0 : i32
    %c0_i32_0 = arith.constant 0 : i32
    %c0_i32_1 = arith.constant 0 : i32
    return %c0_i32, %c0_i32_0 : i32, i32
  }
  func.func @transform_9(%arg0: i32) -> (i32, i32) {
    %c0_i32 = arith.constant 0 : i32
    %c0_i32_0 = arith.constant 0 : i32
    %c0_i32_1 = arith.constant 0 : i32
    return %c0_i32, %c0_i32_0 : i32, i32
  }
  func.func @transform_10(%arg0: i32) -> (i32, i32) {
    %c0_i32 = arith.constant 0 : i32
    %c0_i32_0 = arith.constant 0 : i32
    %c0_i32_1 = arith.constant 0 : i32
    return %c0_i32, %c0_i32_0 : i32, i32
  }
  func.func @transform_11(%arg0: i32) -> (i32, i32) {
    %c0_i32 = arith.constant 0 : i32
    %c0_i32_0 = arith.constant 0 : i32
    %c0_i32_1 = arith.constant 0 : i32
    return %c0_i32, %c0_i32_0 : i32, i32
  }
  func.func @transform_12(%arg0: i32) -> (i32, i32) {
    %c0_i32 = arith.constant 0 : i32
    %c0_i32_0 = arith.constant 0 : i32
    return %arg0, %c0_i32 : i32, i32
  }
}

</mosaic_0001>

<sc_bundles>
// kernel: kernel.11.cloned.1.call-start
scs
__scs_entry_jumppad:
0x0: {  	(pc) =	sbr.rel $0x88, $3  }
0x1: {  	(tag) =	ssettag $0x0;
	lr =	simm.s32 $0x1  }
0x2: {  	[smem:$0x3F92] =	sst lr;
	_ =	strace $0xD0000000  }
0x3: {  	_ = 	snop  }
0x4: {  	_ = 	snop  }
0x5: {  	_ = 	snop  }
0x6: {  	_ = 	snop  }
0x7: {  	_ = 	snop  }
__scs_overlays_trampoline_lowered:
0x8: {  	[smem:$0x3FA1] =	sst s0  }
0x9: {  	[smem:$0x3FA2] =	sst s1  }
0xa: {  	[smem:$0x3FA3] =	sst s2  }
0xb: {  	[smem:$0x3FA4] =	sst s3  }
0xc: {  	[smem:$0x3FA5] =	sst s4  }
0xd: {  	[smem:$0x3FA6] =	sst s5  }
0xe: {  	[smem:$0x3FA7] =	sst s6  }
0xf: {  	[smem:$0x3FA8] =	sst s7  }
0x10: {  	[smem:$0x3FA9] =	sst s8  }
0x11: {  	[smem:$0x3FAA] =	sst s9;
	s0 =	simm.s32 @!p0 $0x0  }
0x12: {  	s1 =	sld [smem:$0x3F90];
	s0 =	simm.s32 @p0 $0x1  }
0x13: {  	[smem:$0x3FAB] =	sst s0;
	s0 =	simm.s32 @!p1 $0x0  }
0x14: {  	s2 =	sld [smem:$0x3F8F];
	s0 =	simm.s32 @p1 $0x1  }
0x15: {  	[smem:$0x3FAC] =	sst s0;
	s0 =	simm.s32 @!p2 $0x0  }
0x16: {  	s3 =	sld [smem:$0x3FDB];
	s0 =	simm.s32 @p2 $0x1  }
0x17: {  	s4 =	simm.s32 $0x1BF5;
	[smem:$0x3FAE] =	sst s0  }
0x18: {  	s0 =	sld [smem:$0x3F91];
	_ =	swait.ge [sflag:s4], $0x0  }
0x19: {  	s7 =	sld [smem:$0x3F92]  }
0x1a: {  	s8 =	sadd.s32 $0xFFFFE003, lr  }
0x1b: {  	s9 =	sadd.s32 $0xFFFFFEF7, lr;
	s5 =	simm.s32 $0xFFFFFFFF;
	p2 =	slt.u32 s8, $0xFFFFF086  }
0x1c: {  	p1 =	slt.u32 s9, $0xF7A;
	s5 =	simm.s32 @!p2 $0x0  }
0x1d: {  	s5 =	simm.s32 @p1 $0x1;
	p0 =	seq.s32 s7, s2  }
0x1e: {  	s7 =	smul.u32 @!p0 $0xF7A, s2;
	p2 =	seq.s32 @!p0 s5, $0x0  }
0x1f: {  	s9 =	smul.u32 $0xF7A, s1;
	s8 =	simm.s32 @!p0 $0x1BF5;
	p2 =	por !p2, p0  }
0x20: {  	[sflag:s8] =	ssyncset.s32 @!p0 $0xFFFFF086;
	s6 =	sadd.s32 @!p0 s3, s7;
	s7 =	simm.s32 @!p0 $0x108  }
0x21: {  	s3 =	sadd.s32 s3, s9;
	s6 =	sadd.s32 @!p0 $0x88, s6;
	s7 =	simm.s32 @p2 $0x1082  }
0x22: {  	[simem:s7], [sflag:s8] =	dma.local @!p0 [hbm:s6], $0xF7A  }
0x23: {  	s9 =	sor.u32 $0xD0000000, s2;
	s6 =	simm.s32 $0x108;
	_ =	swait.ge @!p0 [sflag:s8], $0x0  }
0x24: {  	s3 =	sadd.s32 $0x88, s3;
	s6 =	simm.s32 @!p1 $0x1082;
	[sflag:s4] =	ssyncset.s32 $0xFFFFF086  }
0x25: {  	[simem:s6], [sflag:s4] =	dma.local [hbm:s3], $0xF7A  }
0x26: {  	[smem:$0x3F92] =	sst s1;
	(tag) =	ssettag s2;
	_ =	strace s9  }
0x27: {  	s1 =	sld [smem:$0x3FA2]  }
0x28: {  	s2 =	sld [smem:$0x3FA3]  }
0x29: {  	s4 =	sld [smem:$0x3FA5]  }
0x2a: {  	p0 =	seq.s32 s5, $0x0;
	s5 =	sld [smem:$0x3FA6]  }
0x2b: {  	s6 =	sld [smem:$0x3FA7]  }
0x2c: {  	s7 =	sld [smem:$0x3FA8]  }
0x2d: {  	s3 =	simm.s32 $0x108;
	s8 =	sld [smem:$0x3FA9]  }
0x2e: {  	s3 =	simm.s32 @!p0 $0x1082;
	s9 =	sld [smem:$0x3FAA]  }
0x2f: {  	lr =	sadd.s32 s0, s3;
	s0 =	sld [smem:$0x3FA1]  }
0x30: {  	s3 =	sld [smem:$0x3FA4]  }
0x31: {  	[smem:$0x3FAD] =	sst s10  }
0x32: {  	s10 =	sld [smem:$0x3FAB];
	_ =	sdelay $0x3  }
0x33: {  	p0 =	seq.s32 s10, $0x1;
	s10 =	sld [smem:$0x3FAD];
	_ =	sdelay $0x3  }
0x34: {  	[smem:$0x3FAD] =	sst s10  }
0x35: {  	s10 =	sld [smem:$0x3FAC];
	_ =	sdelay $0x3  }
0x36: {  	p1 =	seq.s32 s10, $0x1;
	s10 =	sld [smem:$0x3FAD];
	_ =	sdelay $0x3  }
0x37: {  	[smem:$0x3FAD] =	sst s10  }
0x38: {  	s10 =	sld [smem:$0x3FAE]  }
0x39: {  	_ = 	snop;
	(pc) =	sbr.ind lr, $3  }
0x3a: {  	_ = 	snop  }
0x3b: {  	_ = 	snop  }
0x3c: {  	p2 =	seq.s32 s10, $0x1;
	s10 =	sld [smem:$0x3FAD]  }
0x3d: {  	_ =	shalt  }
0x3e: {  	_ =	shalt  }
0x3f: {  	_ =	shalt  }
0x40: {  	_ =	shalt  }
0x41: {  	_ =	shalt  }
0x42: {  	_ =	shalt  }
0x43: {  	_ =	shalt  }
0x44: {  	_ =	shalt  }
0x45: {  	_ =	shalt  }
0x46: {  	_ =	shalt  }
0x47: {  	_ =	shalt  }
0x48: {  	_ =	shalt  }
0x49: {  	_ =	shalt  }
0x4a: {  	_ =	shalt  }
0x4b: {  	_ =	shalt  }
0x4c: {  	_ =	shalt  }
0x4d: {  	_ =	shalt  }
0x4e: {  	_ =	shalt  }
0x4f: {  	_ =	shalt  }
0x50: {  	_ =	shalt  }
0x51: {  	_ =	shalt  }
0x52: {  	_ =	shalt  }
0x53: {  	_ =	shalt  }
0x54: {  	_ =	shalt  }
0x55: {  	_ =	shalt  }
0x56: {  	_ =	shalt  }
0x57: {  	_ =	shalt  }
0x58: {  	_ =	shalt  }
0x59: {  	_ =	shalt  }
0x5a: {  	_ =	shalt  }
0x5b: {  	_ =	shalt  }
0x5c: {  	_ =	shalt  }
0x5d: {  	_ =	shalt  }
0x5e: {  	_ =	shalt  }
0x5f: {  	_ =	shalt  }
0x60: {  	_ =	shalt  }
0x61: {  	_ =	shalt  }
0x62: {  	_ =	shalt  }
0x63: {  	_ =	shalt  }
0x64: {  	_ =	shalt  }
0x65: {  	_ =	shalt  }
0x66: {  	_ =	shalt  }
0x67: {  	_ =	shalt  }
0x68: {  	_ =	shalt  }
0x69: {  	_ =	shalt  }
0x6a: {  	_ =	shalt  }
0x6b: {  	_ =	shalt  }
0x6c: {  	_ =	shalt  }
0x6d: {  	_ =	shalt  }
0x6e: {  	_ =	shalt  }
0x6f: {  	_ =	shalt  }
0x70: {  	_ =	shalt  }
0x71: {  	_ =	shalt  }
0x72: {  	_ =	shalt  }
0x73: {  	_ =	shalt  }
0x74: {  	_ =	shalt  }
0x75: {  	_ =	shalt  }
0x76: {  	_ =	shalt  }
0x77: {  	_ =	shalt  }
0x78: {  	_ =	shalt  }
0x79: {  	_ =	shalt  }
0x7a: {  	_ =	shalt  }
0x7b: {  	_ =	shalt  }
0x7c: {  	_ =	shalt  }
0x7d: {  	_ =	shalt  }
0x7e: {  	_ =	shalt  }
0x7f: {  	_ =	shalt  }
0x80: {  	_ =	shalt  }
0x81: {  	_ =	shalt  }
0x82: {  	_ =	shalt  }
0x83: {  	_ =	shalt  }
0x84: {  	_ =	shalt  }
0x85: {  	_ =	shalt  }
0x86: {  	_ =	shalt  }
0x87: {  	_ =	shalt  }
.Lfunc_end0:
.L_simem_size_0:
called_computation.1_lowered:
.L_overlay_start_0:
0x88: {  	s2 =	sld [smem:$0x3FD9]  }
0x89: {  	s3 =	sld [smem:$0x3FFE];
	_ =	sdelay $0x1  }
0x8a: {  	s1 =	srdreg.scid  }
0x8b: {  	s0 =	sand.u32 $0x1, s1  }
0x8c: {  	s16 =	sshll.u32 s0, $0xA;
	s2 =	sadd.s32 s3, s2  }
0x8d: {  	s2 =	sadd.s32 s2, s16  }
0x8e: {  	[smem:$0x3FB9] =	sst s2  }
0x8f: {  	_ = 	snop  }
0x90: {  	(tm) =	ssettm $0x1  }
0x91: {  	s17 =	sld [smem:$0x3FFB];
	_ =	sdelay $0x3  }
0x92: {  	_ =	strace s17  }
0x93: {  	s2 =	sld [smem:$0x3FFC];
	_ =	sdelay $0x3  }
0x94: {  	_ =	strace s2  }
0x95: {  	s2 =	sld [smem:$0x3FFD];
	_ =	sdelay $0x3  }
0x96: {  	_ =	strace s2  }
0x97: {  	_ =	strace $0x8FFFFFFF  }
0x98: {  	s18 =	sld [smem:$0x3FDB];
	_ =	sdelay $0x1  }
0x99: {  	s19 =	simm.s32 $_scs_section_size  }
0x9a: {  	s4 =	simm.s32 $_size__tile_overlayer_lowered;
	s5 =	simm.s32 $_tile_overlayer_lowered  }
0x9b: {  	s22 =	simm.s32 $0x1BFF;
	s21 =	sshll.u32 s5, $0x1;
	s2 =	sadd.s32 s19, s18  }
0x9c: {  	s6 =	simm.s32 $0x0;
	s20 =	sshll.u32 s4, $0x1;
	s4 =	sadd.s32 s21, s2  }
0x9d: {  	[timem:s6], [sflag:s22] =	dma.local [hbm:s4], s20  }
0x9e: {  	_ =	swait.ge [sflag:s22], s20  }
0x9f: {  	s3 =	ssub.s32 $0x0, s20;
	[sflag:s22] =	ssyncset.done $0x0  }
0xa0: {  	[sflag:s22] =	ssyncadd.s32 s3;
	_ =	sdelay $0x1  }
0xa1: {  	s23 =	simm.s32 $0x1B8B  }
0xa2: {  	_ =	swait.ge [sflag:s23], $0x1  }
0xa3: {  	[sflag:s23] =	ssyncset.done $0x0  }
0xa4: {  	s25 =	simm.s32 $0x1B8E;
	s24 =	sld [smem:$0x3FFE];
	[sflag:s23] =	ssyncadd.s32 $0xFFFFFFFF  }
0xa5: {  	s26 =	simm.s32 $execute0_lowered;
	[smem:$0x3FD2] =	sst s25  }
0xa6: {  	s4 =	sshll.u32 s26, $0x1;
	_ =	strace $0x80000046;
	[dreg:$0x1] =	wrdreg $0xFFFFFFFF  }
0xa7: {  	s28 =	simm.s32 $_size_execute0_lowered;
	s2 =	sadd.s32 s2, s4;
	[dreg:$0x0] =	wrdreg $0x0  }
0xa8: {  	s4 =	sshll.u32 s28, $0x1;
	[dreg:$0x2] =	wrdreg s2  }
0xa9: {  	[dreg:$0x3] =	wrdreg s4  }
0xaa: {  	[dreg:$0x4] =	wrdreg $0xC0  }
0xab: {  	_ =	task [dreg:s6], $0x5FFFF  }
0xac: {  	[dreg:$0x1] =	wrdreg $0xFFFFFFFF  }
0xad: {  	[dreg:$0x0] =	wrdreg $0x60  }
0xae: {  	[dreg:$0x2] =	wrdreg s24  }
0xaf: {  	[dreg:$0x3] =	wrdreg $0xA  }
0xb0: {  	_ =	task.clear_ibuf [dreg:s6], $0x4FFFF;
	_ =	strace $0x90000046  }
0xb1: {  	s29 =	simm.s32 $0xA;
	_ =	strace $0x80000048  }
0xb2: {  	_ =	swait.ge [sflag:s29], $0x1  }
0xb3: {  	[sflag:s29] =	ssyncadd.s32 $0xFFFFFFFF  }
0xb4: {  	_ =	strace $0x90000048  }
0xb5: {  	_ =	sfence  }
0xb6: {  	s30 =	sld [smem:$0x0];
	_ =	sdelay $0x2  }
0xb7: {  	s31 =	sshll.u32 s1, $0xD;
	s1 =	sshrl.u32 s1, $0x2  }
0xb8: {  	s3 =	sand.u32 $0x4000, s31;
	s1 =	sadd.s32 s1, s30  }
0xb9: {  	s0 =	sor.u32 s3, s0;
	s1 =	sshll.u32 s1, $0x11  }
0xba: {  	s0 =	sor.u32 s1, s0  }
0xbb: {  	s0 =	sadd.s32 $0x8F2B, s0  }
0xbc: {  	[sflag:s0] =	ssyncadd.remote.s32 $0x1  }
0xbd: {  	_ =	sfence.sel $0xFFFF  }
0xbe: {  	[dreg:$0x0] =	wrdreg $0xFFFFFFFF;
	(pc) =	sbr.abs _section_cstart, $3  }
0xbf: {  	[dreg:$0x1] =	wrdreg $0xFFFFFFFF  }
0xc0: {  	_ =	task.clear_ibuf [dreg:s6], $0x2FFFF;
	_ =	strace $0x9FFFFFFF  }
0xc1: {  	(tm) =	ssettm $0x7FFFFFFF  }
tec
execute0_lowered:
.L_overlay_start_1:
0x0: {  	(tag) =	ssettag $0x1  }
0x1: {  	s0 =	rddreg [dreg:$0x0];
	s1 =	simm.s32 $0x0  }
0x2: {  	s3 =	srdreg.scid;
	s13 =	stileid.u32;
	s15 =	simm.s32 $0x7  }
0x3: {  	s16 =	simm.s32 $0x4000;
	s17 =	simm.s32 $0x8000;
	s18 =	simm.s32 $0xC000  }
0x4: {  	s28 =	simm.s32 $0x10100;
	s29 =	simm.s32 $0x4;
	s30 =	simm.s32 $0x5  }
0x5: {  	s31 =	simm.s32 $0x6;
	[smem:$0x7FF] =	sst s1;
	s2 =	sadd.s32 $0x4F600, s0  }
0x6: {  	s5 =	sadd.s32 $0x44600, s0;
	s4 =	sadd.s32 $0x8F600, s0;
	s3 =	sand.u32 $0x1, s3  }
0x7: {  	v0 =	vlaneseq.u32;
	s11 =	sadd.s32 $0x48F600, s0;
	s8 =	sshll.u32 s13, $0xE;
	s19 =	sadd.s32 $0x4DE00, s0  }
0x8: {  	v0 =	vmul.u32 $0x80, v0;
	s20 =	sadd.s32 $0x4E600, s0;
	_ =	strace $0x80000047;
	[dreg:$0x2] =	wrdreg s19  }
0x9: {  	s0 =	sadd.s32 $0x4EE00, s0;
	s24 =	sshll.u32 s13, $0x12;
	[dreg:$0x3] =	wrdreg s20  }
0xa: {  	v4 =	vimm.f32 $0.0e+00;
	s6 =	ssub.s32 $0x2, s3;
	s9 =	sshll.u32 s3, $0xD;
	[dreg:$0x4] =	wrdreg s0;
	v1 =	vor.u32 $0x1, v0  }
0xb: {  	s3 =	sshll.u32 s3, $0x11;
	s19 =	simm.s32 $0xC080;
	s7 =	sshrl.u32 s6, $0x1;
	v2 =	vor.u32 $0x2, v0;
	v3 =	vor.u32 $0x3, v0;
	v5 =	vor.u32 $0x800, v0  }
0xc: {  	s20 =	simm.s32 $0x1;
	s12 =	sor.u32 s9, s8;
	v6 =	vor.u32 $0x801, v0;
	v7 =	vor.u32 $0x802, v0;
	v8 =	vor.u32 $0x803, v0;
	s10 =	ssub.s32 s6, s7  }
0xd: {  	v9 =	vor.u32 $0x1000, v0;
	v10 =	vor.u32 $0x1001, v0;
	v11 =	vor.u32 $0x1002, v0;
	s21 =	sshrl.u32 s12, $0x3;
	s8 =	sshll.u32 s12, $0x4;
	s25 =	sor.u32 $0x100, s12  }
0xe: {  	v12 =	vor.u32 $0x1003, v0;
	v13 =	vor.u32 $0x1800, v0;
	v14 =	vor.u32 $0x1801, v0;
	s7 =	sadd.s32 s21, s5;
	s22 =	sor.u32 $0x1F800, s8;
	s10 =	smax.u32 s10, $0x1  }
0xf: {  	v15 =	vor.u32 $0x1802, v0;
	v16 =	vor.u32 $0x1803, v0;
	v17 =	vor.u32 $0x2000, v0;
	s26 =	sshrl.u32 s25, $0x3;
	s21 =	simm.s32 $0x14100;
	s23 =	sadd.s32 s4, s22  }
0x10: {  	v18 =	vor.u32 $0x2001, v0;
	v19 =	vor.u32 $0x2002, v0;
	v20 =	vor.u32 $0x2003, v0;
	s25 =	simm.s32 $0x2;
	s0 =	sadd.s32 s11, s22;
	[dreg:$0x5] =	wrdreg s23  }
0x11: {  	v21 =	vor.u32 $0x2800, v0;
	v22 =	vor.u32 $0x2801, v0;
	v23 =	vor.u32 $0x2802, v0;
	s11 =	sadd.s32 s24, s11;
	s22 =	simm.s32 $0x80;
	[dreg:$0x6] =	wrdreg s0  }
0x12: {  	v24 =	vor.u32 $0x2803, v0;
	v25 =	vor.u32 $0x3000, v0;
	v26 =	vor.u32 $0x3001, v0;
	s11 =	sadd.s32 s3, s11;
	s0 =	sadd.s32 s24, s4;
	s4 =	sadd.s32 $0x10, s7  }
0x13: {  	v27 =	vor.u32 $0x3002, v0;
	v28 =	vor.u32 $0x3003, v0;
	v29 =	vor.u32 $0x3800, v0;
	s23 =	simm.s32 $0xC100;
	s24 =	simm.s32 $0x3;
	s12 =	sadd.s32 s3, s0  }
0x14: {  	v30 =	vor.u32 $0x3801, v0;
	v31 =	vor.u32 $0x3802, v0;
	v32 =	vor.u32 $0x3803, v0;
	s3 =	sadd.s32 s26, s5;
	s26 =	simm.s32 $0x18100;
	s0 =	simm.s32 $0x0  }
.LBB2_1:
0x15: {  	s5 =	rddreg [dreg:$0x2]  }
0x16: {  	[tilespmem:s1], [sflag:$0x7] =	stream.linear.gather [hbm4b:s5+s1], $0x4000, $0x38;
	[tilespmem:$0x1C100] =	vst v63  }
0x17: {  	_ =	swait.ge [sflag:s15], $0x4000  }
0x18: {  	[sflag:s15] =	ssyncset.done $0x0  }
0x19: {  	s13 =	rddreg [dreg:$0x3];
	[sflag:s15] =	ssyncadd.s32 $0xFFFFC000  }
0x1a: {  	[tilespmem:s16], [sflag:$0x7] =	stream.linear.gather [hbm4b:s13+s1], $0x4000, $0x38;
	[tilespmem:$0x1C100] =	vst v63  }
0x1b: {  	_ =	swait.ge [sflag:s15], $0x4000  }
0x1c: {  	[sflag:s15] =	ssyncset.done $0x0  }
0x1d: {  	s14 =	rddreg [dreg:$0x4];
	[sflag:s15] =	ssyncadd.s32 $0xFFFFC000  }
0x1e: {  	[tilespmem:s17], [sflag:$0x7] =	stream.linear.gather [hbm4b:s14+s1], $0x4000, $0x38;
	[tilespmem:$0x1C100] =	vst v63  }
0x1f: {  	_ =	swait.ge [sflag:s15], $0x4000  }
0x20: {  	s5 =	simm.s32 $0x0;
	[sflag:s15] =	ssyncset.done $0x0  }
0x21: {  	s13 =	smov.u32 s4;
	s14 =	smov.u32 s3;
	[sflag:s15] =	ssyncadd.s32 $0xFFFFC000  }
0x22: {  	[tilespmem:s18], [sflag:$0x1] =	stream.linear.gather [hbm4b:s7+s1], $0x80, $0x38;
	[tilespmem:$0x1C100] =	vst v63  }
.LBB2_2:
0x23: {  	p0 =	seq.s32 s5, $0x0  }
0x24: {  	s6 =	simm.s32 @!p0 $0x4  }
0x25: {  	_ =	swait.ge @!p0 [sflag:s6], $0x4000  }
0x26: {  	[sflag:s6] =	ssyncset.done @!p0 $0x0  }
0x27: {  	[sflag:s6] =	ssyncadd.s32 @!p0 $0xFFFFC000;
	s6 =	sadd.s32 @!p0 s5, s12  }
0x28: {  	s8 =	simm.s32 @!p0 $0x0;
	s9 =	simm.s32 @!p0 $0x10100;
	s6 =	sadd.s32 @!p0 $0xFFFFF800, s6  }
0x29: {  	[hbm4b:s6+s8] =	stream.linear.scatter @!p0 [tilespmem:s9], [sflag:$0x6], $0x4000, $0x38;
	[tilespmem:$0x1C100] =	vst v63  }
0x2a: {  	s6 =	sadd.s32 @!p0 s5, s11  }
0x2b: {  	s9 =	simm.s32 @!p0 $0x18100;
	s6 =	sadd.s32 @!p0 $0xFFFFF800, s6  }
0x2c: {  	[hbm4b:s6+s8] =	stream.linear.scatter @!p0 [tilespmem:s9], [sflag:$0x6], $0x4000, $0x38;
	[tilespmem:$0x1C100] =	vst v63  }
0x2d: {  	s6 =	simm.s32 @!p0 $0x5  }
0x2e: {  	[tilespmem:s19], [sflag:$0x2] =	stream.linear.gather [hbm4b:s13+s1], $0x80, $0x38;
	[tilespmem:$0x1C100] =	vst v63  }
0x2f: {  	_ =	swait.ge @!p0 [sflag:s6], $0x4000  }
0x30: {  	[sflag:s6] =	ssyncset.done @!p0 $0x0  }
0x31: {  	[sflag:s6] =	ssyncadd.s32 @!p0 $0xFFFFC000  }
0x32: {  	_ =	swait.ge @!p0 [sflag:s6], $0x4000  }
0x33: {  	[sflag:s6] =	ssyncset.done @!p0 $0x0  }
0x34: {  	[sflag:s6] =	ssyncadd.s32 @!p0 $0xFFFFC000  }
0x35: {  	_ =	swait.ge [sflag:s20], $0x80  }
0x36: {  	[sflag:s20] =	ssyncset.done $0x0  }
0x37: {  	[sflag:s20] =	ssyncadd.s32 $0xFFFFFF80  }
0x38: {  	v33 =	vld [tilespmem:$0xC000];
	_ =	sdelay $0x7  }
0x39: {  	v34 =	vld.idx.msk [tilespmem:v33+s1+$0x0], $0xffff  }
0x3a: {  	v35 =	vld.idx.msk [tilespmem:v33+s16+$0x0], $0xffff  }
0x3b: {  	v33 =	vld.idx.msk [tilespmem:v33+s17+$0x0], $0xffff;
	_ =	sdelay $0x2  }
0x3c: {  	[tilespmem:v0+s21+$0x0] =	vst.idx.msk $0xffff, v34  }
0x3d: {  	[tilespmem:v1+s21+$0x0] =	vst.idx.msk $0xffff, v35  }
0x3e: {  	[tilespmem:v2+s21+$0x0] =	vst.idx.msk $0xffff, v33  }
0x3f: {  	[tilespmem:v3+s21+$0x0] =	vst.idx.msk $0xffff, v4  }
0x40: {  	v33 =	vld [tilespmem:$0xC010];
	_ =	sdelay $0x7  }
0x41: {  	v34 =	vld.idx.msk [tilespmem:v33+s1+$0x0], $0xffff  }
0x42: {  	v35 =	vld.idx.msk [tilespmem:v33+s16+$0x0], $0xffff  }
0x43: {  	v33 =	vld.idx.msk [tilespmem:v33+s17+$0x0], $0xffff;
	_ =	sdelay $0x2  }
0x44: {  	[tilespmem:v5+s21+$0x0] =	vst.idx.msk $0xffff, v34  }
0x45: {  	[tilespmem:v6+s21+$0x0] =	vst.idx.msk $0xffff, v35  }
0x46: {  	[tilespmem:v7+s21+$0x0] =	vst.idx.msk $0xffff, v33  }
0x47: {  	[tilespmem:v8+s21+$0x0] =	vst.idx.msk $0xffff, v4  }
0x48: {  	v33 =	vld [tilespmem:$0xC020];
	_ =	sdelay $0x7  }
0x49: {  	v34 =	vld.idx.msk [tilespmem:v33+s1+$0x0], $0xffff  }
0x4a: {  	v35 =	vld.idx.msk [tilespmem:v33+s16+$0x0], $0xffff  }
0x4b: {  	v33 =	vld.idx.msk [tilespmem:v33+s17+$0x0], $0xffff;
	_ =	sdelay $0x2  }
0x4c: {  	[tilespmem:v9+s21+$0x0] =	vst.idx.msk $0xffff, v34  }
0x4d: {  	[tilespmem:v10+s21+$0x0] =	vst.idx.msk $0xffff, v35  }
0x4e: {  	[tilespmem:v11+s21+$0x0] =	vst.idx.msk $0xffff, v33  }
0x4f: {  	[tilespmem:v12+s21+$0x0] =	vst.idx.msk $0xffff, v4  }
0x50: {  	v33 =	vld [tilespmem:$0xC030];
	_ =	sdelay $0x7  }
0x51: {  	v34 =	vld.idx.msk [tilespmem:v33+s1+$0x0], $0xffff  }
0x52: {  	v35 =	vld.idx.msk [tilespmem:v33+s16+$0x0], $0xffff  }
0x53: {  	v33 =	vld.idx.msk [tilespmem:v33+s17+$0x0], $0xffff;
	_ =	sdelay $0x2  }
0x54: {  	[tilespmem:v13+s21+$0x0] =	vst.idx.msk $0xffff, v34  }
0x55: {  	[tilespmem:v14+s21+$0x0] =	vst.idx.msk $0xffff, v35  }
0x56: {  	[tilespmem:v15+s21+$0x0] =	vst.idx.msk $0xffff, v33  }
0x57: {  	[tilespmem:v16+s21+$0x0] =	vst.idx.msk $0xffff, v4  }
0x58: {  	v33 =	vld [tilespmem:$0xC040];
	_ =	sdelay $0x7  }
0x59: {  	v34 =	vld.idx.msk [tilespmem:v33+s1+$0x0], $0xffff  }
0x5a: {  	v35 =	vld.idx.msk [tilespmem:v33+s16+$0x0], $0xffff  }
0x5b: {  	v33 =	vld.idx.msk [tilespmem:v33+s17+$0x0], $0xffff;
	_ =	sdelay $0x2  }
0x5c: {  	[tilespmem:v17+s21+$0x0] =	vst.idx.msk $0xffff, v34  }
0x5d: {  	[tilespmem:v18+s21+$0x0] =	vst.idx.msk $0xffff, v35  }
0x5e: {  	[tilespmem:v19+s21+$0x0] =	vst.idx.msk $0xffff, v33  }
0x5f: {  	[tilespmem:v20+s21+$0x0] =	vst.idx.msk $0xffff, v4  }
0x60: {  	v33 =	vld [tilespmem:$0xC050];
	_ =	sdelay $0x7  }
0x61: {  	v34 =	vld.idx.msk [tilespmem:v33+s1+$0x0], $0xffff  }
0x62: {  	v35 =	vld.idx.msk [tilespmem:v33+s16+$0x0], $0xffff  }
0x63: {  	v33 =	vld.idx.msk [tilespmem:v33+s17+$0x0], $0xffff;
	_ =	sdelay $0x2  }
0x64: {  	[tilespmem:v21+s21+$0x0] =	vst.idx.msk $0xffff, v34  }
0x65: {  	[tilespmem:v22+s21+$0x0] =	vst.idx.msk $0xffff, v35  }
0x66: {  	[tilespmem:v23+s21+$0x0] =	vst.idx.msk $0xffff, v33  }
0x67: {  	[tilespmem:v24+s21+$0x0] =	vst.idx.msk $0xffff, v4  }
0x68: {  	v33 =	vld [tilespmem:$0xC060];
	_ =	sdelay $0x7  }
0x69: {  	v34 =	vld.idx.msk [tilespmem:v33+s1+$0x0], $0xffff  }
0x6a: {  	v35 =	vld.idx.msk [tilespmem:v33+s16+$0x0], $0xffff  }
0x6b: {  	v33 =	vld.idx.msk [tilespmem:v33+s17+$0x0], $0xffff;
	_ =	sdelay $0x2  }
0x6c: {  	[tilespmem:v25+s21+$0x0] =	vst.idx.msk $0xffff, v34  }
0x6d: {  	[tilespmem:v26+s21+$0x0] =	vst.idx.msk $0xffff, v35  }
0x6e: {  	[tilespmem:v27+s21+$0x0] =	vst.idx.msk $0xffff, v33  }
0x6f: {  	[tilespmem:v28+s21+$0x0] =	vst.idx.msk $0xffff, v4  }
0x70: {  	v33 =	vld [tilespmem:$0xC070];
	_ =	sdelay $0x7  }
0x71: {  	v34 =	vld.idx.msk [tilespmem:v33+s1+$0x0], $0xffff  }
0x72: {  	v35 =	vld.idx.msk [tilespmem:v33+s16+$0x0], $0xffff  }
0x73: {  	v33 =	vld.idx.msk [tilespmem:v33+s17+$0x0], $0xffff;
	_ =	sdelay $0x2  }
0x74: {  	[tilespmem:v29+s21+$0x0] =	vst.idx.msk $0xffff, v34  }
0x75: {  	[tilespmem:v30+s21+$0x0] =	vst.idx.msk $0xffff, v35  }
0x76: {  	[tilespmem:v31+s21+$0x0] =	vst.idx.msk $0xffff, v33  }
0x77: {  	[tilespmem:v32+s21+$0x0] =	vst.idx.msk $0xffff, v4  }
0x78: {  	[tilespmem:s23], [sflag:$0x3] =	stream.indirect.gather [hbm4b:s2+s22], $0x80, s18, s22, $0xb8;
	[tilespmem:$0x1C100] =	vst v63  }
0x79: {  	_ =	swait.ge [sflag:s24], $0x4000  }
0x7a: {  	[sflag:s24] =	ssyncset.done $0x0  }
0x7b: {  	s8 =	sadd.s32 s5, s12;
	[sflag:s24] =	ssyncadd.s32 $0xFFFFC000  }
0x7c: {  	[hbm4b:s8+s1] =	stream.linear.scatter [tilespmem:s23], [sflag:$0x5], $0x4000, $0x38;
	[tilespmem:$0x1C100] =	vst v63  }
0x7d: {  	s9 =	sadd.s32 s5, s11;
	p0 =	seq.s32 s5, $0x1F000  }
0x7e: {  	[hbm4b:s9+s1] =	stream.linear.scatter [tilespmem:s21], [sflag:$0x5], $0x4000, $0x38;
	[tilespmem:$0x1C100] =	vst v63  }
0x7f: {  	p1 =	seq.s32 @!p0 s5, $0x0;
	s6 =	simm.s32 @!p0 $0x0;
	s8 =	simm.s32 @!p0 $0xC000  }
0x80: {  	[tilespmem:s8], [sflag:$0x1] =	stream.linear.gather @!p0 [hbm4b:s14+s6], $0x80, $0x38;
	[tilespmem:$0x1C100] =	vst v63  }
0x81: {  	p0 =	por p0, !p1  }
0x82: {  	_ =	swait.ge @p0 [sflag:s31], $0x4000  }
0x83: {  	[sflag:s31] =	ssyncset.done @p0 $0x0  }
0x84: {  	[sflag:s31] =	ssyncadd.s32 @p0 $0xFFFFC000  }
0x85: {  	_ =	swait.ge @p0 [sflag:s31], $0x4000  }
0x86: {  	[sflag:s31] =	ssyncset.done @p0 $0x0  }
0x87: {  	[sflag:s31] =	ssyncadd.s32 @p0 $0xFFFFC000  }
0x88: {  	_ =	swait.ge [sflag:s25], $0x80  }
0x89: {  	[sflag:s25] =	ssyncset.done $0x0  }
0x8a: {  	[sflag:s25] =	ssyncadd.s32 $0xFFFFFF80  }
0x8b: {  	v61 =	vld [tilespmem:$0xC080];
	_ =	sdelay $0x7  }
0x8c: {  	v62 =	vld.idx.msk [tilespmem:v61+s1+$0x0], $0xffff  }
0x8d: {  	v63 =	vld.idx.msk [tilespmem:v61+s16+$0x0], $0xffff  }
0x8e: {  	v33 =	vld.idx.msk [tilespmem:v61+s17+$0x0], $0xffff;
	_ =	sdelay $0x2  }
0x8f: {  	[tilespmem:v0+s26+$0x0] =	vst.idx.msk $0xffff, v62  }
0x90: {  	[tilespmem:v1+s26+$0x0] =	vst.idx.msk $0xffff, v63  }
0x91: {  	[tilespmem:v2+s26+$0x0] =	vst.idx.msk $0xffff, v33  }
0x92: {  	[tilespmem:v3+s26+$0x0] =	vst.idx.msk $0xffff, v4  }
0x93: {  	v33 =	vld [tilespmem:$0xC090];
	_ =	sdelay $0x7  }
0x94: {  	v34 =	vld.idx.msk [tilespmem:v33+s1+$0x0], $0xffff  }
0x95: {  	v35 =	vld.idx.msk [tilespmem:v33+s16+$0x0], $0xffff  }
0x96: {  	v33 =	vld.idx.msk [tilespmem:v33+s17+$0x0], $0xffff;
	_ =	sdelay $0x2  }
0x97: {  	[tilespmem:v5+s26+$0x0] =	vst.idx.msk $0xffff, v34  }
0x98: {  	[tilespmem:v6+s26+$0x0] =	vst.idx.msk $0xffff, v35  }
0x99: {  	[tilespmem:v7+s26+$0x0] =	vst.idx.msk $0xffff, v33  }
0x9a: {  	[tilespmem:v8+s26+$0x0] =	vst.idx.msk $0xffff, v4  }
0x9b: {  	v33 =	vld [tilespmem:$0xC0A0];
	_ =	sdelay $0x7  }
0x9c: {  	v34 =	vld.idx.msk [tilespmem:v33+s1+$0x0], $0xffff  }
0x9d: {  	v35 =	vld.idx.msk [tilespmem:v33+s16+$0x0], $0xffff  }
0x9e: {  	v33 =	vld.idx.msk [tilespmem:v33+s17+$0x0], $0xffff;
	_ =	sdelay $0x2  }
0x9f: {  	[tilespmem:v9+s26+$0x0] =	vst.idx.msk $0xffff, v34  }
0xa0: {  	[tilespmem:v10+s26+$0x0] =	vst.idx.msk $0xffff, v35  }
0xa1: {  	[tilespmem:v11+s26+$0x0] =	vst.idx.msk $0xffff, v33  }
0xa2: {  	[tilespmem:v12+s26+$0x0] =	vst.idx.msk $0xffff, v4  }
0xa3: {  	v33 =	vld [tilespmem:$0xC0B0];
	_ =	sdelay $0x7  }
0xa4: {  	v34 =	vld.idx.msk [tilespmem:v33+s1+$0x0], $0xffff  }
0xa5: {  	v35 =	vld.idx.msk [tilespmem:v33+s16+$0x0], $0xffff  }
0xa6: {  	v33 =	vld.idx.msk [tilespmem:v33+s17+$0x0], $0xffff;
	_ =	sdelay $0x2  }
0xa7: {  	[tilespmem:v13+s26+$0x0] =	vst.idx.msk $0xffff, v34  }
0xa8: {  	[tilespmem:v14+s26+$0x0] =	vst.idx.msk $0xffff, v35  }
0xa9: {  	[tilespmem:v15+s26+$0x0] =	vst.idx.msk $0xffff, v33  }
0xaa: {  	[tilespmem:v16+s26+$0x0] =	vst.idx.msk $0xffff, v4  }
0xab: {  	v33 =	vld [tilespmem:$0xC0C0];
	_ =	sdelay $0x7  }
0xac: {  	v34 =	vld.idx.msk [tilespmem:v33+s1+$0x0], $0xffff  }
0xad: {  	v35 =	vld.idx.msk [tilespmem:v33+s16+$0x0], $0xffff  }
0xae: {  	v33 =	vld.idx.msk [tilespmem:v33+s17+$0x0], $0xffff;
	_ =	sdelay $0x2  }
0xaf: {  	[tilespmem:v17+s26+$0x0] =	vst.idx.msk $0xffff, v34  }
0xb0: {  	[tilespmem:v18+s26+$0x0] =	vst.idx.msk $0xffff, v35  }
0xb1: {  	[tilespmem:v19+s26+$0x0] =	vst.idx.msk $0xffff, v33  }
0xb2: {  	[tilespmem:v20+s26+$0x0] =	vst.idx.msk $0xffff, v4  }
0xb3: {  	v33 =	vld [tilespmem:$0xC0D0];
	_ =	sdelay $0x7  }
0xb4: {  	v34 =	vld.idx.msk [tilespmem:v33+s1+$0x0], $0xffff  }
0xb5: {  	v35 =	vld.idx.msk [tilespmem:v33+s16+$0x0], $0xffff  }
0xb6: {  	v33 =	vld.idx.msk [tilespmem:v33+s17+$0x0], $0xffff;
	_ =	sdelay $0x2  }
0xb7: {  	[tilespmem:v21+s26+$0x0] =	vst.idx.msk $0xffff, v34  }
0xb8: {  	[tilespmem:v22+s26+$0x0] =	vst.idx.msk $0xffff, v35  }
0xb9: {  	[tilespmem:v23+s26+$0x0] =	vst.idx.msk $0xffff, v33  }
0xba: {  	[tilespmem:v24+s26+$0x0] =	vst.idx.msk $0xffff, v4  }
0xbb: {  	v33 =	vld [tilespmem:$0xC0E0];
	_ =	sdelay $0x7  }
0xbc: {  	v34 =	vld.idx.msk [tilespmem:v33+s1+$0x0], $0xffff  }
0xbd: {  	v35 =	vld.idx.msk [tilespmem:v33+s16+$0x0], $0xffff  }
0xbe: {  	v33 =	vld.idx.msk [tilespmem:v33+s17+$0x0], $0xffff;
	_ =	sdelay $0x2  }
0xbf: {  	[tilespmem:v25+s26+$0x0] =	vst.idx.msk $0xffff, v34  }
0xc0: {  	[tilespmem:v26+s26+$0x0] =	vst.idx.msk $0xffff, v35  }
0xc1: {  	[tilespmem:v27+s26+$0x0] =	vst.idx.msk $0xffff, v33  }
0xc2: {  	[tilespmem:v28+s26+$0x0] =	vst.idx.msk $0xffff, v4  }
0xc3: {  	v33 =	vld [tilespmem:$0xC0F0];
	_ =	sdelay $0x7  }
0xc4: {  	v34 =	vld.idx.msk [tilespmem:v33+s1+$0x0], $0xffff  }
0xc5: {  	v35 =	vld.idx.msk [tilespmem:v33+s16+$0x0], $0xffff  }
0xc6: {  	v33 =	vld.idx.msk [tilespmem:v33+s17+$0x0], $0xffff  }
0xc7: {  	s5 =	sadd.s32 $0x1000, s5  }
0xc8: {  	p0 =	sne.s32 s5, $0x20000  }
.Ltmp0:
0xc9: {  	[tilespmem:v29+s26+$0x0] =	vst.idx.msk $0xffff, v34;
	(pc) =	sbr.rel @p0 .LBB2_2-.Ltmp0, $4  }
0xca: {  	[tilespmem:v30+s26+$0x0] =	vst.idx.msk $0xffff, v35  }
0xcb: {  	[tilespmem:v31+s26+$0x0] =	vst.idx.msk $0xffff, v33  }
0xcc: {  	s13 =	sadd.s32 $0x20, s13;
	s14 =	sadd.s32 $0x20, s14;
	[tilespmem:v32+s26+$0x0] =	vst.idx.msk $0xffff, v4  }
0xcd: {  	[tilespmem:s28], [sflag:$0x4] =	stream.indirect.gather [hbm4b:s2+s22], $0x80, s19, s22, $0xb8;
	[tilespmem:$0x1C100] =	vst v63  }
0xce: {  	_ =	swait.ge [sflag:s29], $0x4000  }
0xcf: {  	[sflag:s29] =	ssyncset.done $0x0  }
0xd0: {  	s5 =	rddreg [dreg:$0x5];
	[sflag:s29] =	ssyncadd.s32 $0xFFFFC000  }
0xd1: {  	[hbm4b:s5+s1] =	stream.linear.scatter [tilespmem:s28], [sflag:$0x6], $0x4000, $0x38;
	[tilespmem:$0x1C100] =	vst v63  }
0xd2: {  	s14 =	rddreg [dreg:$0x6]  }
0xd3: {  	[hbm4b:s14+s1] =	stream.linear.scatter [tilespmem:s26], [sflag:$0x6], $0x4000, $0x38;
	[tilespmem:$0x1C100] =	vst v63  }
0xd4: {  	_ =	swait.ge [sflag:s30], $0x4000  }
0xd5: {  	[sflag:s30] =	ssyncset.done $0x0  }
0xd6: {  	[sflag:s30] =	ssyncadd.s32 $0xFFFFC000  }
0xd7: {  	_ =	swait.ge [sflag:s30], $0x4000  }
0xd8: {  	[sflag:s30] =	ssyncset.done $0x0  }
0xd9: {  	s0 =	sadd.s32 $0x1, s0;
	[sflag:s30] =	ssyncadd.s32 $0xFFFFC000  }
0xda: {  	p0 =	sne.s32 s0, s10;
	_ =	swait.ge [sflag:s31], $0x4000  }
.Ltmp1:
0xdb: {  	[sflag:s31] =	ssyncset.done $0x0;
	(pc) =	sbr.rel @p0 .LBB2_1-.Ltmp1, $4  }
0xdc: {  	[sflag:s31] =	ssyncadd.s32 $0xFFFFC000  }
0xdd: {  	_ =	swait.ge [sflag:s31], $0x4000  }
0xde: {  	[sflag:s31] =	ssyncset.done $0x0  }
0xdf: {  	[sflag:s31] =	ssyncadd.s32 $0xFFFFC000  }
0xe0: {  	_ =	sfence.sel $0x180000  }
0xe1: {  	[bflag:$0x0] =	sbarrier.arrive $0xFFFF  }
0xe2: {  	_ =	strace $0x90000047  }
0xe3: {  	s0 =	stileid.u32;
	[bflag:$0x2] =	sbarrier.arrive $0xFFFF  }
0xe4: {  	p0 =	sne.s32 s0, $0x0;
	s0 =	rddreg [dreg:$0x1]  }
0xe5: {  	s0 =	sadd.s32 @!p0 $0x100000, s0  }
0xe6: {  	[sflag:s0] =	ssyncadd.tile.s32 @!p0 $0x1;
	_ =	shalt  }
.Lfunc_end2:
_tile_overlayer_lowered:
.L_overlay_start_2:
0xe7: {  	(tag) =	ssettag $0x2  }
0xe8: {  	s0 =	rddreg [dreg:$0x0];
	s2 =	stileid.u32  }
0xe9: {  	s1 =	rddreg [dreg:$0x1];
	p0 =	sne.s32 s2, $0x0  }
0xea: {  	s3 =	rddreg [dreg:$0x2];
	[bflag:$0x3] =	sbarrier.arrive $0xFFFF;
	s2 =	simm.s32 @!p0 $0x1C07  }
0xeb: {  	[timem:s3], [sflag:s2] =	dma.local @!p0 [hbm:s0], s1  }
0xec: {  	s0 =	simm.s32 @!p0 $0x7  }
0xed: {  	_ =	swait.ge @!p0 [sflag:s0], s1  }
0xee: {  	s1 =	ssub.s32 @!p0 $0x0, s1;
	[sflag:s0] =	ssyncset.done @!p0 $0x0  }
0xef: {  	[sflag:s0] =	ssyncadd.s32 @!p0 s1  }
0xf0: {  	[bflag:$0x3] =	sbarrier.arrive $0xFFFF  }
0xf1: {  	_ =	shalt  }

// kernel: kernel.8.cloned.1.call-start
scs
__scs_entry_jumppad:
0x0: {  	(pc) =	sbr.rel $0x88, $3  }
0x1: {  	(tag) =	ssettag $0x0;
	lr =	simm.s32 $0x1  }
0x2: {  	[smem:$0x3F92] =	sst lr;
	_ =	strace $0xD0000000  }
0x3: {  	_ = 	snop  }
0x4: {  	_ = 	snop  }
0x5: {  	_ = 	snop  }
0x6: {  	_ = 	snop  }
0x7: {  	_ = 	snop  }
__scs_overlays_trampoline_lowered:
0x8: {  	[smem:$0x3FA1] =	sst s0  }
0x9: {  	[smem:$0x3FA2] =	sst s1  }
0xa: {  	[smem:$0x3FA3] =	sst s2  }
0xb: {  	[smem:$0x3FA4] =	sst s3  }
0xc: {  	[smem:$0x3FA5] =	sst s4  }
0xd: {  	[smem:$0x3FA6] =	sst s5  }
0xe: {  	[smem:$0x3FA7] =	sst s6  }
0xf: {  	[smem:$0x3FA8] =	sst s7  }
0x10: {  	[smem:$0x3FA9] =	sst s8  }
0x11: {  	[smem:$0x3FAA] =	sst s9;
	s0 =	simm.s32 @!p0 $0x0  }
0x12: {  	s1 =	sld [smem:$0x3F90];
	s0 =	simm.s32 @p0 $0x1  }
0x13: {  	[smem:$0x3FAB] =	sst s0;
	s0 =	simm.s32 @!p1 $0x0  }
0x14: {  	s2 =	sld [smem:$0x3F8F];
	s0 =	simm.s32 @p1 $0x1  }
0x15: {  	[smem:$0x3FAC] =	sst s0;
	s0 =	simm.s32 @!p2 $0x0  }
0x16: {  	s3 =	sld [smem:$0x3FDB];
	s0 =	simm.s32 @p2 $0x1  }
0x17: {  	s4 =	simm.s32 $0x1BF5;
	[smem:$0x3FAE] =	sst s0  }
0x18: {  	s0 =	sld [smem:$0x3F91];
	_ =	swait.ge [sflag:s4], $0x0  }
0x19: {  	s7 =	sld [smem:$0x3F92]  }
0x1a: {  	s8 =	sadd.s32 $0xFFFFE003, lr  }
0x1b: {  	s9 =	sadd.s32 $0xFFFFFEF7, lr;
	s5 =	simm.s32 $0xFFFFFFFF;
	p2 =	slt.u32 s8, $0xFFFFF086  }
0x1c: {  	p1 =	slt.u32 s9, $0xF7A;
	s5 =	simm.s32 @!p2 $0x0  }
0x1d: {  	s5 =	simm.s32 @p1 $0x1;
	p0 =	seq.s32 s7, s2  }
0x1e: {  	s7 =	smul.u32 @!p0 $0xF7A, s2;
	p2 =	seq.s32 @!p0 s5, $0x0  }
0x1f: {  	s9 =	smul.u32 $0xF7A, s1;
	s8 =	simm.s32 @!p0 $0x1BF5;
	p2 =	por !p2, p0  }
0x20: {  	[sflag:s8] =	ssyncset.s32 @!p0 $0xFFFFF086;
	s6 =	sadd.s32 @!p0 s3, s7;
	s7 =	simm.s32 @!p0 $0x108  }
0x21: {  	s3 =	sadd.s32 s3, s9;
	s6 =	sadd.s32 @!p0 $0x88, s6;
	s7 =	simm.s32 @p2 $0x1082  }
0x22: {  	[simem:s7], [sflag:s8] =	dma.local @!p0 [hbm:s6], $0xF7A  }
0x23: {  	s9 =	sor.u32 $0xD0000000, s2;
	s6 =	simm.s32 $0x108;
	_ =	swait.ge @!p0 [sflag:s8], $0x0  }
0x24: {  	s3 =	sadd.s32 $0x88, s3;
	s6 =	simm.s32 @!p1 $0x1082;
	[sflag:s4] =	ssyncset.s32 $0xFFFFF086  }
0x25: {  	[simem:s6], [sflag:s4] =	dma.local [hbm:s3], $0xF7A  }
0x26: {  	[smem:$0x3F92] =	sst s1;
	(tag) =	ssettag s2;
	_ =	strace s9  }
0x27: {  	s1 =	sld [smem:$0x3FA2]  }
0x28: {  	s2 =	sld [smem:$0x3FA3]  }
0x29: {  	s4 =	sld [smem:$0x3FA5]  }
0x2a: {  	p0 =	seq.s32 s5, $0x0;
	s5 =	sld [smem:$0x3FA6]  }
0x2b: {  	s6 =	sld [smem:$0x3FA7]  }
0x2c: {  	s7 =	sld [smem:$0x3FA8]  }
0x2d: {  	s3 =	simm.s32 $0x108;
	s8 =	sld [smem:$0x3FA9]  }
0x2e: {  	s3 =	simm.s32 @!p0 $0x1082;
	s9 =	sld [smem:$0x3FAA]  }
0x2f: {  	lr =	sadd.s32 s0, s3;
	s0 =	sld [smem:$0x3FA1]  }
0x30: {  	s3 =	sld [smem:$0x3FA4]  }
0x31: {  	[smem:$0x3FAD] =	sst s10  }
0x32: {  	s10 =	sld [smem:$0x3FAB];
	_ =	sdelay $0x3  }
0x33: {  	p0 =	seq.s32 s10, $0x1;
	s10 =	sld [smem:$0x3FAD];
	_ =	sdelay $0x3  }
0x34: {  	[smem:$0x3FAD] =	sst s10  }
0x35: {  	s10 =	sld [smem:$0x3FAC];
	_ =	sdelay $0x3  }
0x36: {  	p1 =	seq.s32 s10, $0x1;
	s10 =	sld [smem:$0x3FAD];
	_ =	sdelay $0x3  }
0x37: {  	[smem:$0x3FAD] =	sst s10  }
0x38: {  	s10 =	sld [smem:$0x3FAE]  }
0x39: {  	_ = 	snop;
	(pc) =	sbr.ind lr, $3  }
0x3a: {  	_ = 	snop  }
0x3b: {  	_ = 	snop  }
0x3c: {  	p2 =	seq.s32 s10, $0x1;
	s10 =	sld [smem:$0x3FAD]  }
0x3d: {  	_ =	shalt  }
0x3e: {  	_ =	shalt  }
0x3f: {  	_ =	shalt  }
0x40: {  	_ =	shalt  }
0x41: {  	_ =	shalt  }
0x42: {  	_ =	shalt  }
0x43: {  	_ =	shalt  }
0x44: {  	_ =	shalt  }
0x45: {  	_ =	shalt  }
0x46: {  	_ =	shalt  }
0x47: {  	_ =	shalt  }
0x48: {  	_ =	shalt  }
0x49: {  	_ =	shalt  }
0x4a: {  	_ =	shalt  }
0x4b: {  	_ =	shalt  }
0x4c: {  	_ =	shalt  }
0x4d: {  	_ =	shalt  }
0x4e: {  	_ =	shalt  }
0x4f: {  	_ =	shalt  }
0x50: {  	_ =	shalt  }
0x51: {  	_ =	shalt  }
0x52: {  	_ =	shalt  }
0x53: {  	_ =	shalt  }
0x54: {  	_ =	shalt  }
0x55: {  	_ =	shalt  }
0x56: {  	_ =	shalt  }
0x57: {  	_ =	shalt  }
0x58: {  	_ =	shalt  }
0x59: {  	_ =	shalt  }
0x5a: {  	_ =	shalt  }
0x5b: {  	_ =	shalt  }
0x5c: {  	_ =	shalt  }
0x5d: {  	_ =	shalt  }
0x5e: {  	_ =	shalt  }
0x5f: {  	_ =	shalt  }
0x60: {  	_ =	shalt  }
0x61: {  	_ =	shalt  }
0x62: {  	_ =	shalt  }
0x63: {  	_ =	shalt  }
0x64: {  	_ =	shalt  }
0x65: {  	_ =	shalt  }
0x66: {  	_ =	shalt  }
0x67: {  	_ =	shalt  }
0x68: {  	_ =	shalt  }
0x69: {  	_ =	shalt  }
0x6a: {  	_ =	shalt  }
0x6b: {  	_ =	shalt  }
0x6c: {  	_ =	shalt  }
0x6d: {  	_ =	shalt  }
0x6e: {  	_ =	shalt  }
0x6f: {  	_ =	shalt  }
0x70: {  	_ =	shalt  }
0x71: {  	_ =	shalt  }
0x72: {  	_ =	shalt  }
0x73: {  	_ =	shalt  }
0x74: {  	_ =	shalt  }
0x75: {  	_ =	shalt  }
0x76: {  	_ =	shalt  }
0x77: {  	_ =	shalt  }
0x78: {  	_ =	shalt  }
0x79: {  	_ =	shalt  }
0x7a: {  	_ =	shalt  }
0x7b: {  	_ =	shalt  }
0x7c: {  	_ =	shalt  }
0x7d: {  	_ =	shalt  }
0x7e: {  	_ =	shalt  }
0x7f: {  	_ =	shalt  }
0x80: {  	_ =	shalt  }
0x81: {  	_ =	shalt  }
0x82: {  	_ =	shalt  }
0x83: {  	_ =	shalt  }
0x84: {  	_ =	shalt  }
0x85: {  	_ =	shalt  }
0x86: {  	_ =	shalt  }
0x87: {  	_ =	shalt  }
.Lfunc_end0:
.L_simem_size_0:
called_computation_lowered:
.L_overlay_start_0:
0x88: {  	s2 =	sld [smem:$0x3FD9]  }
0x89: {  	s3 =	sld [smem:$0x3FFE];
	_ =	sdelay $0x1  }
0x8a: {  	s1 =	srdreg.scid  }
0x8b: {  	s0 =	sand.u32 $0x1, s1  }
0x8c: {  	s17 =	sshll.u32 s0, $0xA;
	s2 =	sadd.s32 s3, s2  }
0x8d: {  	s2 =	sadd.s32 s2, s17  }
0x8e: {  	[smem:$0x3FB9] =	sst s2  }
0x8f: {  	_ = 	snop  }
0x90: {  	(tm) =	ssettm $0x1  }
0x91: {  	s18 =	sld [smem:$0x3FFB];
	_ =	sdelay $0x3  }
0x92: {  	_ =	strace s18  }
0x93: {  	s2 =	sld [smem:$0x3FFC];
	_ =	sdelay $0x3  }
0x94: {  	_ =	strace s2  }
0x95: {  	s2 =	sld [smem:$0x3FFD];
	_ =	sdelay $0x3  }
0x96: {  	_ =	strace s2  }
0x97: {  	_ =	strace $0x8FFFFFFF  }
0x98: {  	s19 =	sld [smem:$0x3FDB];
	_ =	sdelay $0x1  }
0x99: {  	s20 =	simm.s32 $_scs_section_size  }
0x9a: {  	s4 =	simm.s32 $_size__tile_overlayer_lowered;
	s5 =	simm.s32 $_tile_overlayer_lowered  }
0x9b: {  	s6 =	simm.s32 $0x1BFF;
	s21 =	sshll.u32 s5, $0x1;
	s3 =	sadd.s32 s20, s19  }
0x9c: {  	s22 =	simm.s32 $0x0;
	s4 =	sshll.u32 s4, $0x1;
	s5 =	sadd.s32 s21, s3  }
0x9d: {  	[timem:s22], [sflag:s6] =	dma.local [hbm:s5], s4  }
0x9e: {  	_ =	swait.ge [sflag:s6], s4  }
0x9f: {  	s4 =	ssub.s32 $0x0, s4;
	[sflag:s6] =	ssyncset.done $0x0  }
0xa0: {  	[sflag:s6] =	ssyncadd.s32 s4;
	_ =	sdelay $0x1  }
0xa1: {  	s23 =	simm.s32 $0x1B8B  }
0xa2: {  	_ =	swait.ge [sflag:s23], $0x1  }
0xa3: {  	[sflag:s23] =	ssyncset.done $0x0  }
0xa4: {  	[sflag:s23] =	ssyncadd.s32 $0xFFFFFFFF  }
0xa5: {  	s4 =	sld [smem:$0x0]  }
0xa6: {  	s5 =	sand.u32 $0xFFFFFFFE, s1  }
0xa7: {  	p0 =	sne.s32 s1, s5  }
0xa8: {  	s5 =	sshll.u32 @p0 s5, $0xE  }
0xa9: {  	s5 =	sadd.s32 @p0 $0x11B8D, s5;
	s6 =	sshll.u32 @p0 s4, $0x11  }
0xaa: {  	s5 =	sor.u32 @p0 s6, s5  }
0xab: {  	[sflag:s5] =	ssyncadd.remote.s32 @p0 $0x1;
	_ =	sdelay $0x1  }
0xac: {  	s5 =	simm.s32 @p0 $0x1B8D  }
0xad: {  	_ =	swait.eq @p0 [sflag:s5], $0x1  }
0xae: {  	[sflag:s5] =	ssyncadd.s32 @p0 $0xFFFFFFFF  }
0xaf: {  	s6 =	sshll.u32 @!p0 s1, $0xE  }
0xb0: {  	s6 =	sor.u32 @!p0 $0x4000, s6;
	s5 =	simm.s32 @!p0 $0x1B8D  }
0xb1: {  	s4 =	sshll.u32 @!p0 s4, $0x11;
	s6 =	sadd.s32 @!p0 $0x11B8D, s6;
	_ =	swait.eq @!p0 [sflag:s5], $0x1  }
0xb2: {  	s4 =	sor.u32 @!p0 s4, s6;
	[sflag:s5] =	ssyncadd.s32 @!p0 $0xFFFFFFFF  }
0xb3: {  	s25 =	simm.s32 $0x1B8E;
	s24 =	sld [smem:$0x3FFE];
	[sflag:s4] =	ssyncadd.remote.s32 @!p0 $0x1  }
0xb4: {  	s26 =	simm.s32 $execute0_lowered;
	[smem:$0x3FD2] =	sst s25  }
0xb5: {  	s5 =	sshll.u32 s26, $0x1;
	_ =	strace $0x80000049;
	[dreg:$0x1] =	wrdreg $0xFFFFFFFF  }
0xb6: {  	s28 =	simm.s32 $_size_execute0_lowered;
	s3 =	sadd.s32 s3, s5;
	[dreg:$0x0] =	wrdreg $0x0  }
0xb7: {  	s5 =	sshll.u32 s28, $0x1;
	[dreg:$0x2] =	wrdreg s3  }
0xb8: {  	[dreg:$0x3] =	wrdreg s5  }
0xb9: {  	[dreg:$0x4] =	wrdreg $0xC0  }
0xba: {  	_ =	task [dreg:s22], $0x5FFFF  }
0xbb: {  	[dreg:$0x1] =	wrdreg $0xFFFFFFFF  }
0xbc: {  	[dreg:$0x0] =	wrdreg $0x60  }
0xbd: {  	[dreg:$0x2] =	wrdreg s24  }
0xbe: {  	[dreg:$0x3] =	wrdreg $0x9  }
0xbf: {  	_ =	task.clear_ibuf [dreg:s22], $0x4FFFF;
	_ =	strace $0x90000049  }
0xc0: {  	s29 =	simm.s32 $0x9;
	_ =	strace $0x8000004B  }
0xc1: {  	_ =	swait.ge [sflag:s29], $0x1  }
0xc2: {  	[sflag:s29] =	ssyncadd.s32 $0xFFFFFFFF  }
0xc3: {  	_ =	strace $0x9000004B  }
0xc4: {  	_ =	sfence  }
0xc5: {  	s30 =	sld [smem:$0x0];
	_ =	sdelay $0x2  }
0xc6: {  	s31 =	sshll.u32 s1, $0xD;
	s1 =	sshrl.u32 s1, $0x2  }
0xc7: {  	s4 =	sand.u32 $0x4000, s31;
	s1 =	sadd.s32 s1, s30  }
0xc8: {  	s0 =	sor.u32 s4, s0;
	s1 =	sshll.u32 s1, $0x11  }
0xc9: {  	s0 =	sor.u32 s1, s0  }
0xca: {  	s0 =	sadd.s32 $0x8F2B, s0  }
0xcb: {  	[sflag:s0] =	ssyncadd.remote.s32 $0x1  }
0xcc: {  	_ =	sfence.sel $0xFFFF  }
0xcd: {  	[dreg:$0x0] =	wrdreg $0xFFFFFFFF;
	(pc) =	sbr.abs _section_cstart, $3  }
0xce: {  	[dreg:$0x1] =	wrdreg $0xFFFFFFFF  }
0xcf: {  	_ =	task.clear_ibuf [dreg:s22], $0x2FFFF;
	_ =	strace $0x9FFFFFFF  }
0xd0: {  	(tm) =	ssettm $0x7FFFFFFF  }
0xd1: {  	_ =	shalt  }
tec
execute0_lowered:
.L_overlay_start_1:
0x0: {  	(tag) =	ssettag $0x1  }
0x1: {  	s0 =	rddreg [dreg:$0x0];
	s1 =	simm.s32 $0x0  }
0x2: {  	s3 =	srdreg.scid;
	s13 =	stileid.u32;
	s15 =	simm.s32 $0x7  }
0x3: {  	s16 =	simm.s32 $0x4000;
	s17 =	simm.s32 $0x8000;
	s18 =	simm.s32 $0xC000  }
0x4: {  	s28 =	simm.s32 $0x10100;
	s29 =	simm.s32 $0x4;
	s30 =	simm.s32 $0x5  }
0x5: {  	s31 =	simm.s32 $0x6;
	s2 =	sadd.s32 $0x88F600, s0;
	s5 =	sadd.s32 $0x8CF600, s0  }
0x6: {  	[smem:$0x7FF] =	sst s1;
	s4 =	sadd.s32 $0x4C600, s0;
	s19 =	sadd.s32 $0x8D7600, s0  }
0x7: {  	v0 =	vlaneseq.u32;
	s3 =	sand.u32 $0x1, s3;
	s8 =	sshll.u32 s13, $0xE;
	s11 =	sadd.s32 $0xCD7600, s0  }
0x8: {  	v0 =	vmul.u32 $0x80, v0;
	s20 =	sadd.s32 $0x4CE00, s0;
	_ =	strace $0x8000004A;
	[dreg:$0x2] =	wrdreg s4  }
0x9: {  	s0 =	sadd.s32 $0x4D600, s0;
	s24 =	sshll.u32 s13, $0x12;
	[dreg:$0x3] =	wrdreg s20  }
0xa: {  	v4 =	vimm.f32 $0.0e+00;
	s6 =	ssub.s32 $0x2, s3;
	s9 =	sshll.u32 s3, $0xD;
	[dreg:$0x4] =	wrdreg s0;
	v1 =	vor.u32 $0x1, v0  }
0xb: {  	s3 =	sshll.u32 s3, $0x11;
	s7 =	sshrl.u32 s6, $0x1;
	s12 =	sor.u32 s9, s8;
	v2 =	vor.u32 $0x2, v0;
	v3 =	vor.u32 $0x3, v0;
	v5 =	vor.u32 $0x800, v0  }
0xc: {  	s20 =	simm.s32 $0x1;
	v6 =	vor.u32 $0x801, v0;
	v7 =	vor.u32 $0x802, v0;
	v8 =	vor.u32 $0x803, v0;
	s10 =	ssub.s32 s6, s7;
	s21 =	sshrl.u32 s12, $0x3  }
0xd: {  	v9 =	vor.u32 $0x1000, v0;
	v10 =	vor.u32 $0x1001, v0;
	v11 =	vor.u32 $0x1002, v0;
	s8 =	sshll.u32 s12, $0x4;
	s25 =	sor.u32 $0x100, s12;
	s7 =	sadd.s32 s21, s5  }
0xe: {  	v12 =	vor.u32 $0x1003, v0;
	v13 =	vor.u32 $0x1800, v0;
	v14 =	vor.u32 $0x1801, v0;
	s22 =	sor.u32 $0x1F800, s8;
	s10 =	smax.u32 s10, $0x1;
	s26 =	sshrl.u32 s25, $0x3  }
0xf: {  	v15 =	vor.u32 $0x1802, v0;
	v16 =	vor.u32 $0x1803, v0;
	v17 =	vor.u32 $0x2000, v0;
	s21 =	simm.s32 $0x14100;
	s25 =	simm.s32 $0x2;
	s23 =	sadd.s32 s19, s22  }
0x10: {  	v18 =	vor.u32 $0x2001, v0;
	v19 =	vor.u32 $0x2002, v0;
	v20 =	vor.u32 $0x2003, v0;
	s0 =	sadd.s32 s11, s22;
	s11 =	sadd.s32 s24, s11;
	[dreg:$0x5] =	wrdreg s23  }
0x11: {  	v21 =	vor.u32 $0x2800, v0;
	v22 =	vor.u32 $0x2801, v0;
	v23 =	vor.u32 $0x2802, v0;
	s4 =	sadd.s32 $0x10, s7;
	s22 =	simm.s32 $0x80;
	[dreg:$0x6] =	wrdreg s0  }
0x12: {  	v24 =	vor.u32 $0x2803, v0;
	v25 =	vor.u32 $0x3000, v0;
	v26 =	vor.u32 $0x3001, v0;
	s11 =	sadd.s32 s3, s11;
	s0 =	sadd.s32 s24, s19;
	s19 =	simm.s32 $0xC080  }
0x13: {  	v27 =	vor.u32 $0x3002, v0;
	v28 =	vor.u32 $0x3003, v0;
	v29 =	vor.u32 $0x3800, v0;
	s23 =	simm.s32 $0xC100;
	s24 =	simm.s32 $0x3;
	s12 =	sadd.s32 s3, s0  }
0x14: {  	v30 =	vor.u32 $0x3801, v0;
	v31 =	vor.u32 $0x3802, v0;
	v32 =	vor.u32 $0x3803, v0;
	s3 =	sadd.s32 s26, s5;
	s26 =	simm.s32 $0x18100;
	s0 =	simm.s32 $0x0  }
.LBB2_1:
0x15: {  	s5 =	rddreg [dreg:$0x2]  }
0x16: {  	[tilespmem:s1], [sflag:$0x7] =	stream.linear.gather [hbm4b:s5+s1], $0x4000, $0x38;
	[tilespmem:$0x1C100] =	vst v63  }
0x17: {  	_ =	swait.ge [sflag:s15], $0x4000  }
0x18: {  	[sflag:s15] =	ssyncset.done $0x0  }
0x19: {  	s13 =	rddreg [dreg:$0x3];
	[sflag:s15] =	ssyncadd.s32 $0xFFFFC000  }
0x1a: {  	[tilespmem:s16], [sflag:$0x7] =	stream.linear.gather [hbm4b:s13+s1], $0x4000, $0x38;
	[tilespmem:$0x1C100] =	vst v63  }
0x1b: {  	_ =	swait.ge [sflag:s15], $0x4000  }
0x1c: {  	[sflag:s15] =	ssyncset.done $0x0  }
0x1d: {  	s14 =	rddreg [dreg:$0x4];
	[sflag:s15] =	ssyncadd.s32 $0xFFFFC000  }
0x1e: {  	[tilespmem:s17], [sflag:$0x7] =	stream.linear.gather [hbm4b:s14+s1], $0x4000, $0x38;
	[tilespmem:$0x1C100] =	vst v63  }
0x1f: {  	_ =	swait.ge [sflag:s15], $0x4000  }
0x20: {  	s5 =	simm.s32 $0x0;
	[sflag:s15] =	ssyncset.done $0x0  }
0x21: {  	s13 =	smov.u32 s4;
	s14 =	smov.u32 s3;
	[sflag:s15] =	ssyncadd.s32 $0xFFFFC000  }
0x22: {  	[tilespmem:s18], [sflag:$0x1] =	stream.linear.gather [hbm4b:s7+s1], $0x80, $0x38;
	[tilespmem:$0x1C100] =	vst v63  }
.LBB2_2:
0x23: {  	p0 =	seq.s32 s5, $0x0  }
0x24: {  	s6 =	simm.s32 @!p0 $0x4  }
0x25: {  	_ =	swait.ge @!p0 [sflag:s6], $0x4000  }
0x26: {  	[sflag:s6] =	ssyncset.done @!p0 $0x0  }
0x27: {  	[sflag:s6] =	ssyncadd.s32 @!p0 $0xFFFFC000;
	s6 =	sadd.s32 @!p0 s5, s12  }
0x28: {  	s8 =	simm.s32 @!p0 $0x0;
	s9 =	simm.s32 @!p0 $0x10100;
	s6 =	sadd.s32 @!p0 $0xFFFFF800, s6  }
0x29: {  	[hbm4b:s6+s8] =	stream.linear.scatter @!p0 [tilespmem:s9], [sflag:$0x6], $0x4000, $0x38;
	[tilespmem:$0x1C100] =	vst v63  }
0x2a: {  	s6 =	sadd.s32 @!p0 s5, s11  }
0x2b: {  	s9 =	simm.s32 @!p0 $0x18100;
	s6 =	sadd.s32 @!p0 $0xFFFFF800, s6  }
0x2c: {  	[hbm4b:s6+s8] =	stream.linear.scatter @!p0 [tilespmem:s9], [sflag:$0x6], $0x4000, $0x38;
	[tilespmem:$0x1C100] =	vst v63  }
0x2d: {  	s6 =	simm.s32 @!p0 $0x5  }
0x2e: {  	[tilespmem:s19], [sflag:$0x2] =	stream.linear.gather [hbm4b:s13+s1], $0x80, $0x38;
	[tilespmem:$0x1C100] =	vst v63  }
0x2f: {  	_ =	swait.ge @!p0 [sflag:s6], $0x4000  }
0x30: {  	[sflag:s6] =	ssyncset.done @!p0 $0x0  }
0x31: {  	[sflag:s6] =	ssyncadd.s32 @!p0 $0xFFFFC000  }
0x32: {  	_ =	swait.ge @!p0 [sflag:s6], $0x4000  }
0x33: {  	[sflag:s6] =	ssyncset.done @!p0 $0x0  }
0x34: {  	[sflag:s6] =	ssyncadd.s32 @!p0 $0xFFFFC000  }
0x35: {  	_ =	swait.ge [sflag:s20], $0x80  }
0x36: {  	[sflag:s20] =	ssyncset.done $0x0  }
0x37: {  	[sflag:s20] =	ssyncadd.s32 $0xFFFFFF80  }
0x38: {  	v33 =	vld [tilespmem:$0xC000];
	_ =	sdelay $0x7  }
0x39: {  	v34 =	vld.idx.msk [tilespmem:v33+s1+$0x0], $0xffff  }
0x3a: {  	v35 =	vld.idx.msk [tilespmem:v33+s16+$0x0], $0xffff  }
0x3b: {  	v33 =	vld.idx.msk [tilespmem:v33+s17+$0x0], $0xffff;
	_ =	sdelay $0x2  }
0x3c: {  	[tilespmem:v0+s21+$0x0] =	vst.idx.msk $0xffff, v34  }
0x3d: {  	[tilespmem:v1+s21+$0x0] =	vst.idx.msk $0xffff, v35  }
0x3e: {  	[tilespmem:v2+s21+$0x0] =	vst.idx.msk $0xffff, v33  }
0x3f: {  	[tilespmem:v3+s21+$0x0] =	vst.idx.msk $0xffff, v4  }
0x40: {  	v33 =	vld [tilespmem:$0xC010];
	_ =	sdelay $0x7  }
0x41: {  	v34 =	vld.idx.msk [tilespmem:v33+s1+$0x0], $0xffff  }
0x42: {  	v35 =	vld.idx.msk [tilespmem:v33+s16+$0x0], $0xffff  }
0x43: {  	v33 =	vld.idx.msk [tilespmem:v33+s17+$0x0], $0xffff;
	_ =	sdelay $0x2  }
0x44: {  	[tilespmem:v5+s21+$0x0] =	vst.idx.msk $0xffff, v34  }
0x45: {  	[tilespmem:v6+s21+$0x0] =	vst.idx.msk $0xffff, v35  }
0x46: {  	[tilespmem:v7+s21+$0x0] =	vst.idx.msk $0xffff, v33  }
0x47: {  	[tilespmem:v8+s21+$0x0] =	vst.idx.msk $0xffff, v4  }
0x48: {  	v33 =	vld [tilespmem:$0xC020];
	_ =	sdelay $0x7  }
0x49: {  	v34 =	vld.idx.msk [tilespmem:v33+s1+$0x0], $0xffff  }
0x4a: {  	v35 =	vld.idx.msk [tilespmem:v33+s16+$0x0], $0xffff  }
0x4b: {  	v33 =	vld.idx.msk [tilespmem:v33+s17+$0x0], $0xffff;
	_ =	sdelay $0x2  }
0x4c: {  	[tilespmem:v9+s21+$0x0] =	vst.idx.msk $0xffff, v34  }
0x4d: {  	[tilespmem:v10+s21+$0x0] =	vst.idx.msk $0xffff, v35  }
0x4e: {  	[tilespmem:v11+s21+$0x0] =	vst.idx.msk $0xffff, v33  }
0x4f: {  	[tilespmem:v12+s21+$0x0] =	vst.idx.msk $0xffff, v4  }
0x50: {  	v33 =	vld [tilespmem:$0xC030];
	_ =	sdelay $0x7  }
0x51: {  	v34 =	vld.idx.msk [tilespmem:v33+s1+$0x0], $0xffff  }
0x52: {  	v35 =	vld.idx.msk [tilespmem:v33+s16+$0x0], $0xffff  }
0x53: {  	v33 =	vld.idx.msk [tilespmem:v33+s17+$0x0], $0xffff;
	_ =	sdelay $0x2  }
0x54: {  	[tilespmem:v13+s21+$0x0] =	vst.idx.msk $0xffff, v34  }
0x55: {  	[tilespmem:v14+s21+$0x0] =	vst.idx.msk $0xffff, v35  }
0x56: {  	[tilespmem:v15+s21+$0x0] =	vst.idx.msk $0xffff, v33  }
0x57: {  	[tilespmem:v16+s21+$0x0] =	vst.idx.msk $0xffff, v4  }
0x58: {  	v33 =	vld [tilespmem:$0xC040];
	_ =	sdelay $0x7  }
0x59: {  	v34 =	vld.idx.msk [tilespmem:v33+s1+$0x0], $0xffff  }
0x5a: {  	v35 =	vld.idx.msk [tilespmem:v33+s16+$0x0], $0xffff  }
0x5b: {  	v33 =	vld.idx.msk [tilespmem:v33+s17+$0x0], $0xffff;
	_ =	sdelay $0x2  }
0x5c: {  	[tilespmem:v17+s21+$0x0] =	vst.idx.msk $0xffff, v34  }
0x5d: {  	[tilespmem:v18+s21+$0x0] =	vst.idx.msk $0xffff, v35  }
0x5e: {  	[tilespmem:v19+s21+$0x0] =	vst.idx.msk $0xffff, v33  }
0x5f: {  	[tilespmem:v20+s21+$0x0] =	vst.idx.msk $0xffff, v4  }
0x60: {  	v33 =	vld [tilespmem:$0xC050];
	_ =	sdelay $0x7  }
0x61: {  	v34 =	vld.idx.msk [tilespmem:v33+s1+$0x0], $0xffff  }
0x62: {  	v35 =	vld.idx.msk [tilespmem:v33+s16+$0x0], $0xffff  }
0x63: {  	v33 =	vld.idx.msk [tilespmem:v33+s17+$0x0], $0xffff;
	_ =	sdelay $0x2  }
0x64: {  	[tilespmem:v21+s21+$0x0] =	vst.idx.msk $0xffff, v34  }
0x65: {  	[tilespmem:v22+s21+$0x0] =	vst.idx.msk $0xffff, v35  }
0x66: {  	[tilespmem:v23+s21+$0x0] =	vst.idx.msk $0xffff, v33  }
0x67: {  	[tilespmem:v24+s21+$0x0] =	vst.idx.msk $0xffff, v4  }
0x68: {  	v33 =	vld [tilespmem:$0xC060];
	_ =	sdelay $0x7  }
0x69: {  	v34 =	vld.idx.msk [tilespmem:v33+s1+$0x0], $0xffff  }
0x6a: {  	v35 =	vld.idx.msk [tilespmem:v33+s16+$0x0], $0xffff  }
0x6b: {  	v33 =	vld.idx.msk [tilespmem:v33+s17+$0x0], $0xffff;
	_ =	sdelay $0x2  }
0x6c: {  	[tilespmem:v25+s21+$0x0] =	vst.idx.msk $0xffff, v34  }
0x6d: {  	[tilespmem:v26+s21+$0x0] =	vst.idx.msk $0xffff, v35  }
0x6e: {  	[tilespmem:v27+s21+$0x0] =	vst.idx.msk $0xffff, v33  }
0x6f: {  	[tilespmem:v28+s21+$0x0] =	vst.idx.msk $0xffff, v4  }
0x70: {  	v33 =	vld [tilespmem:$0xC070];
	_ =	sdelay $0x7  }
0x71: {  	v34 =	vld.idx.msk [tilespmem:v33+s1+$0x0], $0xffff  }
0x72: {  	v35 =	vld.idx.msk [tilespmem:v33+s16+$0x0], $0xffff  }
0x73: {  	v33 =	vld.idx.msk [tilespmem:v33+s17+$0x0], $0xffff;
	_ =	sdelay $0x2  }
0x74: {  	[tilespmem:v29+s21+$0x0] =	vst.idx.msk $0xffff, v34  }
0x75: {  	[tilespmem:v30+s21+$0x0] =	vst.idx.msk $0xffff, v35  }
0x76: {  	[tilespmem:v31+s21+$0x0] =	vst.idx.msk $0xffff, v33  }
0x77: {  	[tilespmem:v32+s21+$0x0] =	vst.idx.msk $0xffff, v4  }
0x78: {  	[tilespmem:s23], [sflag:$0x3] =	stream.indirect.gather [hbm4b:s2+s22], $0x80, s18, s22, $0xb8;
	[tilespmem:$0x1C100] =	vst v63  }
0x79: {  	_ =	swait.ge [sflag:s24], $0x4000  }
0x7a: {  	[sflag:s24] =	ssyncset.done $0x0  }
0x7b: {  	s8 =	sadd.s32 s5, s12;
	[sflag:s24] =	ssyncadd.s32 $0xFFFFC000  }
0x7c: {  	[hbm4b:s8+s1] =	stream.linear.scatter [tilespmem:s23], [sflag:$0x5], $0x4000, $0x38;
	[tilespmem:$0x1C100] =	vst v63  }
0x7d: {  	s9 =	sadd.s32 s5, s11;
	p0 =	seq.s32 s5, $0x1F000  }
0x7e: {  	[hbm4b:s9+s1] =	stream.linear.scatter [tilespmem:s21], [sflag:$0x5], $0x4000, $0x38;
	[tilespmem:$0x1C100] =	vst v63  }
0x7f: {  	p1 =	seq.s32 @!p0 s5, $0x0;
	s6 =	simm.s32 @!p0 $0x0;
	s8 =	simm.s32 @!p0 $0xC000  }
0x80: {  	[tilespmem:s8], [sflag:$0x1] =	stream.linear.gather @!p0 [hbm4b:s14+s6], $0x80, $0x38;
	[tilespmem:$0x1C100] =	vst v63  }
0x81: {  	p0 =	por p0, !p1  }
0x82: {  	_ =	swait.ge @p0 [sflag:s31], $0x4000  }
0x83: {  	[sflag:s31] =	ssyncset.done @p0 $0x0  }
0x84: {  	[sflag:s31] =	ssyncadd.s32 @p0 $0xFFFFC000  }
0x85: {  	_ =	swait.ge @p0 [sflag:s31], $0x4000  }
0x86: {  	[sflag:s31] =	ssyncset.done @p0 $0x0  }
0x87: {  	[sflag:s31] =	ssyncadd.s32 @p0 $0xFFFFC000  }
0x88: {  	_ =	swait.ge [sflag:s25], $0x80  }
0x89: {  	[sflag:s25] =	ssyncset.done $0x0  }
0x8a: {  	[sflag:s25] =	ssyncadd.s32 $0xFFFFFF80  }
0x8b: {  	v61 =	vld [tilespmem:$0xC080];
	_ =	sdelay $0x7  }
0x8c: {  	v62 =	vld.idx.msk [tilespmem:v61+s1+$0x0], $0xffff  }
0x8d: {  	v63 =	vld.idx.msk [tilespmem:v61+s16+$0x0], $0xffff  }
0x8e: {  	v33 =	vld.idx.msk [tilespmem:v61+s17+$0x0], $0xffff;
	_ =	sdelay $0x2  }
0x8f: {  	[tilespmem:v0+s26+$0x0] =	vst.idx.msk $0xffff, v62  }
0x90: {  	[tilespmem:v1+s26+$0x0] =	vst.idx.msk $0xffff, v63  }
0x91: {  	[tilespmem:v2+s26+$0x0] =	vst.idx.msk $0xffff, v33  }
0x92: {  	[tilespmem:v3+s26+$0x0] =	vst.idx.msk $0xffff, v4  }
0x93: {  	v33 =	vld [tilespmem:$0xC090];
	_ =	sdelay $0x7  }
0x94: {  	v34 =	vld.idx.msk [tilespmem:v33+s1+$0x0], $0xffff  }
0x95: {  	v35 =	vld.idx.msk [tilespmem:v33+s16+$0x0], $0xffff  }
0x96: {  	v33 =	vld.idx.msk [tilespmem:v33+s17+$0x0], $0xffff;
	_ =	sdelay $0x2  }
0x97: {  	[tilespmem:v5+s26+$0x0] =	vst.idx.msk $0xffff, v34  }
0x98: {  	[tilespmem:v6+s26+$0x0] =	vst.idx.msk $0xffff, v35  }
0x99: {  	[tilespmem:v7+s26+$0x0] =	vst.idx.msk $0xffff, v33  }
0x9a: {  	[tilespmem:v8+s26+$0x0] =	vst.idx.msk $0xffff, v4  }
0x9b: {  	v33 =	vld [tilespmem:$0xC0A0];
	_ =	sdelay $0x7  }
0x9c: {  	v34 =	vld.idx.msk [tilespmem:v33+s1+$0x0], $0xffff  }
0x9d: {  	v35 =	vld.idx.msk [tilespmem:v33+s16+$0x0], $0xffff  }
0x9e: {  	v33 =	vld.idx.msk [tilespmem:v33+s17+$0x0], $0xffff;
	_ =	sdelay $0x2  }
0x9f: {  	[tilespmem:v9+s26+$0x0] =	vst.idx.msk $0xffff, v34  }
0xa0: {  	[tilespmem:v10+s26+$0x0] =	vst.idx.msk $0xffff, v35  }
0xa1: {  	[tilespmem:v11+s26+$0x0] =	vst.idx.msk $0xffff, v33  }
0xa2: {  	[tilespmem:v12+s26+$0x0] =	vst.idx.msk $0xffff, v4  }
0xa3: {  	v33 =	vld [tilespmem:$0xC0B0];
	_ =	sdelay $0x7  }
0xa4: {  	v34 =	vld.idx.msk [tilespmem:v33+s1+$0x0], $0xffff  }
0xa5: {  	v35 =	vld.idx.msk [tilespmem:v33+s16+$0x0], $0xffff  }
0xa6: {  	v33 =	vld.idx.msk [tilespmem:v33+s17+$0x0], $0xffff;
	_ =	sdelay $0x2  }
0xa7: {  	[tilespmem:v13+s26+$0x0] =	vst.idx.msk $0xffff, v34  }
0xa8: {  	[tilespmem:v14+s26+$0x0] =	vst.idx.msk $0xffff, v35  }
0xa9: {  	[tilespmem:v15+s26+$0x0] =	vst.idx.msk $0xffff, v33  }
0xaa: {  	[tilespmem:v16+s26+$0x0] =	vst.idx.msk $0xffff, v4  }
0xab: {  	v33 =	vld [tilespmem:$0xC0C0];
	_ =	sdelay $0x7  }
0xac: {  	v34 =	vld.idx.msk [tilespmem:v33+s1+$0x0], $0xffff  }
0xad: {  	v35 =	vld.idx.msk [tilespmem:v33+s16+$0x0], $0xffff  }
0xae: {  	v33 =	vld.idx.msk [tilespmem:v33+s17+$0x0], $0xffff;
	_ =	sdelay $0x2  }
0xaf: {  	[tilespmem:v17+s26+$0x0] =	vst.idx.msk $0xffff, v34  }
0xb0: {  	[tilespmem:v18+s26+$0x0] =	vst.idx.msk $0xffff, v35  }
0xb1: {  	[tilespmem:v19+s26+$0x0] =	vst.idx.msk $0xffff, v33  }
0xb2: {  	[tilespmem:v20+s26+$0x0] =	vst.idx.msk $0xffff, v4  }
0xb3: {  	v33 =	vld [tilespmem:$0xC0D0];
	_ =	sdelay $0x7  }
0xb4: {  	v34 =	vld.idx.msk [tilespmem:v33+s1+$0x0], $0xffff  }
0xb5: {  	v35 =	vld.idx.msk [tilespmem:v33+s16+$0x0], $0xffff  }
0xb6: {  	v33 =	vld.idx.msk [tilespmem:v33+s17+$0x0], $0xffff;
	_ =	sdelay $0x2  }
0xb7: {  	[tilespmem:v21+s26+$0x0] =	vst.idx.msk $0xffff, v34  }
0xb8: {  	[tilespmem:v22+s26+$0x0] =	vst.idx.msk $0xffff, v35  }
0xb9: {  	[tilespmem:v23+s26+$0x0] =	vst.idx.msk $0xffff, v33  }
0xba: {  	[tilespmem:v24+s26+$0x0] =	vst.idx.msk $0xffff, v4  }
0xbb: {  	v33 =	vld [tilespmem:$0xC0E0];
	_ =	sdelay $0x7  }
0xbc: {  	v34 =	vld.idx.msk [tilespmem:v33+s1+$0x0], $0xffff  }
0xbd: {  	v35 =	vld.idx.msk [tilespmem:v33+s16+$0x0], $0xffff  }
0xbe: {  	v33 =	vld.idx.msk [tilespmem:v33+s17+$0x0], $0xffff;
	_ =	sdelay $0x2  }
0xbf: {  	[tilespmem:v25+s26+$0x0] =	vst.idx.msk $0xffff, v34  }
0xc0: {  	[tilespmem:v26+s26+$0x0] =	vst.idx.msk $0xffff, v35  }
0xc1: {  	[tilespmem:v27+s26+$0x0] =	vst.idx.msk $0xffff, v33  }
0xc2: {  	[tilespmem:v28+s26+$0x0] =	vst.idx.msk $0xffff, v4  }
0xc3: {  	v33 =	vld [tilespmem:$0xC0F0];
	_ =	sdelay $0x7  }
0xc4: {  	v34 =	vld.idx.msk [tilespmem:v33+s1+$0x0], $0xffff  }
0xc5: {  	v35 =	vld.idx.msk [tilespmem:v33+s16+$0x0], $0xffff  }
0xc6: {  	v33 =	vld.idx.msk [tilespmem:v33+s17+$0x0], $0xffff  }
0xc7: {  	s5 =	sadd.s32 $0x1000, s5  }
0xc8: {  	p0 =	sne.s32 s5, $0x20000  }
.Ltmp0:
0xc9: {  	[tilespmem:v29+s26+$0x0] =	vst.idx.msk $0xffff, v34;
	(pc) =	sbr.rel @p0 .LBB2_2-.Ltmp0, $4  }
0xca: {  	[tilespmem:v30+s26+$0x0] =	vst.idx.msk $0xffff, v35  }
0xcb: {  	[tilespmem:v31+s26+$0x0] =	vst.idx.msk $0xffff, v33  }
0xcc: {  	s13 =	sadd.s32 $0x20, s13;
	s14 =	sadd.s32 $0x20, s14;
	[tilespmem:v32+s26+$0x0] =	vst.idx.msk $0xffff, v4  }
0xcd: {  	[tilespmem:s28], [sflag:$0x4] =	stream.indirect.gather [hbm4b:s2+s22], $0x80, s19, s22, $0xb8;
	[tilespmem:$0x1C100] =	vst v63  }
0xce: {  	_ =	swait.ge [sflag:s29], $0x4000  }
0xcf: {  	[sflag:s29] =	ssyncset.done $0x0  }
0xd0: {  	s5 =	rddreg [dreg:$0x5];
	[sflag:s29] =	ssyncadd.s32 $0xFFFFC000  }
0xd1: {  	[hbm4b:s5+s1] =	stream.linear.scatter [tilespmem:s28], [sflag:$0x6], $0x4000, $0x38;
	[tilespmem:$0x1C100] =	vst v63  }
0xd2: {  	s14 =	rddreg [dreg:$0x6]  }
0xd3: {  	[hbm4b:s14+s1] =	stream.linear.scatter [tilespmem:s26], [sflag:$0x6], $0x4000, $0x38;
	[tilespmem:$0x1C100] =	vst v63  }
0xd4: {  	_ =	swait.ge [sflag:s30], $0x4000  }
0xd5: {  	[sflag:s30] =	ssyncset.done $0x0  }
0xd6: {  	[sflag:s30] =	ssyncadd.s32 $0xFFFFC000  }
0xd7: {  	_ =	swait.ge [sflag:s30], $0x4000  }
0xd8: {  	[sflag:s30] =	ssyncset.done $0x0  }
0xd9: {  	s0 =	sadd.s32 $0x1, s0;
	[sflag:s30] =	ssyncadd.s32 $0xFFFFC000  }
0xda: {  	p0 =	sne.s32 s0, s10;
	_ =	swait.ge [sflag:s31], $0x4000  }
.Ltmp1:
0xdb: {  	[sflag:s31] =	ssyncset.done $0x0;
	(pc) =	sbr.rel @p0 .LBB2_1-.Ltmp1, $4  }
0xdc: {  	[sflag:s31] =	ssyncadd.s32 $0xFFFFC000  }
0xdd: {  	_ =	swait.ge [sflag:s31], $0x4000  }
0xde: {  	[sflag:s31] =	ssyncset.done $0x0  }
0xdf: {  	[sflag:s31] =	ssyncadd.s32 $0xFFFFC000  }
0xe0: {  	_ =	sfence.sel $0x180000  }
0xe1: {  	[bflag:$0x0] =	sbarrier.arrive $0xFFFF  }
0xe2: {  	_ =	strace $0x9000004A  }
0xe3: {  	s0 =	stileid.u32;
	[bflag:$0x2] =	sbarrier.arrive $0xFFFF  }
0xe4: {  	p0 =	sne.s32 s0, $0x0;
	s0 =	rddreg [dreg:$0x1]  }
0xe5: {  	s0 =	sadd.s32 @!p0 $0x100000, s0  }
0xe6: {  	[sflag:s0] =	ssyncadd.tile.s32 @!p0 $0x1;
	_ =	shalt  }
.Lfunc_end2:
_tile_overlayer_lowered:
.L_overlay_start_2:
0xe7: {  	(tag) =	ssettag $0x2  }
0xe8: {  	s0 =	rddreg [dreg:$0x0];
	s2 =	stileid.u32  }
0xe9: {  	s1 =	rddreg [dreg:$0x1];
	p0 =	sne.s32 s2, $0x0  }
0xea: {  	s3 =	rddreg [dreg:$0x2];
	[bflag:$0x3] =	sbarrier.arrive $0xFFFF;
	s2 =	simm.s32 @!p0 $0x1C07  }
0xeb: {  	[timem:s3], [sflag:s2] =	dma.local @!p0 [hbm:s0], s1  }
0xec: {  	s0 =	simm.s32 @!p0 $0x7  }
0xed: {  	_ =	swait.ge @!p0 [sflag:s0], s1  }
0xee: {  	s1 =	ssub.s32 @!p0 $0x0, s1;
	[sflag:s0] =	ssyncset.done @!p0 $0x0  }
0xef: {  	[sflag:s0] =	ssyncadd.s32 @!p0 s1  }
0xf0: {  	[bflag:$0x3] =	sbarrier.arrive $0xFFFF  }
0xf1: {  	_ =	shalt  }

</sc_bundles>
